<compile_context>
chip_gen: v7x
topology: tpu7x:2x2x1
jax: 0.10.2.dev20260603
libtpu: 0.0.44.dev20260713+nightly
codegen_flags: <defaults>
</compile_context>

<pallas_src>
import functools

import jax
import jax.numpy as jnp
from jax import lax
from jax.experimental import pallas as pl
from jax.experimental.pallas import tpu as pltpu
from jax.experimental.pallas import tpu_sc as plsc

_NC, _NS = 2, 16
_NW = _NC * _NS
_SPLIT = 4
_CH = 8
_NBUF = 2


def kernel(r_idx, qkv):
    n, p3, w3, c = qkv.shape
    topk = r_idx.shape[-1]
    rows = n * p3
    out_rows = rows * topk
    rows_pt = out_rows // _NW
    sub_pt = rows_pt * _SPLIT

    table = qkv.reshape(rows * _SPLIT, w3 // _SPLIT, c)

    rif = r_idx.astype(jnp.int32).reshape(-1)
    gidx = rif + (jnp.arange(out_rows, dtype=jnp.int32) // (p3 * topk)) * p3
    sidx = (gidx[:, None] * _SPLIT + jnp.arange(_SPLIT, dtype=jnp.int32)).reshape(
        _NW, sub_pt)
    sidx1d = jnp.pad(sidx, ((0, 0), (0, 256 - sub_pt))).reshape(-1)

    mesh = plsc.VectorSubcoreMesh(
        core_axis_name="c", subcore_axis_name="s",
        num_cores=_NC, num_subcores=_NS,
    )

    @functools.partial(
        pl.kernel,
        out_type=jax.ShapeDtypeStruct(
            (out_rows * _SPLIT, w3 // _SPLIT, c), jnp.float32),
        mesh=mesh,
        compiler_params=pltpu.CompilerParams(use_tc_tiling_on_sc=True),
        scratch_types=[
            pltpu.VMEM((256,), jnp.int32),
            pltpu.VMEM((_NBUF, _CH, w3 // _SPLIT, c), jnp.float32),
            [pltpu.SemaphoreType.DMA] * _NBUF,
            [pltpu.SemaphoreType.DMA] * _NBUF,
        ],
    )
    def sc_gather(sidx_hbm, table_hbm, out_hbm, sidx_v, buf, gsems, ssems):
        wid = lax.axis_index("s") * _NC + lax.axis_index("c")
        pltpu.sync_copy(sidx_hbm.at[pl.ds(wid * 256, 256)], sidx_v)

        out_base = wid * sub_pt
        spans = [(s0, min(_CH, sub_pt - s0)) for s0 in range(0, sub_pt, _CH)]
        nch = len(spans)
        gath = [None] * _NBUF
        scat = [None] * _NBUF
        for g, (s0, sz) in enumerate(spans):
            b = g % _NBUF
            if g >= _NBUF:
                scat[b].wait()
            gath[b] = pltpu.async_copy(
                table_hbm.at[sidx_v.at[pl.ds(s0, sz)]],
                buf.at[b, pl.ds(0, sz)], gsems[b])
            if g >= 1:
                pb = (g - 1) % _NBUF
                p0, psz = spans[g - 1]
                gath[pb].wait()
                scat[pb] = pltpu.async_copy(
                    buf.at[pb, pl.ds(0, psz)],
                    out_hbm.at[pl.ds(out_base + p0, psz)],
                    ssems[pb])
        lb = (nch - 1) % _NBUF
        l0, lsz = spans[-1]
        gath[lb].wait()
        scat[lb] = pltpu.async_copy(
            buf.at[lb, pl.ds(0, lsz)],
            out_hbm.at[pl.ds(out_base + l0, lsz)],
            ssems[lb])
        for cch in range(max(0, nch - _NBUF), nch):
            scat[cch % _NBUF].wait()

    out = sc_gather(sidx1d, table)
    return out.reshape(n, p3, topk, w3, c)

# --- scband reference (transcript-rebuilt; emitter-appended) ---
"""Pipeline reference for scband-qkvgather-16569983828343 (READ-ONLY COPY).

The authoritative reference and input builder live on the scoring server;
editing this copy changes nothing except your own understanding.
"""

import jax, jax.numpy as jnp
import numpy as np


def setup_inputs(seed: int = 0) -> dict:
    key = jax.random.key(seed)
    k1, k2 = jax.random.split(key)
    n, p3, w3, c_kv = 8, 49, 64, 384
    topk = 4
    r_idx = jax.random.randint(k1, (n, p3, topk), 0, p3, dtype=jnp.int64) if jax.config.jax_enable_x64 else jax.random.randint(k1, (n, p3, topk), 0, p3, dtype=jnp.int32)
    qkv = jax.random.normal(k2, (n, p3, w3, c_kv), dtype=jnp.float32)
    return {"r_idx": r_idx, "qkv": qkv}


def reference(r_idx, qkv):
    # torch: gather(qkv.view(n,1,p3,w3,c).expand(n,p3,p3,w3,c), dim=2,
    #               index=r_idx.view(n,p3,topk,1,1).expand(...,w3,c))
    # Equivalent: out[b, i, t, w, c] = qkv[b, r_idx[b, i, t], w, c]
    n = qkv.shape[0]
    batch_ix = jnp.arange(n)[:, None, None]  # [n,1,1] broadcasts against r_idx [n,p3,topk]
    topk_qkv = qkv[batch_ix, r_idx]  # [n, p3, topk, w3, c_kv]
    return topk_qkv

if __name__ == "__main__":
    import jax
    _d = setup_inputs()
    print(jax.jit(kernel)(*tuple(_d.values())))

</pallas_src>

<mosaic_0001>
#map = affine_map<(d0, d1) -> (0)>
#map1 = affine_map<(d0, d1) -> (0, 0, 0)>
module attributes {stable_mosaic.version = 14 : i64} {
  func.func @sc_gather(%arg0: i32, %arg1: i32, %arg2: memref<8192xi32, #tpu.memory_space<hbm>>, %arg3: memref<1568x16x384xf32, #tpu.memory_space<hbm>>, %arg4: memref<6272x16x384xf32, #tpu.memory_space<hbm>>, %arg5: memref<256xi32, #tpu.memory_space<vmem>>, %arg6: memref<2x8x16x384xf32, #tpu.memory_space<vmem>>, %arg7: memref<!tpu.dma_semaphore, #tpu.memory_space<semaphore_mem>>, %arg8: memref<!tpu.dma_semaphore, #tpu.memory_space<semaphore_mem>>, %arg9: memref<!tpu.dma_semaphore, #tpu.memory_space<semaphore_mem>>, %arg10: memref<!tpu.dma_semaphore, #tpu.memory_space<semaphore_mem>>) attributes {dimension_semantics = [#tpu.dimension_semantics<core_parallel>, #tpu.dimension_semantics<subcore_parallel>], iteration_bounds = array<i64: 2, 16>, scalar_prefetch = 0 : i64, scratch_operands = 6 : i64, tpu.core_type = #tpu.core_type<sc_vector_subcore>, window_params = [{transform_indices = #map}, {transform_indices = #map1}, {transform_indices = #map1}]} {
    %mul3A = arith.constant 2 : i32
    %mul3A_0 = arith.muli %arg1, %mul3A : i32
    %add3A = arith.addi %mul3A_0, %arg0 : i32
    %mul3A_1 = arith.constant 256 : i32
    %mul3A_2 = arith.muli %add3A, %mul3A_1 : i32
    "tpu.region"() ({
      %run_scoped3A = tpu.sem_alloc : memref<!tpu.dma_semaphore, #tpu.memory_space<semaphore_mem>>
      %dma_start3A_1503 = tpu.memref_slice %arg2[%mul3A_2] : memref<8192xi32, #tpu.memory_space<hbm>> -> memref<256xi32, #tpu.memory_space<hbm>>
      %dma_start3A_1504 = tpu.memref_slice %arg2[%mul3A_2] : memref<8192xi32, #tpu.memory_space<hbm>> -> memref<256xi32, #tpu.memory_space<hbm>>
      tpu.enqueue_dma source(%dma_start3A_1504 : memref<256xi32, #tpu.memory_space<hbm>>) target(%arg5 : memref<256xi32, #tpu.memory_space<vmem>>) target_semaphore(%run_scoped3A : memref<!tpu.dma_semaphore, #tpu.memory_space<semaphore_mem>>)
      %dma_wait3A_1505 = tpu.memref_slice %arg2[%mul3A_2] : memref<8192xi32, #tpu.memory_space<hbm>> -> memref<256xi32, #tpu.memory_space<hbm>>
      %dma_wait3A_1506 = tpu.memref_slice %arg2[%mul3A_2] : memref<8192xi32, #tpu.memory_space<hbm>> -> memref<256xi32, #tpu.memory_space<hbm>>
      tpu.wait_dma2 semaphore(%run_scoped3A : memref<!tpu.dma_semaphore, #tpu.memory_space<semaphore_mem>>) src(%dma_wait3A_1506 : memref<256xi32, #tpu.memory_space<hbm>>) dst(%arg5 : memref<256xi32, #tpu.memory_space<vmem>>)
      tpu.yield
    }) : () -> ()
    %mul3A_3 = arith.constant 196 : i32
    %mul3A_4 = arith.muli %add3A, %mul3A_3 : i32
    %dma_start3A = arith.constant 0 : i32
    %dma_start3A_5 = arith.constant 0 : i32
    %dma_start3A_6 = arith.constant 0 : i32
    %dma_start3A_7 = arith.constant 0 : i32
    %dma_start3A_8 = tpu.memref_slice %arg6[%dma_start3A, %dma_start3A_5, %dma_start3A_6, %dma_start3A_7] : memref<2x8x16x384xf32, #tpu.memory_space<vmem>> -> memref<1x8x16x384xf32, #tpu.memory_space<vmem>>
    %dma_start3A_9 = tpu.memref_squeeze %dma_start3A_8 : memref<1x8x16x384xf32, #tpu.memory_space<vmem>> -> memref<8x16x384xf32, #tpu.memory_space<vmem>>
    %dma_start3A_10 = arith.constant 0 : i32
    %dma_start3A_11 = tpu.memref_slice %arg5[%dma_start3A_10] : memref<256xi32, #tpu.memory_space<vmem>> -> memref<8xi32, #tpu.memory_space<vmem>>
    %dma_start3A_12 = arith.constant 0 : i32
    %dma_start3A_13 = arith.constant 0 : i32
    %dma_start3A_14 = arith.constant 0 : i32
    %dma_start3A_15 = tpu.memref_slice %arg3[%dma_start3A_12, %dma_start3A_13, %dma_start3A_14] : memref<1568x16x384xf32, #tpu.memory_space<hbm>> -> memref<1568x16x384xf32, #tpu.memory_space<hbm>>
    tpu.enqueue_indirect_dma source(%dma_start3A_15 : memref<1568x16x384xf32, #tpu.memory_space<hbm>>) target(%dma_start3A_9 : memref<8x16x384xf32, #tpu.memory_space<vmem>>) offsets(%dma_start3A_11 : memref<8xi32, #tpu.memory_space<vmem>>) semaphore(%arg7 : memref<!tpu.dma_semaphore, #tpu.memory_space<semaphore_mem>>)
    %dma_start3A_16 = arith.constant 1 : i32
    %dma_start3A_17 = arith.constant 0 : i32
    %dma_start3A_18 = arith.constant 0 : i32
    %dma_start3A_19 = arith.constant 0 : i32
    %dma_start3A_20 = tpu.memref_slice %arg6[%dma_start3A_16, %dma_start3A_17, %dma_start3A_18, %dma_start3A_19] : memref<2x8x16x384xf32, #tpu.memory_space<vmem>> -> memref<1x8x16x384xf32, #tpu.memory_space<vmem>>
    %dma_start3A_21 = tpu.memref_squeeze %dma_start3A_20 : memref<1x8x16x384xf32, #tpu.memory_space<vmem>> -> memref<8x16x384xf32, #tpu.memory_space<vmem>>
    %dma_start3A_22 = arith.constant 8 : i32
    %dma_start3A_23 = tpu.memref_slice %arg5[%dma_start3A_22] : memref<256xi32, #tpu.memory_space<vmem>> -> memref<8xi32, #tpu.memory_space<vmem>>
    %dma_start3A_24 = arith.constant 0 : i32
    %dma_start3A_25 = arith.constant 0 : i32
    %dma_start3A_26 = arith.constant 0 : i32
    %dma_start3A_27 = tpu.memref_slice %arg3[%dma_start3A_24, %dma_start3A_25, %dma_start3A_26] : memref<1568x16x384xf32, #tpu.memory_space<hbm>> -> memref<1568x16x384xf32, #tpu.memory_space<hbm>>
    tpu.enqueue_indirect_dma source(%dma_start3A_27 : memref<1568x16x384xf32, #tpu.memory_space<hbm>>) target(%dma_start3A_21 : memref<8x16x384xf32, #tpu.memory_space<vmem>>) offsets(%dma_start3A_23 : memref<8xi32, #tpu.memory_space<vmem>>) semaphore(%arg8 : memref<!tpu.dma_semaphore, #tpu.memory_space<semaphore_mem>>)
    %dma_wait3A = arith.constant 0 : i32
    %dma_wait3A_28 = arith.constant 0 : i32
    %dma_wait3A_29 = arith.constant 0 : i32
    %dma_wait3A_30 = arith.constant 0 : i32
    %dma_wait3A_31 = tpu.memref_slice %arg6[%dma_wait3A, %dma_wait3A_28, %dma_wait3A_29, %dma_wait3A_30] : memref<2x8x16x384xf32, #tpu.memory_space<vmem>> -> memref<1x8x16x384xf32, #tpu.memory_space<vmem>>
    %dma_wait3A_32 = tpu.memref_squeeze %dma_wait3A_31 : memref<1x8x16x384xf32, #tpu.memory_space<vmem>> -> memref<8x16x384xf32, #tpu.memory_space<vmem>>
    %dma_wait3A_33 = arith.constant 0 : i32
    %dma_wait3A_34 = tpu.memref_slice %arg5[%dma_wait3A_33] : memref<256xi32, #tpu.memory_space<vmem>> -> memref<8xi32, #tpu.memory_space<vmem>>
    %dma_wait3A_35 = arith.constant 0 : i32
    %dma_wait3A_36 = arith.constant 0 : i32
    %dma_wait3A_37 = arith.constant 0 : i32
    %dma_wait3A_38 = tpu.memref_slice %arg3[%dma_wait3A_35, %dma_wait3A_36, %dma_wait3A_37] : memref<1568x16x384xf32, #tpu.memory_space<hbm>> -> memref<1568x16x384xf32, #tpu.memory_space<hbm>>
    tpu.wait_indirect_dma semaphore(%arg7 : memref<!tpu.dma_semaphore, #tpu.memory_space<semaphore_mem>>) src(%dma_wait3A_38 : memref<1568x16x384xf32, #tpu.memory_space<hbm>>) dst(%dma_wait3A_32 : memref<8x16x384xf32, #tpu.memory_space<vmem>>)
    %add3A_39 = arith.constant 0 : i32
    %add3A_40 = arith.addi %mul3A_4, %add3A_39 : i32
    %dma_start3A_41 = arith.constant 0 : i32
    %dma_start3A_42 = arith.constant 0 : i32
    %dma_start3A_43 = arith.constant 0 : i32
    %dma_start3A_44 = arith.constant 0 : i32
    %dma_start3A_45 = tpu.memref_slice %arg6[%dma_start3A_41, %dma_start3A_42, %dma_start3A_43, %dma_start3A_44] : memref<2x8x16x384xf32, #tpu.memory_space<vmem>> -> memref<1x8x16x384xf32, #tpu.memory_space<vmem>>
    %dma_start3A_46 = tpu.memref_squeeze %dma_start3A_45 : memref<1x8x16x384xf32, #tpu.memory_space<vmem>> -> memref<8x16x384xf32, #tpu.memory_space<vmem>>
    %dma_start3A_47 = arith.constant 0 : i32
    %dma_start3A_48 = arith.constant 0 : i32
    %dma_start3A_49 = tpu.memref_slice %arg4[%add3A_40, %dma_start3A_47, %dma_start3A_48] : memref<6272x16x384xf32, #tpu.memory_space<hbm>> -> memref<8x16x384xf32, #tpu.memory_space<hbm>>
    %dma_start3A_50 = arith.constant 0 : i32
    %dma_start3A_51 = arith.constant 0 : i32
    %dma_start3A_52 = tpu.memref_slice %arg4[%add3A_40, %dma_start3A_50, %dma_start3A_51] : memref<6272x16x384xf32, #tpu.memory_space<hbm>> -> memref<8x16x384xf32, #tpu.memory_space<hbm>>
    %dma_start3A_53 = arith.constant 0 : i32
    %dma_start3A_54 = arith.constant 0 : i32
    %dma_start3A_55 = arith.constant 0 : i32
    %dma_start3A_56 = tpu.memref_slice %arg6[%dma_start3A_41, %dma_start3A_53, %dma_start3A_54, %dma_start3A_55] : memref<2x8x16x384xf32, #tpu.memory_space<vmem>> -> memref<1x8x16x384xf32, #tpu.memory_space<vmem>>
    %dma_start3A_57 = tpu.memref_squeeze %dma_start3A_56 : memref<1x8x16x384xf32, #tpu.memory_space<vmem>> -> memref<8x16x384xf32, #tpu.memory_space<vmem>>
    tpu.enqueue_dma source(%dma_start3A_57 : memref<8x16x384xf32, #tpu.memory_space<vmem>>) target(%dma_start3A_52 : memref<8x16x384xf32, #tpu.memory_space<hbm>>) target_semaphore(%arg9 : memref<!tpu.dma_semaphore, #tpu.memory_space<semaphore_mem>>)
    %dma_wait3A_58 = arith.constant 0 : i32
    %dma_wait3A_59 = arith.constant 0 : i32
    %dma_wait3A_60 = arith.constant 0 : i32
    %dma_wait3A_61 = arith.constant 0 : i32
    %dma_wait3A_62 = tpu.memref_slice %arg6[%dma_wait3A_58, %dma_wait3A_59, %dma_wait3A_60, %dma_wait3A_61] : memref<2x8x16x384xf32, #tpu.memory_space<vmem>> -> memref<1x8x16x384xf32, #tpu.memory_space<vmem>>
    %dma_wait3A_63 = tpu.memref_squeeze %dma_wait3A_62 : memref<1x8x16x384xf32, #tpu.memory_space<vmem>> -> memref<8x16x384xf32, #tpu.memory_space<vmem>>
    %dma_wait3A_64 = arith.constant 0 : i32
    %dma_wait3A_65 = arith.constant 0 : i32
    %dma_wait3A_66 = tpu.memref_slice %arg4[%add3A_40, %dma_wait3A_64, %dma_wait3A_65] : memref<6272x16x384xf32, #tpu.memory_space<hbm>> -> memref<8x16x384xf32, #tpu.memory_space<hbm>>
    %dma_wait3A_67 = arith.constant 0 : i32
    %dma_wait3A_68 = arith.constant 0 : i32
    %dma_wait3A_69 = tpu.memref_slice %arg4[%add3A_40, %dma_wait3A_67, %dma_wait3A_68] : memref<6272x16x384xf32, #tpu.memory_space<hbm>> -> memref<8x16x384xf32, #tpu.memory_space<hbm>>
    %dma_wait3A_70 = arith.constant 0 : i32
    %dma_wait3A_71 = arith.constant 0 : i32
    %dma_wait3A_72 = arith.constant 0 : i32
    %dma_wait3A_73 = tpu.memref_slice %arg6[%dma_wait3A_58, %dma_wait3A_70, %dma_wait3A_71, %dma_wait3A_72] : memref<2x8x16x384xf32, #tpu.memory_space<vmem>> -> memref<1x8x16x384xf32, #tpu.memory_space<vmem>>
    %dma_wait3A_74 = tpu.memref_squeeze %dma_wait3A_73 : memref<1x8x16x384xf32, #tpu.memory_space<vmem>> -> memref<8x16x384xf32, #tpu.memory_space<vmem>>
    tpu.wait_dma2 semaphore(%arg9 : memref<!tpu.dma_semaphore, #tpu.memory_space<semaphore_mem>>) src(%dma_wait3A_74 : memref<8x16x384xf32, #tpu.memory_space<vmem>>) dst(%dma_wait3A_69 : memref<8x16x384xf32, #tpu.memory_space<hbm>>)
    %dma_start3A_75 = arith.constant 0 : i32
    %dma_start3A_76 = arith.constant 0 : i32
    %dma_start3A_77 = arith.constant 0 : i32
    %dma_start3A_78 = arith.constant 0 : i32
    %dma_start3A_79 = tpu.memref_slice %arg6[%dma_start3A_75, %dma_start3A_76, %dma_start3A_77, %dma_start3A_78] : memref<2x8x16x384xf32, #tpu.memory_space<vmem>> -> memref<1x8x16x384xf32, #tpu.memory_space<vmem>>
    %dma_start3A_80 = tpu.memref_squeeze %dma_start3A_79 : memref<1x8x16x384xf32, #tpu.memory_space<vmem>> -> memref<8x16x384xf32, #tpu.memory_space<vmem>>
    %dma_start3A_81 = arith.constant 16 : i32
    %dma_start3A_82 = tpu.memref_slice %arg5[%dma_start3A_81] : memref<256xi32, #tpu.memory_space<vmem>> -> memref<8xi32, #tpu.memory_space<vmem>>
    %dma_start3A_83 = arith.constant 0 : i32
    %dma_start3A_84 = arith.constant 0 : i32
    %dma_start3A_85 = arith.constant 0 : i32
    %dma_start3A_86 = tpu.memref_slice %arg3[%dma_start3A_83, %dma_start3A_84, %dma_start3A_85] : memref<1568x16x384xf32, #tpu.memory_space<hbm>> -> memref<1568x16x384xf32, #tpu.memory_space<hbm>>
    tpu.enqueue_indirect_dma source(%dma_start3A_86 : memref<1568x16x384xf32, #tpu.memory_space<hbm>>) target(%dma_start3A_80 : memref<8x16x384xf32, #tpu.memory_space<vmem>>) offsets(%dma_start3A_82 : memref<8xi32, #tpu.memory_space<vmem>>) semaphore(%arg7 : memref<!tpu.dma_semaphore, #tpu.memory_space<semaphore_mem>>)
    %dma_wait3A_87 = arith.constant 1 : i32
    %dma_wait3A_88 = arith.constant 0 : i32
    %dma_wait3A_89 = arith.constant 0 : i32
    %dma_wait3A_90 = arith.constant 0 : i32
    %dma_wait3A_91 = tpu.memref_slice %arg6[%dma_wait3A_87, %dma_wait3A_88, %dma_wait3A_89, %dma_wait3A_90] : memref<2x8x16x384xf32, #tpu.memory_space<vmem>> -> memref<1x8x16x384xf32, #tpu.memory_space<vmem>>
    %dma_wait3A_92 = tpu.memref_squeeze %dma_wait3A_91 : memref<1x8x16x384xf32, #tpu.memory_space<vmem>> -> memref<8x16x384xf32, #tpu.memory_space<vmem>>
    %dma_wait3A_93 = arith.constant 8 : i32
    %dma_wait3A_94 = tpu.memref_slice %arg5[%dma_wait3A_93] : memref<256xi32, #tpu.memory_space<vmem>> -> memref<8xi32, #tpu.memory_space<vmem>>
    %dma_wait3A_95 = arith.constant 0 : i32
    %dma_wait3A_96 = arith.constant 0 : i32
    %dma_wait3A_97 = arith.constant 0 : i32
    %dma_wait3A_98 = tpu.memref_slice %arg3[%dma_wait3A_95, %dma_wait3A_96, %dma_wait3A_97] : memref<1568x16x384xf32, #tpu.memory_space<hbm>> -> memref<1568x16x384xf32, #tpu.memory_space<hbm>>
    tpu.wait_indirect_dma semaphore(%arg8 : memref<!tpu.dma_semaphore, #tpu.memory_space<semaphore_mem>>) src(%dma_wait3A_98 : memref<1568x16x384xf32, #tpu.memory_space<hbm>>) dst(%dma_wait3A_92 : memref<8x16x384xf32, #tpu.memory_space<vmem>>)
    %add3A_99 = arith.constant 8 : i32
    %add3A_100 = arith.addi %mul3A_4, %add3A_99 : i32
    %dma_start3A_101 = arith.constant 1 : i32
    %dma_start3A_102 = arith.constant 0 : i32
    %dma_start3A_103 = arith.constant 0 : i32
    %dma_start3A_104 = arith.constant 0 : i32
    %dma_start3A_105 = tpu.memref_slice %arg6[%dma_start3A_101, %dma_start3A_102, %dma_start3A_103, %dma_start3A_104] : memref<2x8x16x384xf32, #tpu.memory_space<vmem>> -> memref<1x8x16x384xf32, #tpu.memory_space<vmem>>
    %dma_start3A_106 = tpu.memref_squeeze %dma_start3A_105 : memref<1x8x16x384xf32, #tpu.memory_space<vmem>> -> memref<8x16x384xf32, #tpu.memory_space<vmem>>
    %dma_start3A_107 = arith.constant 0 : i32
    %dma_start3A_108 = arith.constant 0 : i32
    %dma_start3A_109 = tpu.memref_slice %arg4[%add3A_100, %dma_start3A_107, %dma_start3A_108] : memref<6272x16x384xf32, #tpu.memory_space<hbm>> -> memref<8x16x384xf32, #tpu.memory_space<hbm>>
    %dma_start3A_110 = arith.constant 0 : i32
    %dma_start3A_111 = arith.constant 0 : i32
    %dma_start3A_112 = tpu.memref_slice %arg4[%add3A_100, %dma_start3A_110, %dma_start3A_111] : memref<6272x16x384xf32, #tpu.memory_space<hbm>> -> memref<8x16x384xf32, #tpu.memory_space<hbm>>
    %dma_start3A_113 = arith.constant 0 : i32
    %dma_start3A_114 = arith.constant 0 : i32
    %dma_start3A_115 = arith.constant 0 : i32
    %dma_start3A_116 = tpu.memref_slice %arg6[%dma_start3A_101, %dma_start3A_113, %dma_start3A_114, %dma_start3A_115] : memref<2x8x16x384xf32, #tpu.memory_space<vmem>> -> memref<1x8x16x384xf32, #tpu.memory_space<vmem>>
    %dma_start3A_117 = tpu.memref_squeeze %dma_start3A_116 : memref<1x8x16x384xf32, #tpu.memory_space<vmem>> -> memref<8x16x384xf32, #tpu.memory_space<vmem>>
    tpu.enqueue_dma source(%dma_start3A_117 : memref<8x16x384xf32, #tpu.memory_space<vmem>>) target(%dma_start3A_112 : memref<8x16x384xf32, #tpu.memory_space<hbm>>) target_semaphore(%arg10 : memref<!tpu.dma_semaphore, #tpu.memory_space<semaphore_mem>>)
    %dma_wait3A_118 = arith.constant 1 : i32
    %dma_wait3A_119 = arith.constant 0 : i32
    %dma_wait3A_120 = arith.constant 0 : i32
    %dma_wait3A_121 = arith.constant 0 : i32
    %dma_wait3A_122 = tpu.memref_slice %arg6[%dma_wait3A_118, %dma_wait3A_119, %dma_wait3A_120, %dma_wait3A_121] : memref<2x8x16x384xf32, #tpu.memory_space<vmem>> -> memref<1x8x16x384xf32, #tpu.memory_space<vmem>>
    %dma_wait3A_123 = tpu.memref_squeeze %dma_wait3A_122 : memref<1x8x16x384xf32, #tpu.memory_space<vmem>> -> memref<8x16x384xf32, #tpu.memory_space<vmem>>
    %dma_wait3A_124 = arith.constant 0 : i32
    %dma_wait3A_125 = arith.constant 0 : i32
    %dma_wait3A_126 = tpu.memref_slice %arg4[%add3A_100, %dma_wait3A_124, %dma_wait3A_125] : memref<6272x16x384xf32, #tpu.memory_space<hbm>> -> memref<8x16x384xf32, #tpu.memory_space<hbm>>
    %dma_wait3A_127 = arith.constant 0 : i32
    %dma_wait3A_128 = arith.constant 0 : i32
    %dma_wait3A_129 = tpu.memref_slice %arg4[%add3A_100, %dma_wait3A_127, %dma_wait3A_128] : memref<6272x16x384xf32, #tpu.memory_space<hbm>> -> memref<8x16x384xf32, #tpu.memory_space<hbm>>
    %dma_wait3A_130 = arith.constant 0 : i32
    %dma_wait3A_131 = arith.constant 0 : i32
    %dma_wait3A_132 = arith.constant 0 : i32
    %dma_wait3A_133 = tpu.memref_slice %arg6[%dma_wait3A_118, %dma_wait3A_130, %dma_wait3A_131, %dma_wait3A_132] : memref<2x8x16x384xf32, #tpu.memory_space<vmem>> -> memref<1x8x16x384xf32, #tpu.memory_space<vmem>>
    %dma_wait3A_134 = tpu.memref_squeeze %dma_wait3A_133 : memref<1x8x16x384xf32, #tpu.memory_space<vmem>> -> memref<8x16x384xf32, #tpu.memory_space<vmem>>
    tpu.wait_dma2 semaphore(%arg10 : memref<!tpu.dma_semaphore, #tpu.memory_space<semaphore_mem>>) src(%dma_wait3A_134 : memref<8x16x384xf32, #tpu.memory_space<vmem>>) dst(%dma_wait3A_129 : memref<8x16x384xf32, #tpu.memory_space<hbm>>)
    %dma_start3A_135 = arith.constant 1 : i32
    %dma_start3A_136 = arith.constant 0 : i32
    %dma_start3A_137 = arith.constant 0 : i32
    %dma_start3A_138 = arith.constant 0 : i32
    %dma_start3A_139 = tpu.memref_slice %arg6[%dma_start3A_135, %dma_start3A_136, %dma_start3A_137, %dma_start3A_138] : memref<2x8x16x384xf32, #tpu.memory_space<vmem>> -> memref<1x8x16x384xf32, #tpu.memory_space<vmem>>
    %dma_start3A_140 = tpu.memref_squeeze %dma_start3A_139 : memref<1x8x16x384xf32, #tpu.memory_space<vmem>> -> memref<8x16x384xf32, #tpu.memory_space<vmem>>
    %dma_start3A_141 = arith.constant 24 : i32
    %dma_start3A_142 = tpu.memref_slice %arg5[%dma_start3A_141] : memref<256xi32, #tpu.memory_space<vmem>> -> memref<8xi32, #tpu.memory_space<vmem>>
    %dma_start3A_143 = arith.constant 0 : i32
    %dma_start3A_144 = arith.constant 0 : i32
    %dma_start3A_145 = arith.constant 0 : i32
    %dma_start3A_146 = tpu.memref_slice %arg3[%dma_start3A_143, %dma_start3A_144, %dma_start3A_145] : memref<1568x16x384xf32, #tpu.memory_space<hbm>> -> memref<1568x16x384xf32, #tpu.memory_space<hbm>>
    tpu.enqueue_indirect_dma source(%dma_start3A_146 : memref<1568x16x384xf32, #tpu.memory_space<hbm>>) target(%dma_start3A_140 : memref<8x16x384xf32, #tpu.memory_space<vmem>>) offsets(%dma_start3A_142 : memref<8xi32, #tpu.memory_space<vmem>>) semaphore(%arg8 : memref<!tpu.dma_semaphore, #tpu.memory_space<semaphore_mem>>)
    %dma_wait3A_147 = arith.constant 0 : i32
    %dma_wait3A_148 = arith.constant 0 : i32
    %dma_wait3A_149 = arith.constant 0 : i32
    %dma_wait3A_150 = arith.constant 0 : i32
    %dma_wait3A_151 = tpu.memref_slice %arg6[%dma_wait3A_147, %dma_wait3A_148, %dma_wait3A_149, %dma_wait3A_150] : memref<2x8x16x384xf32, #tpu.memory_space<vmem>> -> memref<1x8x16x384xf32, #tpu.memory_space<vmem>>
    %dma_wait3A_152 = tpu.memref_squeeze %dma_wait3A_151 : memref<1x8x16x384xf32, #tpu.memory_space<vmem>> -> memref<8x16x384xf32, #tpu.memory_space<vmem>>
    %dma_wait3A_153 = arith.constant 16 : i32
    %dma_wait3A_154 = tpu.memref_slice %arg5[%dma_wait3A_153] : memref<256xi32, #tpu.memory_space<vmem>> -> memref<8xi32, #tpu.memory_space<vmem>>
    %dma_wait3A_155 = arith.constant 0 : i32
    %dma_wait3A_156 = arith.constant 0 : i32
    %dma_wait3A_157 = arith.constant 0 : i32
    %dma_wait3A_158 = tpu.memref_slice %arg3[%dma_wait3A_155, %dma_wait3A_156, %dma_wait3A_157] : memref<1568x16x384xf32, #tpu.memory_space<hbm>> -> memref<1568x16x384xf32, #tpu.memory_space<hbm>>
    tpu.wait_indirect_dma semaphore(%arg7 : memref<!tpu.dma_semaphore, #tpu.memory_space<semaphore_mem>>) src(%dma_wait3A_158 : memref<1568x16x384xf32, #tpu.memory_space<hbm>>) dst(%dma_wait3A_152 : memref<8x16x384xf32, #tpu.memory_space<vmem>>)
    %add3A_159 = arith.constant 16 : i32
    %add3A_160 = arith.addi %mul3A_4, %add3A_159 : i32
    %dma_start3A_161 = arith.constant 0 : i32
    %dma_start3A_162 = arith.constant 0 : i32
    %dma_start3A_163 = arith.constant 0 : i32
    %dma_start3A_164 = arith.constant 0 : i32
    %dma_start3A_165 = tpu.memref_slice %arg6[%dma_start3A_161, %dma_start3A_162, %dma_start3A_163, %dma_start3A_164] : memref<2x8x16x384xf32, #tpu.memory_space<vmem>> -> memref<1x8x16x384xf32, #tpu.memory_space<vmem>>
    %dma_start3A_166 = tpu.memref_squeeze %dma_start3A_165 : memref<1x8x16x384xf32, #tpu.memory_space<vmem>> -> memref<8x16x384xf32, #tpu.memory_space<vmem>>
    %dma_start3A_167 = arith.constant 0 : i32
    %dma_start3A_168 = arith.constant 0 : i32
    %dma_start3A_169 = tpu.memref_slice %arg4[%add3A_160, %dma_start3A_167, %dma_start3A_168] : memref<6272x16x384xf32, #tpu.memory_space<hbm>> -> memref<8x16x384xf32, #tpu.memory_space<hbm>>
    %dma_start3A_170 = arith.constant 0 : i32
    %dma_start3A_171 = arith.constant 0 : i32
    %dma_start3A_172 = tpu.memref_slice %arg4[%add3A_160, %dma_start3A_170, %dma_start3A_171] : memref<6272x16x384xf32, #tpu.memory_space<hbm>> -> memref<8x16x384xf32, #tpu.memory_space<hbm>>
    %dma_start3A_173 = arith.constant 0 : i32
    %dma_start3A_174 = arith.constant 0 : i32
    %dma_start3A_175 = arith.constant 0 : i32
    %dma_start3A_176 = tpu.memref_slice %arg6[%dma_start3A_161, %dma_start3A_173, %dma_start3A_174, %dma_start3A_175] : memref<2x8x16x384xf32, #tpu.memory_space<vmem>> -> memref<1x8x16x384xf32, #tpu.memory_space<vmem>>
    %dma_start3A_177 = tpu.memref_squeeze %dma_start3A_176 : memref<1x8x16x384xf32, #tpu.memory_space<vmem>> -> memref<8x16x384xf32, #tpu.memory_space<vmem>>
    tpu.enqueue_dma source(%dma_start3A_177 : memref<8x16x384xf32, #tpu.memory_space<vmem>>) target(%dma_start3A_172 : memref<8x16x384xf32, #tpu.memory_space<hbm>>) target_semaphore(%arg9 : memref<!tpu.dma_semaphore, #tpu.memory_space<semaphore_mem>>)
    %dma_wait3A_178 = arith.constant 0 : i32
    %dma_wait3A_179 = arith.constant 0 : i32
    %dma_wait3A_180 = arith.constant 0 : i32
    %dma_wait3A_181 = arith.constant 0 : i32
    %dma_wait3A_182 = tpu.memref_slice %arg6[%dma_wait3A_178, %dma_wait3A_179, %dma_wait3A_180, %dma_wait3A_181] : memref<2x8x16x384xf32, #tpu.memory_space<vmem>> -> memref<1x8x16x384xf32, #tpu.memory_space<vmem>>
    %dma_wait3A_183 = tpu.memref_squeeze %dma_wait3A_182 : memref<1x8x16x384xf32, #tpu.memory_space<vmem>> -> memref<8x16x384xf32, #tpu.memory_space<vmem>>
    %dma_wait3A_184 = arith.constant 0 : i32
    %dma_wait3A_185 = arith.constant 0 : i32
    %dma_wait3A_186 = tpu.memref_slice %arg4[%add3A_160, %dma_wait3A_184, %dma_wait3A_185] : memref<6272x16x384xf32, #tpu.memory_space<hbm>> -> memref<8x16x384xf32, #tpu.memory_space<hbm>>
    %dma_wait3A_187 = arith.constant 0 : i32
    %dma_wait3A_188 = arith.constant 0 : i32
    %dma_wait3A_189 = tpu.memref_slice %arg4[%add3A_160, %dma_wait3A_187, %dma_wait3A_188] : memref<6272x16x384xf32, #tpu.memory_space<hbm>> -> memref<8x16x384xf32, #tpu.memory_space<hbm>>
    %dma_wait3A_190 = arith.constant 0 : i32
    %dma_wait3A_191 = arith.constant 0 : i32
    %dma_wait3A_192 = arith.constant 0 : i32
    %dma_wait3A_193 = tpu.memref_slice %arg6[%dma_wait3A_178, %dma_wait3A_190, %dma_wait3A_191, %dma_wait3A_192] : memref<2x8x16x384xf32, #tpu.memory_space<vmem>> -> memref<1x8x16x384xf32, #tpu.memory_space<vmem>>
    %dma_wait3A_194 = tpu.memref_squeeze %dma_wait3A_193 : memref<1x8x16x384xf32, #tpu.memory_space<vmem>> -> memref<8x16x384xf32, #tpu.memory_space<vmem>>
    tpu.wait_dma2 semaphore(%arg9 : memref<!tpu.dma_semaphore, #tpu.memory_space<semaphore_mem>>) src(%dma_wait3A_194 : memref<8x16x384xf32, #tpu.memory_space<vmem>>) dst(%dma_wait3A_189 : memref<8x16x384xf32, #tpu.memory_space<hbm>>)
    %dma_start3A_195 = arith.constant 0 : i32
    %dma_start3A_196 = arith.constant 0 : i32
    %dma_start3A_197 = arith.constant 0 : i32
    %dma_start3A_198 = arith.constant 0 : i32
    %dma_start3A_199 = tpu.memref_slice %arg6[%dma_start3A_195, %dma_start3A_196, %dma_start3A_197, %dma_start3A_198] : memref<2x8x16x384xf32, #tpu.memory_space<vmem>> -> memref<1x8x16x384xf32, #tpu.memory_space<vmem>>
    %dma_start3A_200 = tpu.memref_squeeze %dma_start3A_199 : memref<1x8x16x384xf32, #tpu.memory_space<vmem>> -> memref<8x16x384xf32, #tpu.memory_space<vmem>>
    %dma_start3A_201 = arith.constant 32 : i32
    %dma_start3A_202 = tpu.memref_slice %arg5[%dma_start3A_201] : memref<256xi32, #tpu.memory_space<vmem>> -> memref<8xi32, #tpu.memory_space<vmem>>
    %dma_start3A_203 = arith.constant 0 : i32
    %dma_start3A_204 = arith.constant 0 : i32
    %dma_start3A_205 = arith.constant 0 : i32
    %dma_start3A_206 = tpu.memref_slice %arg3[%dma_start3A_203, %dma_start3A_204, %dma_start3A_205] : memref<1568x16x384xf32, #tpu.memory_space<hbm>> -> memref<1568x16x384xf32, #tpu.memory_space<hbm>>
    tpu.enqueue_indirect_dma source(%dma_start3A_206 : memref<1568x16x384xf32, #tpu.memory_space<hbm>>) target(%dma_start3A_200 : memref<8x16x384xf32, #tpu.memory_space<vmem>>) offsets(%dma_start3A_202 : memref<8xi32, #tpu.memory_space<vmem>>) semaphore(%arg7 : memref<!tpu.dma_semaphore, #tpu.memory_space<semaphore_mem>>)
    %dma_wait3A_207 = arith.constant 1 : i32
    %dma_wait3A_208 = arith.constant 0 : i32
    %dma_wait3A_209 = arith.constant 0 : i32
    %dma_wait3A_210 = arith.constant 0 : i32
    %dma_wait3A_211 = tpu.memref_slice %arg6[%dma_wait3A_207, %dma_wait3A_208, %dma_wait3A_209, %dma_wait3A_210] : memref<2x8x16x384xf32, #tpu.memory_space<vmem>> -> memref<1x8x16x384xf32, #tpu.memory_space<vmem>>
    %dma_wait3A_212 = tpu.memref_squeeze %dma_wait3A_211 : memref<1x8x16x384xf32, #tpu.memory_space<vmem>> -> memref<8x16x384xf32, #tpu.memory_space<vmem>>
    %dma_wait3A_213 = arith.constant 24 : i32
    %dma_wait3A_214 = tpu.memref_slice %arg5[%dma_wait3A_213] : memref<256xi32, #tpu.memory_space<vmem>> -> memref<8xi32, #tpu.memory_space<vmem>>
    %dma_wait3A_215 = arith.constant 0 : i32
    %dma_wait3A_216 = arith.constant 0 : i32
    %dma_wait3A_217 = arith.constant 0 : i32
    %dma_wait3A_218 = tpu.memref_slice %arg3[%dma_wait3A_215, %dma_wait3A_216, %dma_wait3A_217] : memref<1568x16x384xf32, #tpu.memory_space<hbm>> -> memref<1568x16x384xf32, #tpu.memory_space<hbm>>
    tpu.wait_indirect_dma semaphore(%arg8 : memref<!tpu.dma_semaphore, #tpu.memory_space<semaphore_mem>>) src(%dma_wait3A_218 : memref<1568x16x384xf32, #tpu.memory_space<hbm>>) dst(%dma_wait3A_212 : memref<8x16x384xf32, #tpu.memory_space<vmem>>)
    %add3A_219 = arith.constant 24 : i32
    %add3A_220 = arith.addi %mul3A_4, %add3A_219 : i32
    %dma_start3A_221 = arith.constant 1 : i32
    %dma_start3A_222 = arith.constant 0 : i32
    %dma_start3A_223 = arith.constant 0 : i32
    %dma_start3A_224 = arith.constant 0 : i32
    %dma_start3A_225 = tpu.memref_slice %arg6[%dma_start3A_221, %dma_start3A_222, %dma_start3A_223, %dma_start3A_224] : memref<2x8x16x384xf32, #tpu.memory_space<vmem>> -> memref<1x8x16x384xf32, #tpu.memory_space<vmem>>
    %dma_start3A_226 = tpu.memref_squeeze %dma_start3A_225 : memref<1x8x16x384xf32, #tpu.memory_space<vmem>> -> memref<8x16x384xf32, #tpu.memory_space<vmem>>
    %dma_start3A_227 = arith.constant 0 : i32
    %dma_start3A_228 = arith.constant 0 : i32
    %dma_start3A_229 = tpu.memref_slice %arg4[%add3A_220, %dma_start3A_227, %dma_start3A_228] : memref<6272x16x384xf32, #tpu.memory_space<hbm>> -> memref<8x16x384xf32, #tpu.memory_space<hbm>>
    %dma_start3A_230 = arith.constant 0 : i32
    %dma_start3A_231 = arith.constant 0 : i32
    %dma_start3A_232 = tpu.memref_slice %arg4[%add3A_220, %dma_start3A_230, %dma_start3A_231] : memref<6272x16x384xf32, #tpu.memory_space<hbm>> -> memref<8x16x384xf32, #tpu.memory_space<hbm>>
    %dma_start3A_233 = arith.constant 0 : i32
    %dma_start3A_234 = arith.constant 0 : i32
    %dma_start3A_235 = arith.constant 0 : i32
    %dma_start3A_236 = tpu.memref_slice %arg6[%dma_start3A_221, %dma_start3A_233, %dma_start3A_234, %dma_start3A_235] : memref<2x8x16x384xf32, #tpu.memory_space<vmem>> -> memref<1x8x16x384xf32, #tpu.memory_space<vmem>>
    %dma_start3A_237 = tpu.memref_squeeze %dma_start3A_236 : memref<1x8x16x384xf32, #tpu.memory_space<vmem>> -> memref<8x16x384xf32, #tpu.memory_space<vmem>>
    tpu.enqueue_dma source(%dma_start3A_237 : memref<8x16x384xf32, #tpu.memory_space<vmem>>) target(%dma_start3A_232 : memref<8x16x384xf32, #tpu.memory_space<hbm>>) target_semaphore(%arg10 : memref<!tpu.dma_semaphore, #tpu.memory_space<semaphore_mem>>)
    %dma_wait3A_238 = arith.constant 1 : i32
    %dma_wait3A_239 = arith.constant 0 : i32
    %dma_wait3A_240 = arith.constant 0 : i32
    %dma_wait3A_241 = arith.constant 0 : i32
    %dma_wait3A_242 = tpu.memref_slice %arg6[%dma_wait3A_238, %dma_wait3A_239, %dma_wait3A_240, %dma_wait3A_241] : memref<2x8x16x384xf32, #tpu.memory_space<vmem>> -> memref<1x8x16x384xf32, #tpu.memory_space<vmem>>
    %dma_wait3A_243 = tpu.memref_squeeze %dma_wait3A_242 : memref<1x8x16x384xf32, #tpu.memory_space<vmem>> -> memref<8x16x384xf32, #tpu.memory_space<vmem>>
    %dma_wait3A_244 = arith.constant 0 : i32
    %dma_wait3A_245 = arith.constant 0 : i32
    %dma_wait3A_246 = tpu.memref_slice %arg4[%add3A_220, %dma_wait3A_244, %dma_wait3A_245] : memref<6272x16x384xf32, #tpu.memory_space<hbm>> -> memref<8x16x384xf32, #tpu.memory_space<hbm>>
    %dma_wait3A_247 = arith.constant 0 : i32
    %dma_wait3A_248 = arith.constant 0 : i32
    %dma_wait3A_249 = tpu.memref_slice %arg4[%add3A_220, %dma_wait3A_247, %dma_wait3A_248] : memref<6272x16x384xf32, #tpu.memory_space<hbm>> -> memref<8x16x384xf32, #tpu.memory_space<hbm>>
    %dma_wait3A_250 = arith.constant 0 : i32
    %dma_wait3A_251 = arith.constant 0 : i32
    %dma_wait3A_252 = arith.constant 0 : i32
    %dma_wait3A_253 = tpu.memref_slice %arg6[%dma_wait3A_238, %dma_wait3A_250, %dma_wait3A_251, %dma_wait3A_252] : memref<2x8x16x384xf32, #tpu.memory_space<vmem>> -> memref<1x8x16x384xf32, #tpu.memory_space<vmem>>
    %dma_wait3A_254 = tpu.memref_squeeze %dma_wait3A_253 : memref<1x8x16x384xf32, #tpu.memory_space<vmem>> -> memref<8x16x384xf32, #tpu.memory_space<vmem>>
    tpu.wait_dma2 semaphore(%arg10 : memref<!tpu.dma_semaphore, #tpu.memory_space<semaphore_mem>>) src(%dma_wait3A_254 : memref<8x16x384xf32, #tpu.memory_space<vmem>>) dst(%dma_wait3A_249 : memref<8x16x384xf32, #tpu.memory_space<hbm>>)
    %dma_start3A_255 = arith.constant 1 : i32
    %dma_start3A_256 = arith.constant 0 : i32
    %dma_start3A_257 = arith.constant 0 : i32
    %dma_start3A_258 = arith.constant 0 : i32
    %dma_start3A_259 = tpu.memref_slice %arg6[%dma_start3A_255, %dma_start3A_256, %dma_start3A_257, %dma_start3A_258] : memref<2x8x16x384xf32, #tpu.memory_space<vmem>> -> memref<1x8x16x384xf32, #tpu.memory_space<vmem>>
    %dma_start3A_260 = tpu.memref_squeeze %dma_start3A_259 : memref<1x8x16x384xf32, #tpu.memory_space<vmem>> -> memref<8x16x384xf32, #tpu.memory_space<vmem>>
    %dma_start3A_261 = arith.constant 40 : i32
    %dma_start3A_262 = tpu.memref_slice %arg5[%dma_start3A_261] : memref<256xi32, #tpu.memory_space<vmem>> -> memref<8xi32, #tpu.memory_space<vmem>>
    %dma_start3A_263 = arith.constant 0 : i32
    %dma_start3A_264 = arith.constant 0 : i32
    %dma_start3A_265 = arith.constant 0 : i32
    %dma_start3A_266 = tpu.memref_slice %arg3[%dma_start3A_263, %dma_start3A_264, %dma_start3A_265] : memref<1568x16x384xf32, #tpu.memory_space<hbm>> -> memref<1568x16x384xf32, #tpu.memory_space<hbm>>
    tpu.enqueue_indirect_dma source(%dma_start3A_266 : memref<1568x16x384xf32, #tpu.memory_space<hbm>>) target(%dma_start3A_260 : memref<8x16x384xf32, #tpu.memory_space<vmem>>) offsets(%dma_start3A_262 : memref<8xi32, #tpu.memory_space<vmem>>) semaphore(%arg8 : memref<!tpu.dma_semaphore, #tpu.memory_space<semaphore_mem>>)
    %dma_wait3A_267 = arith.constant 0 : i32
    %dma_wait3A_268 = arith.constant 0 : i32
    %dma_wait3A_269 = arith.constant 0 : i32
    %dma_wait3A_270 = arith.constant 0 : i32
    %dma_wait3A_271 = tpu.memref_slice %arg6[%dma_wait3A_267, %dma_wait3A_268, %dma_wait3A_269, %dma_wait3A_270] : memref<2x8x16x384xf32, #tpu.memory_space<vmem>> -> memref<1x8x16x384xf32, #tpu.memory_space<vmem>>
    %dma_wait3A_272 = tpu.memref_squeeze %dma_wait3A_271 : memref<1x8x16x384xf32, #tpu.memory_space<vmem>> -> memref<8x16x384xf32, #tpu.memory_space<vmem>>
    %dma_wait3A_273 = arith.constant 32 : i32
    %dma_wait3A_274 = tpu.memref_slice %arg5[%dma_wait3A_273] : memref<256xi32, #tpu.memory_space<vmem>> -> memref<8xi32, #tpu.memory_space<vmem>>
    %dma_wait3A_275 = arith.constant 0 : i32
    %dma_wait3A_276 = arith.constant 0 : i32
    %dma_wait3A_277 = arith.constant 0 : i32
    %dma_wait3A_278 = tpu.memref_slice %arg3[%dma_wait3A_275, %dma_wait3A_276, %dma_wait3A_277] : memref<1568x16x384xf32, #tpu.memory_space<hbm>> -> memref<1568x16x384xf32, #tpu.memory_space<hbm>>
    tpu.wait_indirect_dma semaphore(%arg7 : memref<!tpu.dma_semaphore, #tpu.memory_space<semaphore_mem>>) src(%dma_wait3A_278 : memref<1568x16x384xf32, #tpu.memory_space<hbm>>) dst(%dma_wait3A_272 : memref<8x16x384xf32, #tpu.memory_space<vmem>>)
    %add3A_279 = arith.constant 32 : i32
    %add3A_280 = arith.addi %mul3A_4, %add3A_279 : i32
    %dma_start3A_281 = arith.constant 0 : i32
    %dma_start3A_282 = arith.constant 0 : i32
    %dma_start3A_283 = arith.constant 0 : i32
    %dma_start3A_284 = arith.constant 0 : i32
    %dma_start3A_285 = tpu.memref_slice %arg6[%dma_start3A_281, %dma_start3A_282, %dma_start3A_283, %dma_start3A_284] : memref<2x8x16x384xf32, #tpu.memory_space<vmem>> -> memref<1x8x16x384xf32, #tpu.memory_space<vmem>>
    %dma_start3A_286 = tpu.memref_squeeze %dma_start3A_285 : memref<1x8x16x384xf32, #tpu.memory_space<vmem>> -> memref<8x16x384xf32, #tpu.memory_space<vmem>>
    %dma_start3A_287 = arith.constant 0 : i32
    %dma_start3A_288 = arith.constant 0 : i32
    %dma_start3A_289 = tpu.memref_slice %arg4[%add3A_280, %dma_start3A_287, %dma_start3A_288] : memref<6272x16x384xf32, #tpu.memory_space<hbm>> -> memref<8x16x384xf32, #tpu.memory_space<hbm>>
    %dma_start3A_290 = arith.constant 0 : i32
    %dma_start3A_291 = arith.constant 0 : i32
    %dma_start3A_292 = tpu.memref_slice %arg4[%add3A_280, %dma_start3A_290, %dma_start3A_291] : memref<6272x16x384xf32, #tpu.memory_space<hbm>> -> memref<8x16x384xf32, #tpu.memory_space<hbm>>
    %dma_start3A_293 = arith.constant 0 : i32
    %dma_start3A_294 = arith.constant 0 : i32
    %dma_start3A_295 = arith.constant 0 : i32
    %dma_start3A_296 = tpu.memref_slice %arg6[%dma_start3A_281, %dma_start3A_293, %dma_start3A_294, %dma_start3A_295] : memref<2x8x16x384xf32, #tpu.memory_space<vmem>> -> memref<1x8x16x384xf32, #tpu.memory_space<vmem>>
    %dma_start3A_297 = tpu.memref_squeeze %dma_start3A_296 : memref<1x8x16x384xf32, #tpu.memory_space<vmem>> -> memref<8x16x384xf32, #tpu.memory_space<vmem>>
    tpu.enqueue_dma source(%dma_start3A_297 : memref<8x16x384xf32, #tpu.memory_space<vmem>>) target(%dma_start3A_292 : memref<8x16x384xf32, #tpu.memory_space<hbm>>) target_semaphore(%arg9 : memref<!tpu.dma_semaphore, #tpu.memory_space<semaphore_mem>>)
    %dma_wait3A_298 = arith.constant 0 : i32
    %dma_wait3A_299 = arith.constant 0 : i32
    %dma_wait3A_300 = arith.constant 0 : i32
    %dma_wait3A_301 = arith.constant 0 : i32
    %dma_wait3A_302 = tpu.memref_slice %arg6[%dma_wait3A_298, %dma_wait3A_299, %dma_wait3A_300, %dma_wait3A_301] : memref<2x8x16x384xf32, #tpu.memory_space<vmem>> -> memref<1x8x16x384xf32, #tpu.memory_space<vmem>>
    %dma_wait3A_303 = tpu.memref_squeeze %dma_wait3A_302 : memref<1x8x16x384xf32, #tpu.memory_space<vmem>> -> memref<8x16x384xf32, #tpu.memory_space<vmem>>
    %dma_wait3A_304 = arith.constant 0 : i32
    %dma_wait3A_305 = arith.constant 0 : i32
    %dma_wait3A_306 = tpu.memref_slice %arg4[%add3A_280, %dma_wait3A_304, %dma_wait3A_305] : memref<6272x16x384xf32, #tpu.memory_space<hbm>> -> memref<8x16x384xf32, #tpu.memory_space<hbm>>
    %dma_wait3A_307 = arith.constant 0 : i32
    %dma_wait3A_308 = arith.constant 0 : i32
    %dma_wait3A_309 = tpu.memref_slice %arg4[%add3A_280, %dma_wait3A_307, %dma_wait3A_308] : memref<6272x16x384xf32, #tpu.memory_space<hbm>> -> memref<8x16x384xf32, #tpu.memory_space<hbm>>
    %dma_wait3A_310 = arith.constant 0 : i32
    %dma_wait3A_311 = arith.constant 0 : i32
    %dma_wait3A_312 = arith.constant 0 : i32
    %dma_wait3A_313 = tpu.memref_slice %arg6[%dma_wait3A_298, %dma_wait3A_310, %dma_wait3A_311, %dma_wait3A_312] : memref<2x8x16x384xf32, #tpu.memory_space<vmem>> -> memref<1x8x16x384xf32, #tpu.memory_space<vmem>>
    %dma_wait3A_314 = tpu.memref_squeeze %dma_wait3A_313 : memref<1x8x16x384xf32, #tpu.memory_space<vmem>> -> memref<8x16x384xf32, #tpu.memory_space<vmem>>
    tpu.wait_dma2 semaphore(%arg9 : memref<!tpu.dma_semaphore, #tpu.memory_space<semaphore_mem>>) src(%dma_wait3A_314 : memref<8x16x384xf32, #tpu.memory_space<vmem>>) dst(%dma_wait3A_309 : memref<8x16x384xf32, #tpu.memory_space<hbm>>)
    %dma_start3A_315 = arith.constant 0 : i32
    %dma_start3A_316 = arith.constant 0 : i32
    %dma_start3A_317 = arith.constant 0 : i32
    %dma_start3A_318 = arith.constant 0 : i32
    %dma_start3A_319 = tpu.memref_slice %arg6[%dma_start3A_315, %dma_start3A_316, %dma_start3A_317, %dma_start3A_318] : memref<2x8x16x384xf32, #tpu.memory_space<vmem>> -> memref<1x8x16x384xf32, #tpu.memory_space<vmem>>
    %dma_start3A_320 = tpu.memref_squeeze %dma_start3A_319 : memref<1x8x16x384xf32, #tpu.memory_space<vmem>> -> memref<8x16x384xf32, #tpu.memory_space<vmem>>
    %dma_start3A_321 = arith.constant 48 : i32
    %dma_start3A_322 = tpu.memref_slice %arg5[%dma_start3A_321] : memref<256xi32, #tpu.memory_space<vmem>> -> memref<8xi32, #tpu.memory_space<vmem>>
    %dma_start3A_323 = arith.constant 0 : i32
    %dma_start3A_324 = arith.constant 0 : i32
    %dma_start3A_325 = arith.constant 0 : i32
    %dma_start3A_326 = tpu.memref_slice %arg3[%dma_start3A_323, %dma_start3A_324, %dma_start3A_325] : memref<1568x16x384xf32, #tpu.memory_space<hbm>> -> memref<1568x16x384xf32, #tpu.memory_space<hbm>>
    tpu.enqueue_indirect_dma source(%dma_start3A_326 : memref<1568x16x384xf32, #tpu.memory_space<hbm>>) target(%dma_start3A_320 : memref<8x16x384xf32, #tpu.memory_space<vmem>>) offsets(%dma_start3A_322 : memref<8xi32, #tpu.memory_space<vmem>>) semaphore(%arg7 : memref<!tpu.dma_semaphore, #tpu.memory_space<semaphore_mem>>)
    %dma_wait3A_327 = arith.constant 1 : i32
    %dma_wait3A_328 = arith.constant 0 : i32
    %dma_wait3A_329 = arith.constant 0 : i32
    %dma_wait3A_330 = arith.constant 0 : i32
    %dma_wait3A_331 = tpu.memref_slice %arg6[%dma_wait3A_327, %dma_wait3A_328, %dma_wait3A_329, %dma_wait3A_330] : memref<2x8x16x384xf32, #tpu.memory_space<vmem>> -> memref<1x8x16x384xf32, #tpu.memory_space<vmem>>
    %dma_wait3A_332 = tpu.memref_squeeze %dma_wait3A_331 : memref<1x8x16x384xf32, #tpu.memory_space<vmem>> -> memref<8x16x384xf32, #tpu.memory_space<vmem>>
    %dma_wait3A_333 = arith.constant 40 : i32
    %dma_wait3A_334 = tpu.memref_slice %arg5[%dma_wait3A_333] : memref<256xi32, #tpu.memory_space<vmem>> -> memref<8xi32, #tpu.memory_space<vmem>>
    %dma_wait3A_335 = arith.constant 0 : i32
    %dma_wait3A_336 = arith.constant 0 : i32
    %dma_wait3A_337 = arith.constant 0 : i32
    %dma_wait3A_338 = tpu.memref_slice %arg3[%dma_wait3A_335, %dma_wait3A_336, %dma_wait3A_337] : memref<1568x16x384xf32, #tpu.memory_space<hbm>> -> memref<1568x16x384xf32, #tpu.memory_space<hbm>>
    tpu.wait_indirect_dma semaphore(%arg8 : memref<!tpu.dma_semaphore, #tpu.memory_space<semaphore_mem>>) src(%dma_wait3A_338 : memref<1568x16x384xf32, #tpu.memory_space<hbm>>) dst(%dma_wait3A_332 : memref<8x16x384xf32, #tpu.memory_space<vmem>>)
    %add3A_339 = arith.constant 40 : i32
    %add3A_340 = arith.addi %mul3A_4, %add3A_339 : i32
    %dma_start3A_341 = arith.constant 1 : i32
    %dma_start3A_342 = arith.constant 0 : i32
    %dma_start3A_343 = arith.constant 0 : i32
    %dma_start3A_344 = arith.constant 0 : i32
    %dma_start3A_345 = tpu.memref_slice %arg6[%dma_start3A_341, %dma_start3A_342, %dma_start3A_343, %dma_start3A_344] : memref<2x8x16x384xf32, #tpu.memory_space<vmem>> -> memref<1x8x16x384xf32, #tpu.memory_space<vmem>>
    %dma_start3A_346 = tpu.memref_squeeze %dma_start3A_345 : memref<1x8x16x384xf32, #tpu.memory_space<vmem>> -> memref<8x16x384xf32, #tpu.memory_space<vmem>>
    %dma_start3A_347 = arith.constant 0 : i32
    %dma_start3A_348 = arith.constant 0 : i32
    %dma_start3A_349 = tpu.memref_slice %arg4[%add3A_340, %dma_start3A_347, %dma_start3A_348] : memref<6272x16x384xf32, #tpu.memory_space<hbm>> -> memref<8x16x384xf32, #tpu.memory_space<hbm>>
    %dma_start3A_350 = arith.constant 0 : i32
    %dma_start3A_351 = arith.constant 0 : i32
    %dma_start3A_352 = tpu.memref_slice %arg4[%add3A_340, %dma_start3A_350, %dma_start3A_351] : memref<6272x16x384xf32, #tpu.memory_space<hbm>> -> memref<8x16x384xf32, #tpu.memory_space<hbm>>
    %dma_start3A_353 = arith.constant 0 : i32
    %dma_start3A_354 = arith.constant 0 : i32
    %dma_start3A_355 = arith.constant 0 : i32
    %dma_start3A_356 = tpu.memref_slice %arg6[%dma_start3A_341, %dma_start3A_353, %dma_start3A_354, %dma_start3A_355] : memref<2x8x16x384xf32, #tpu.memory_space<vmem>> -> memref<1x8x16x384xf32, #tpu.memory_space<vmem>>
    %dma_start3A_357 = tpu.memref_squeeze %dma_start3A_356 : memref<1x8x16x384xf32, #tpu.memory_space<vmem>> -> memref<8x16x384xf32, #tpu.memory_space<vmem>>
    tpu.enqueue_dma source(%dma_start3A_357 : memref<8x16x384xf32, #tpu.memory_space<vmem>>) target(%dma_start3A_352 : memref<8x16x384xf32, #tpu.memory_space<hbm>>) target_semaphore(%arg10 : memref<!tpu.dma_semaphore, #tpu.memory_space<semaphore_mem>>)
    %dma_wait3A_358 = arith.constant 1 : i32
    %dma_wait3A_359 = arith.constant 0 : i32
    %dma_wait3A_360 = arith.constant 0 : i32
    %dma_wait3A_361 = arith.constant 0 : i32
    %dma_wait3A_362 = tpu.memref_slice %arg6[%dma_wait3A_358, %dma_wait3A_359, %dma_wait3A_360, %dma_wait3A_361] : memref<2x8x16x384xf32, #tpu.memory_space<vmem>> -> memref<1x8x16x384xf32, #tpu.memory_space<vmem>>
    %dma_wait3A_363 = tpu.memref_squeeze %dma_wait3A_362 : memref<1x8x16x384xf32, #tpu.memory_space<vmem>> -> memref<8x16x384xf32, #tpu.memory_space<vmem>>
    %dma_wait3A_364 = arith.constant 0 : i32
    %dma_wait3A_365 = arith.constant 0 : i32
    %dma_wait3A_366 = tpu.memref_slice %arg4[%add3A_340, %dma_wait3A_364, %dma_wait3A_365] : memref<6272x16x384xf32, #tpu.memory_space<hbm>> -> memref<8x16x384xf32, #tpu.memory_space<hbm>>
    %dma_wait3A_367 = arith.constant 0 : i32
    %dma_wait3A_368 = arith.constant 0 : i32
    %dma_wait3A_369 = tpu.memref_slice %arg4[%add3A_340, %dma_wait3A_367, %dma_wait3A_368] : memref<6272x16x384xf32, #tpu.memory_space<hbm>> -> memref<8x16x384xf32, #tpu.memory_space<hbm>>
    %dma_wait3A_370 = arith.constant 0 : i32
    %dma_wait3A_371 = arith.constant 0 : i32
    %dma_wait3A_372 = arith.constant 0 : i32
    %dma_wait3A_373 = tpu.memref_slice %arg6[%dma_wait3A_358, %dma_wait3A_370, %dma_wait3A_371, %dma_wait3A_372] : memref<2x8x16x384xf32, #tpu.memory_space<vmem>> -> memref<1x8x16x384xf32, #tpu.memory_space<vmem>>
    %dma_wait3A_374 = tpu.memref_squeeze %dma_wait3A_373 : memref<1x8x16x384xf32, #tpu.memory_space<vmem>> -> memref<8x16x384xf32, #tpu.memory_space<vmem>>
    tpu.wait_dma2 semaphore(%arg10 : memref<!tpu.dma_semaphore, #tpu.memory_space<semaphore_mem>>) src(%dma_wait3A_374 : memref<8x16x384xf32, #tpu.memory_space<vmem>>) dst(%dma_wait3A_369 : memref<8x16x384xf32, #tpu.memory_space<hbm>>)
    %dma_start3A_375 = arith.constant 1 : i32
    %dma_start3A_376 = arith.constant 0 : i32
    %dma_start3A_377 = arith.constant 0 : i32
    %dma_start3A_378 = arith.constant 0 : i32
    %dma_start3A_379 = tpu.memref_slice %arg6[%dma_start3A_375, %dma_start3A_376, %dma_start3A_377, %dma_start3A_378] : memref<2x8x16x384xf32, #tpu.memory_space<vmem>> -> memref<1x8x16x384xf32, #tpu.memory_space<vmem>>
    %dma_start3A_380 = tpu.memref_squeeze %dma_start3A_379 : memref<1x8x16x384xf32, #tpu.memory_space<vmem>> -> memref<8x16x384xf32, #tpu.memory_space<vmem>>
    %dma_start3A_381 = arith.constant 56 : i32
    %dma_start3A_382 = tpu.memref_slice %arg5[%dma_start3A_381] : memref<256xi32, #tpu.memory_space<vmem>> -> memref<8xi32, #tpu.memory_space<vmem>>
    %dma_start3A_383 = arith.constant 0 : i32
    %dma_start3A_384 = arith.constant 0 : i32
    %dma_start3A_385 = arith.constant 0 : i32
    %dma_start3A_386 = tpu.memref_slice %arg3[%dma_start3A_383, %dma_start3A_384, %dma_start3A_385] : memref<1568x16x384xf32, #tpu.memory_space<hbm>> -> memref<1568x16x384xf32, #tpu.memory_space<hbm>>
    tpu.enqueue_indirect_dma source(%dma_start3A_386 : memref<1568x16x384xf32, #tpu.memory_space<hbm>>) target(%dma_start3A_380 : memref<8x16x384xf32, #tpu.memory_space<vmem>>) offsets(%dma_start3A_382 : memref<8xi32, #tpu.memory_space<vmem>>) semaphore(%arg8 : memref<!tpu.dma_semaphore, #tpu.memory_space<semaphore_mem>>)
    %dma_wait3A_387 = arith.constant 0 : i32
    %dma_wait3A_388 = arith.constant 0 : i32
    %dma_wait3A_389 = arith.constant 0 : i32
    %dma_wait3A_390 = arith.constant 0 : i32
    %dma_wait3A_391 = tpu.memref_slice %arg6[%dma_wait3A_387, %dma_wait3A_388, %dma_wait3A_389, %dma_wait3A_390] : memref<2x8x16x384xf32, #tpu.memory_space<vmem>> -> memref<1x8x16x384xf32, #tpu.memory_space<vmem>>
    %dma_wait3A_392 = tpu.memref_squeeze %dma_wait3A_391 : memref<1x8x16x384xf32, #tpu.memory_space<vmem>> -> memref<8x16x384xf32, #tpu.memory_space<vmem>>
    %dma_wait3A_393 = arith.constant 48 : i32
    %dma_wait3A_394 = tpu.memref_slice %arg5[%dma_wait3A_393] : memref<256xi32, #tpu.memory_space<vmem>> -> memref<8xi32, #tpu.memory_space<vmem>>
    %dma_wait3A_395 = arith.constant 0 : i32
    %dma_wait3A_396 = arith.constant 0 : i32
    %dma_wait3A_397 = arith.constant 0 : i32
    %dma_wait3A_398 = tpu.memref_slice %arg3[%dma_wait3A_395, %dma_wait3A_396, %dma_wait3A_397] : memref<1568x16x384xf32, #tpu.memory_space<hbm>> -> memref<1568x16x384xf32, #tpu.memory_space<hbm>>
    tpu.wait_indirect_dma semaphore(%arg7 : memref<!tpu.dma_semaphore, #tpu.memory_space<semaphore_mem>>) src(%dma_wait3A_398 : memref<1568x16x384xf32, #tpu.memory_space<hbm>>) dst(%dma_wait3A_392 : memref<8x16x384xf32, #tpu.memory_space<vmem>>)
    %add3A_399 = arith.constant 48 : i32
    %add3A_400 = arith.addi %mul3A_4, %add3A_399 : i32
    %dma_start3A_401 = arith.constant 0 : i32
    %dma_start3A_402 = arith.constant 0 : i32
    %dma_start3A_403 = arith.constant 0 : i32
    %dma_start3A_404 = arith.constant 0 : i32
    %dma_start3A_405 = tpu.memref_slice %arg6[%dma_start3A_401, %dma_start3A_402, %dma_start3A_403, %dma_start3A_404] : memref<2x8x16x384xf32, #tpu.memory_space<vmem>> -> memref<1x8x16x384xf32, #tpu.memory_space<vmem>>
    %dma_start3A_406 = tpu.memref_squeeze %dma_start3A_405 : memref<1x8x16x384xf32, #tpu.memory_space<vmem>> -> memref<8x16x384xf32, #tpu.memory_space<vmem>>
    %dma_start3A_407 = arith.constant 0 : i32
    %dma_start3A_408 = arith.constant 0 : i32
    %dma_start3A_409 = tpu.memref_slice %arg4[%add3A_400, %dma_start3A_407, %dma_start3A_408] : memref<6272x16x384xf32, #tpu.memory_space<hbm>> -> memref<8x16x384xf32, #tpu.memory_space<hbm>>
    %dma_start3A_410 = arith.constant 0 : i32
    %dma_start3A_411 = arith.constant 0 : i32
    %dma_start3A_412 = tpu.memref_slice %arg4[%add3A_400, %dma_start3A_410, %dma_start3A_411] : memref<6272x16x384xf32, #tpu.memory_space<hbm>> -> memref<8x16x384xf32, #tpu.memory_space<hbm>>
    %dma_start3A_413 = arith.constant 0 : i32
    %dma_start3A_414 = arith.constant 0 : i32
    %dma_start3A_415 = arith.constant 0 : i32
    %dma_start3A_416 = tpu.memref_slice %arg6[%dma_start3A_401, %dma_start3A_413, %dma_start3A_414, %dma_start3A_415] : memref<2x8x16x384xf32, #tpu.memory_space<vmem>> -> memref<1x8x16x384xf32, #tpu.memory_space<vmem>>
    %dma_start3A_417 = tpu.memref_squeeze %dma_start3A_416 : memref<1x8x16x384xf32, #tpu.memory_space<vmem>> -> memref<8x16x384xf32, #tpu.memory_space<vmem>>
    tpu.enqueue_dma source(%dma_start3A_417 : memref<8x16x384xf32, #tpu.memory_space<vmem>>) target(%dma_start3A_412 : memref<8x16x384xf32, #tpu.memory_space<hbm>>) target_semaphore(%arg9 : memref<!tpu.dma_semaphore, #tpu.memory_space<semaphore_mem>>)
    %dma_wait3A_418 = arith.constant 0 : i32
    %dma_wait3A_419 = arith.constant 0 : i32
    %dma_wait3A_420 = arith.constant 0 : i32
    %dma_wait3A_421 = arith.constant 0 : i32
    %dma_wait3A_422 = tpu.memref_slice %arg6[%dma_wait3A_418, %dma_wait3A_419, %dma_wait3A_420, %dma_wait3A_421] : memref<2x8x16x384xf32, #tpu.memory_space<vmem>> -> memref<1x8x16x384xf32, #tpu.memory_space<vmem>>
    %dma_wait3A_423 = tpu.memref_squeeze %dma_wait3A_422 : memref<1x8x16x384xf32, #tpu.memory_space<vmem>> -> memref<8x16x384xf32, #tpu.memory_space<vmem>>
    %dma_wait3A_424 = arith.constant 0 : i32
    %dma_wait3A_425 = arith.constant 0 : i32
    %dma_wait3A_426 = tpu.memref_slice %arg4[%add3A_400, %dma_wait3A_424, %dma_wait3A_425] : memref<6272x16x384xf32, #tpu.memory_space<hbm>> -> memref<8x16x384xf32, #tpu.memory_space<hbm>>
    %dma_wait3A_427 = arith.constant 0 : i32
    %dma_wait3A_428 = arith.constant 0 : i32
    %dma_wait3A_429 = tpu.memref_slice %arg4[%add3A_400, %dma_wait3A_427, %dma_wait3A_428] : memref<6272x16x384xf32, #tpu.memory_space<hbm>> -> memref<8x16x384xf32, #tpu.memory_space<hbm>>
    %dma_wait3A_430 = arith.constant 0 : i32
    %dma_wait3A_431 = arith.constant 0 : i32
    %dma_wait3A_432 = arith.constant 0 : i32
    %dma_wait3A_433 = tpu.memref_slice %arg6[%dma_wait3A_418, %dma_wait3A_430, %dma_wait3A_431, %dma_wait3A_432] : memref<2x8x16x384xf32, #tpu.memory_space<vmem>> -> memref<1x8x16x384xf32, #tpu.memory_space<vmem>>
    %dma_wait3A_434 = tpu.memref_squeeze %dma_wait3A_433 : memref<1x8x16x384xf32, #tpu.memory_space<vmem>> -> memref<8x16x384xf32, #tpu.memory_space<vmem>>
    tpu.wait_dma2 semaphore(%arg9 : memref<!tpu.dma_semaphore, #tpu.memory_space<semaphore_mem>>) src(%dma_wait3A_434 : memref<8x16x384xf32, #tpu.memory_space<vmem>>) dst(%dma_wait3A_429 : memref<8x16x384xf32, #tpu.memory_space<hbm>>)
    %dma_start3A_435 = arith.constant 0 : i32
    %dma_start3A_436 = arith.constant 0 : i32
    %dma_start3A_437 = arith.constant 0 : i32
    %dma_start3A_438 = arith.constant 0 : i32
    %dma_start3A_439 = tpu.memref_slice %arg6[%dma_start3A_435, %dma_start3A_436, %dma_start3A_437, %dma_start3A_438] : memref<2x8x16x384xf32, #tpu.memory_space<vmem>> -> memref<1x8x16x384xf32, #tpu.memory_space<vmem>>
    %dma_start3A_440 = tpu.memref_squeeze %dma_start3A_439 : memref<1x8x16x384xf32, #tpu.memory_space<vmem>> -> memref<8x16x384xf32, #tpu.memory_space<vmem>>
    %dma_start3A_441 = arith.constant 64 : i32
    %dma_start3A_442 = tpu.memref_slice %arg5[%dma_start3A_441] : memref<256xi32, #tpu.memory_space<vmem>> -> memref<8xi32, #tpu.memory_space<vmem>>
    %dma_start3A_443 = arith.constant 0 : i32
    %dma_start3A_444 = arith.constant 0 : i32
    %dma_start3A_445 = arith.constant 0 : i32
    %dma_start3A_446 = tpu.memref_slice %arg3[%dma_start3A_443, %dma_start3A_444, %dma_start3A_445] : memref<1568x16x384xf32, #tpu.memory_space<hbm>> -> memref<1568x16x384xf32, #tpu.memory_space<hbm>>
    tpu.enqueue_indirect_dma source(%dma_start3A_446 : memref<1568x16x384xf32, #tpu.memory_space<hbm>>) target(%dma_start3A_440 : memref<8x16x384xf32, #tpu.memory_space<vmem>>) offsets(%dma_start3A_442 : memref<8xi32, #tpu.memory_space<vmem>>) semaphore(%arg7 : memref<!tpu.dma_semaphore, #tpu.memory_space<semaphore_mem>>)
    %dma_wait3A_447 = arith.constant 1 : i32
    %dma_wait3A_448 = arith.constant 0 : i32
    %dma_wait3A_449 = arith.constant 0 : i32
    %dma_wait3A_450 = arith.constant 0 : i32
    %dma_wait3A_451 = tpu.memref_slice %arg6[%dma_wait3A_447, %dma_wait3A_448, %dma_wait3A_449, %dma_wait3A_450] : memref<2x8x16x384xf32, #tpu.memory_space<vmem>> -> memref<1x8x16x384xf32, #tpu.memory_space<vmem>>
    %dma_wait3A_452 = tpu.memref_squeeze %dma_wait3A_451 : memref<1x8x16x384xf32, #tpu.memory_space<vmem>> -> memref<8x16x384xf32, #tpu.memory_space<vmem>>
    %dma_wait3A_453 = arith.constant 56 : i32
    %dma_wait3A_454 = tpu.memref_slice %arg5[%dma_wait3A_453] : memref<256xi32, #tpu.memory_space<vmem>> -> memref<8xi32, #tpu.memory_space<vmem>>
    %dma_wait3A_455 = arith.constant 0 : i32
    %dma_wait3A_456 = arith.constant 0 : i32
    %dma_wait3A_457 = arith.constant 0 : i32
    %dma_wait3A_458 = tpu.memref_slice %arg3[%dma_wait3A_455, %dma_wait3A_456, %dma_wait3A_457] : memref<1568x16x384xf32, #tpu.memory_space<hbm>> -> memref<1568x16x384xf32, #tpu.memory_space<hbm>>
    tpu.wait_indirect_dma semaphore(%arg8 : memref<!tpu.dma_semaphore, #tpu.memory_space<semaphore_mem>>) src(%dma_wait3A_458 : memref<1568x16x384xf32, #tpu.memory_space<hbm>>) dst(%dma_wait3A_452 : memref<8x16x384xf32, #tpu.memory_space<vmem>>)
    %add3A_459 = arith.constant 56 : i32
    %add3A_460 = arith.addi %mul3A_4, %add3A_459 : i32
    %dma_start3A_461 = arith.constant 1 : i32
    %dma_start3A_462 = arith.constant 0 : i32
    %dma_start3A_463 = arith.constant 0 : i32
    %dma_start3A_464 = arith.constant 0 : i32
    %dma_start3A_465 = tpu.memref_slice %arg6[%dma_start3A_461, %dma_start3A_462, %dma_start3A_463, %dma_start3A_464] : memref<2x8x16x384xf32, #tpu.memory_space<vmem>> -> memref<1x8x16x384xf32, #tpu.memory_space<vmem>>
    %dma_start3A_466 = tpu.memref_squeeze %dma_start3A_465 : memref<1x8x16x384xf32, #tpu.memory_space<vmem>> -> memref<8x16x384xf32, #tpu.memory_space<vmem>>
    %dma_start3A_467 = arith.constant 0 : i32
    %dma_start3A_468 = arith.constant 0 : i32
    %dma_start3A_469 = tpu.memref_slice %arg4[%add3A_460, %dma_start3A_467, %dma_start3A_468] : memref<6272x16x384xf32, #tpu.memory_space<hbm>> -> memref<8x16x384xf32, #tpu.memory_space<hbm>>
    %dma_start3A_470 = arith.constant 0 : i32
    %dma_start3A_471 = arith.constant 0 : i32
    %dma_start3A_472 = tpu.memref_slice %arg4[%add3A_460, %dma_start3A_470, %dma_start3A_471] : memref<6272x16x384xf32, #tpu.memory_space<hbm>> -> memref<8x16x384xf32, #tpu.memory_space<hbm>>
    %dma_start3A_473 = arith.constant 0 : i32
    %dma_start3A_474 = arith.constant 0 : i32
    %dma_start3A_475 = arith.constant 0 : i32
    %dma_start3A_476 = tpu.memref_slice %arg6[%dma_start3A_461, %dma_start3A_473, %dma_start3A_474, %dma_start3A_475] : memref<2x8x16x384xf32, #tpu.memory_space<vmem>> -> memref<1x8x16x384xf32, #tpu.memory_space<vmem>>
    %dma_start3A_477 = tpu.memref_squeeze %dma_start3A_476 : memref<1x8x16x384xf32, #tpu.memory_space<vmem>> -> memref<8x16x384xf32, #tpu.memory_space<vmem>>
    tpu.enqueue_dma source(%dma_start3A_477 : memref<8x16x384xf32, #tpu.memory_space<vmem>>) target(%dma_start3A_472 : memref<8x16x384xf32, #tpu.memory_space<hbm>>) target_semaphore(%arg10 : memref<!tpu.dma_semaphore, #tpu.memory_space<semaphore_mem>>)
    %dma_wait3A_478 = arith.constant 1 : i32
    %dma_wait3A_479 = arith.constant 0 : i32
    %dma_wait3A_480 = arith.constant 0 : i32
    %dma_wait3A_481 = arith.constant 0 : i32
    %dma_wait3A_482 = tpu.memref_slice %arg6[%dma_wait3A_478, %dma_wait3A_479, %dma_wait3A_480, %dma_wait3A_481] : memref<2x8x16x384xf32, #tpu.memory_space<vmem>> -> memref<1x8x16x384xf32, #tpu.memory_space<vmem>>
    %dma_wait3A_483 = tpu.memref_squeeze %dma_wait3A_482 : memref<1x8x16x384xf32, #tpu.memory_space<vmem>> -> memref<8x16x384xf32, #tpu.memory_space<vmem>>
    %dma_wait3A_484 = arith.constant 0 : i32
    %dma_wait3A_485 = arith.constant 0 : i32
    %dma_wait3A_486 = tpu.memref_slice %arg4[%add3A_460, %dma_wait3A_484, %dma_wait3A_485] : memref<6272x16x384xf32, #tpu.memory_space<hbm>> -> memref<8x16x384xf32, #tpu.memory_space<hbm>>
    %dma_wait3A_487 = arith.constant 0 : i32
    %dma_wait3A_488 = arith.constant 0 : i32
    %dma_wait3A_489 = tpu.memref_slice %arg4[%add3A_460, %dma_wait3A_487, %dma_wait3A_488] : memref<6272x16x384xf32, #tpu.memory_space<hbm>> -> memref<8x16x384xf32, #tpu.memory_space<hbm>>
    %dma_wait3A_490 = arith.constant 0 : i32
    %dma_wait3A_491 = arith.constant 0 : i32
    %dma_wait3A_492 = arith.constant 0 : i32
    %dma_wait3A_493 = tpu.memref_slice %arg6[%dma_wait3A_478, %dma_wait3A_490, %dma_wait3A_491, %dma_wait3A_492] : memref<2x8x16x384xf32, #tpu.memory_space<vmem>> -> memref<1x8x16x384xf32, #tpu.memory_space<vmem>>
    %dma_wait3A_494 = tpu.memref_squeeze %dma_wait3A_493 : memref<1x8x16x384xf32, #tpu.memory_space<vmem>> -> memref<8x16x384xf32, #tpu.memory_space<vmem>>
    tpu.wait_dma2 semaphore(%arg10 : memref<!tpu.dma_semaphore, #tpu.memory_space<semaphore_mem>>) src(%dma_wait3A_494 : memref<8x16x384xf32, #tpu.memory_space<vmem>>) dst(%dma_wait3A_489 : memref<8x16x384xf32, #tpu.memory_space<hbm>>)
    %dma_start3A_495 = arith.constant 1 : i32
    %dma_start3A_496 = arith.constant 0 : i32
    %dma_start3A_497 = arith.constant 0 : i32
    %dma_start3A_498 = arith.constant 0 : i32
    %dma_start3A_499 = tpu.memref_slice %arg6[%dma_start3A_495, %dma_start3A_496, %dma_start3A_497, %dma_start3A_498] : memref<2x8x16x384xf32, #tpu.memory_space<vmem>> -> memref<1x8x16x384xf32, #tpu.memory_space<vmem>>
    %dma_start3A_500 = tpu.memref_squeeze %dma_start3A_499 : memref<1x8x16x384xf32, #tpu.memory_space<vmem>> -> memref<8x16x384xf32, #tpu.memory_space<vmem>>
    %dma_start3A_501 = arith.constant 72 : i32
    %dma_start3A_502 = tpu.memref_slice %arg5[%dma_start3A_501] : memref<256xi32, #tpu.memory_space<vmem>> -> memref<8xi32, #tpu.memory_space<vmem>>
    %dma_start3A_503 = arith.constant 0 : i32
    %dma_start3A_504 = arith.constant 0 : i32
    %dma_start3A_505 = arith.constant 0 : i32
    %dma_start3A_506 = tpu.memref_slice %arg3[%dma_start3A_503, %dma_start3A_504, %dma_start3A_505] : memref<1568x16x384xf32, #tpu.memory_space<hbm>> -> memref<1568x16x384xf32, #tpu.memory_space<hbm>>
    tpu.enqueue_indirect_dma source(%dma_start3A_506 : memref<1568x16x384xf32, #tpu.memory_space<hbm>>) target(%dma_start3A_500 : memref<8x16x384xf32, #tpu.memory_space<vmem>>) offsets(%dma_start3A_502 : memref<8xi32, #tpu.memory_space<vmem>>) semaphore(%arg8 : memref<!tpu.dma_semaphore, #tpu.memory_space<semaphore_mem>>)
    %dma_wait3A_507 = arith.constant 0 : i32
    %dma_wait3A_508 = arith.constant 0 : i32
    %dma_wait3A_509 = arith.constant 0 : i32
    %dma_wait3A_510 = arith.constant 0 : i32
    %dma_wait3A_511 = tpu.memref_slice %arg6[%dma_wait3A_507, %dma_wait3A_508, %dma_wait3A_509, %dma_wait3A_510] : memref<2x8x16x384xf32, #tpu.memory_space<vmem>> -> memref<1x8x16x384xf32, #tpu.memory_space<vmem>>
    %dma_wait3A_512 = tpu.memref_squeeze %dma_wait3A_511 : memref<1x8x16x384xf32, #tpu.memory_space<vmem>> -> memref<8x16x384xf32, #tpu.memory_space<vmem>>
    %dma_wait3A_513 = arith.constant 64 : i32
    %dma_wait3A_514 = tpu.memref_slice %arg5[%dma_wait3A_513] : memref<256xi32, #tpu.memory_space<vmem>> -> memref<8xi32, #tpu.memory_space<vmem>>
    %dma_wait3A_515 = arith.constant 0 : i32
    %dma_wait3A_516 = arith.constant 0 : i32
    %dma_wait3A_517 = arith.constant 0 : i32
    %dma_wait3A_518 = tpu.memref_slice %arg3[%dma_wait3A_515, %dma_wait3A_516, %dma_wait3A_517] : memref<1568x16x384xf32, #tpu.memory_space<hbm>> -> memref<1568x16x384xf32, #tpu.memory_space<hbm>>
    tpu.wait_indirect_dma semaphore(%arg7 : memref<!tpu.dma_semaphore, #tpu.memory_space<semaphore_mem>>) src(%dma_wait3A_518 : memref<1568x16x384xf32, #tpu.memory_space<hbm>>) dst(%dma_wait3A_512 : memref<8x16x384xf32, #tpu.memory_space<vmem>>)
    %add3A_519 = arith.constant 64 : i32
    %add3A_520 = arith.addi %mul3A_4, %add3A_519 : i32
    %dma_start3A_521 = arith.constant 0 : i32
    %dma_start3A_522 = arith.constant 0 : i32
    %dma_start3A_523 = arith.constant 0 : i32
    %dma_start3A_524 = arith.constant 0 : i32
    %dma_start3A_525 = tpu.memref_slice %arg6[%dma_start3A_521, %dma_start3A_522, %dma_start3A_523, %dma_start3A_524] : memref<2x8x16x384xf32, #tpu.memory_space<vmem>> -> memref<1x8x16x384xf32, #tpu.memory_space<vmem>>
    %dma_start3A_526 = tpu.memref_squeeze %dma_start3A_525 : memref<1x8x16x384xf32, #tpu.memory_space<vmem>> -> memref<8x16x384xf32, #tpu.memory_space<vmem>>
    %dma_start3A_527 = arith.constant 0 : i32
    %dma_start3A_528 = arith.constant 0 : i32
    %dma_start3A_529 = tpu.memref_slice %arg4[%add3A_520, %dma_start3A_527, %dma_start3A_528] : memref<6272x16x384xf32, #tpu.memory_space<hbm>> -> memref<8x16x384xf32, #tpu.memory_space<hbm>>
    %dma_start3A_530 = arith.constant 0 : i32
    %dma_start3A_531 = arith.constant 0 : i32
    %dma_start3A_532 = tpu.memref_slice %arg4[%add3A_520, %dma_start3A_530, %dma_start3A_531] : memref<6272x16x384xf32, #tpu.memory_space<hbm>> -> memref<8x16x384xf32, #tpu.memory_space<hbm>>
    %dma_start3A_533 = arith.constant 0 : i32
    %dma_start3A_534 = arith.constant 0 : i32
    %dma_start3A_535 = arith.constant 0 : i32
    %dma_start3A_536 = tpu.memref_slice %arg6[%dma_start3A_521, %dma_start3A_533, %dma_start3A_534, %dma_start3A_535] : memref<2x8x16x384xf32, #tpu.memory_space<vmem>> -> memref<1x8x16x384xf32, #tpu.memory_space<vmem>>
    %dma_start3A_537 = tpu.memref_squeeze %dma_start3A_536 : memref<1x8x16x384xf32, #tpu.memory_space<vmem>> -> memref<8x16x384xf32, #tpu.memory_space<vmem>>
    tpu.enqueue_dma source(%dma_start3A_537 : memref<8x16x384xf32, #tpu.memory_space<vmem>>) target(%dma_start3A_532 : memref<8x16x384xf32, #tpu.memory_space<hbm>>) target_semaphore(%arg9 : memref<!tpu.dma_semaphore, #tpu.memory_space<semaphore_mem>>)
    %dma_wait3A_538 = arith.constant 0 : i32
    %dma_wait3A_539 = arith.constant 0 : i32
    %dma_wait3A_540 = arith.constant 0 : i32
    %dma_wait3A_541 = arith.constant 0 : i32
    %dma_wait3A_542 = tpu.memref_slice %arg6[%dma_wait3A_538, %dma_wait3A_539, %dma_wait3A_540, %dma_wait3A_541] : memref<2x8x16x384xf32, #tpu.memory_space<vmem>> -> memref<1x8x16x384xf32, #tpu.memory_space<vmem>>
    %dma_wait3A_543 = tpu.memref_squeeze %dma_wait3A_542 : memref<1x8x16x384xf32, #tpu.memory_space<vmem>> -> memref<8x16x384xf32, #tpu.memory_space<vmem>>
    %dma_wait3A_544 = arith.constant 0 : i32
    %dma_wait3A_545 = arith.constant 0 : i32
    %dma_wait3A_546 = tpu.memref_slice %arg4[%add3A_520, %dma_wait3A_544, %dma_wait3A_545] : memref<6272x16x384xf32, #tpu.memory_space<hbm>> -> memref<8x16x384xf32, #tpu.memory_space<hbm>>
    %dma_wait3A_547 = arith.constant 0 : i32
    %dma_wait3A_548 = arith.constant 0 : i32
    %dma_wait3A_549 = tpu.memref_slice %arg4[%add3A_520, %dma_wait3A_547, %dma_wait3A_548] : memref<6272x16x384xf32, #tpu.memory_space<hbm>> -> memref<8x16x384xf32, #tpu.memory_space<hbm>>
    %dma_wait3A_550 = arith.constant 0 : i32
    %dma_wait3A_551 = arith.constant 0 : i32
    %dma_wait3A_552 = arith.constant 0 : i32
    %dma_wait3A_553 = tpu.memref_slice %arg6[%dma_wait3A_538, %dma_wait3A_550, %dma_wait3A_551, %dma_wait3A_552] : memref<2x8x16x384xf32, #tpu.memory_space<vmem>> -> memref<1x8x16x384xf32, #tpu.memory_space<vmem>>
    %dma_wait3A_554 = tpu.memref_squeeze %dma_wait3A_553 : memref<1x8x16x384xf32, #tpu.memory_space<vmem>> -> memref<8x16x384xf32, #tpu.memory_space<vmem>>
    tpu.wait_dma2 semaphore(%arg9 : memref<!tpu.dma_semaphore, #tpu.memory_space<semaphore_mem>>) src(%dma_wait3A_554 : memref<8x16x384xf32, #tpu.memory_space<vmem>>) dst(%dma_wait3A_549 : memref<8x16x384xf32, #tpu.memory_space<hbm>>)
    %dma_start3A_555 = arith.constant 0 : i32
    %dma_start3A_556 = arith.constant 0 : i32
    %dma_start3A_557 = arith.constant 0 : i32
    %dma_start3A_558 = arith.constant 0 : i32
    %dma_start3A_559 = tpu.memref_slice %arg6[%dma_start3A_555, %dma_start3A_556, %dma_start3A_557, %dma_start3A_558] : memref<2x8x16x384xf32, #tpu.memory_space<vmem>> -> memref<1x8x16x384xf32, #tpu.memory_space<vmem>>
    %dma_start3A_560 = tpu.memref_squeeze %dma_start3A_559 : memref<1x8x16x384xf32, #tpu.memory_space<vmem>> -> memref<8x16x384xf32, #tpu.memory_space<vmem>>
    %dma_start3A_561 = arith.constant 80 : i32
    %dma_start3A_562 = tpu.memref_slice %arg5[%dma_start3A_561] : memref<256xi32, #tpu.memory_space<vmem>> -> memref<8xi32, #tpu.memory_space<vmem>>
    %dma_start3A_563 = arith.constant 0 : i32
    %dma_start3A_564 = arith.constant 0 : i32
    %dma_start3A_565 = arith.constant 0 : i32
    %dma_start3A_566 = tpu.memref_slice %arg3[%dma_start3A_563, %dma_start3A_564, %dma_start3A_565] : memref<1568x16x384xf32, #tpu.memory_space<hbm>> -> memref<1568x16x384xf32, #tpu.memory_space<hbm>>
    tpu.enqueue_indirect_dma source(%dma_start3A_566 : memref<1568x16x384xf32, #tpu.memory_space<hbm>>) target(%dma_start3A_560 : memref<8x16x384xf32, #tpu.memory_space<vmem>>) offsets(%dma_start3A_562 : memref<8xi32, #tpu.memory_space<vmem>>) semaphore(%arg7 : memref<!tpu.dma_semaphore, #tpu.memory_space<semaphore_mem>>)
    %dma_wait3A_567 = arith.constant 1 : i32
    %dma_wait3A_568 = arith.constant 0 : i32
    %dma_wait3A_569 = arith.constant 0 : i32
    %dma_wait3A_570 = arith.constant 0 : i32
    %dma_wait3A_571 = tpu.memref_slice %arg6[%dma_wait3A_567, %dma_wait3A_568, %dma_wait3A_569, %dma_wait3A_570] : memref<2x8x16x384xf32, #tpu.memory_space<vmem>> -> memref<1x8x16x384xf32, #tpu.memory_space<vmem>>
    %dma_wait3A_572 = tpu.memref_squeeze %dma_wait3A_571 : memref<1x8x16x384xf32, #tpu.memory_space<vmem>> -> memref<8x16x384xf32, #tpu.memory_space<vmem>>
    %dma_wait3A_573 = arith.constant 72 : i32
    %dma_wait3A_574 = tpu.memref_slice %arg5[%dma_wait3A_573] : memref<256xi32, #tpu.memory_space<vmem>> -> memref<8xi32, #tpu.memory_space<vmem>>
    %dma_wait3A_575 = arith.constant 0 : i32
    %dma_wait3A_576 = arith.constant 0 : i32
    %dma_wait3A_577 = arith.constant 0 : i32
    %dma_wait3A_578 = tpu.memref_slice %arg3[%dma_wait3A_575, %dma_wait3A_576, %dma_wait3A_577] : memref<1568x16x384xf32, #tpu.memory_space<hbm>> -> memref<1568x16x384xf32, #tpu.memory_space<hbm>>
    tpu.wait_indirect_dma semaphore(%arg8 : memref<!tpu.dma_semaphore, #tpu.memory_space<semaphore_mem>>) src(%dma_wait3A_578 : memref<1568x16x384xf32, #tpu.memory_space<hbm>>) dst(%dma_wait3A_572 : memref<8x16x384xf32, #tpu.memory_space<vmem>>)
    %add3A_579 = arith.constant 72 : i32
    %add3A_580 = arith.addi %mul3A_4, %add3A_579 : i32
    %dma_start3A_581 = arith.constant 1 : i32
    %dma_start3A_582 = arith.constant 0 : i32
    %dma_start3A_583 = arith.constant 0 : i32
    %dma_start3A_584 = arith.constant 0 : i32
    %dma_start3A_585 = tpu.memref_slice %arg6[%dma_start3A_581, %dma_start3A_582, %dma_start3A_583, %dma_start3A_584] : memref<2x8x16x384xf32, #tpu.memory_space<vmem>> -> memref<1x8x16x384xf32, #tpu.memory_space<vmem>>
    %dma_start3A_586 = tpu.memref_squeeze %dma_start3A_585 : memref<1x8x16x384xf32, #tpu.memory_space<vmem>> -> memref<8x16x384xf32, #tpu.memory_space<vmem>>
    %dma_start3A_587 = arith.constant 0 : i32
    %dma_start3A_588 = arith.constant 0 : i32
    %dma_start3A_589 = tpu.memref_slice %arg4[%add3A_580, %dma_start3A_587, %dma_start3A_588] : memref<6272x16x384xf32, #tpu.memory_space<hbm>> -> memref<8x16x384xf32, #tpu.memory_space<hbm>>
    %dma_start3A_590 = arith.constant 0 : i32
    %dma_start3A_591 = arith.constant 0 : i32
    %dma_start3A_592 = tpu.memref_slice %arg4[%add3A_580, %dma_start3A_590, %dma_start3A_591] : memref<6272x16x384xf32, #tpu.memory_space<hbm>> -> memref<8x16x384xf32, #tpu.memory_space<hbm>>
    %dma_start3A_593 = arith.constant 0 : i32
    %dma_start3A_594 = arith.constant 0 : i32
    %dma_start3A_595 = arith.constant 0 : i32
    %dma_start3A_596 = tpu.memref_slice %arg6[%dma_start3A_581, %dma_start3A_593, %dma_start3A_594, %dma_start3A_595] : memref<2x8x16x384xf32, #tpu.memory_space<vmem>> -> memref<1x8x16x384xf32, #tpu.memory_space<vmem>>
    %dma_start3A_597 = tpu.memref_squeeze %dma_start3A_596 : memref<1x8x16x384xf32, #tpu.memory_space<vmem>> -> memref<8x16x384xf32, #tpu.memory_space<vmem>>
    tpu.enqueue_dma source(%dma_start3A_597 : memref<8x16x384xf32, #tpu.memory_space<vmem>>) target(%dma_start3A_592 : memref<8x16x384xf32, #tpu.memory_space<hbm>>) target_semaphore(%arg10 : memref<!tpu.dma_semaphore, #tpu.memory_space<semaphore_mem>>)
    %dma_wait3A_598 = arith.constant 1 : i32
    %dma_wait3A_599 = arith.constant 0 : i32
    %dma_wait3A_600 = arith.constant 0 : i32
    %dma_wait3A_601 = arith.constant 0 : i32
    %dma_wait3A_602 = tpu.memref_slice %arg6[%dma_wait3A_598, %dma_wait3A_599, %dma_wait3A_600, %dma_wait3A_601] : memref<2x8x16x384xf32, #tpu.memory_space<vmem>> -> memref<1x8x16x384xf32, #tpu.memory_space<vmem>>
    %dma_wait3A_603 = tpu.memref_squeeze %dma_wait3A_602 : memref<1x8x16x384xf32, #tpu.memory_space<vmem>> -> memref<8x16x384xf32, #tpu.memory_space<vmem>>
    %dma_wait3A_604 = arith.constant 0 : i32
    %dma_wait3A_605 = arith.constant 0 : i32
    %dma_wait3A_606 = tpu.memref_slice %arg4[%add3A_580, %dma_wait3A_604, %dma_wait3A_605] : memref<6272x16x384xf32, #tpu.memory_space<hbm>> -> memref<8x16x384xf32, #tpu.memory_space<hbm>>
    %dma_wait3A_607 = arith.constant 0 : i32
    %dma_wait3A_608 = arith.constant 0 : i32
    %dma_wait3A_609 = tpu.memref_slice %arg4[%add3A_580, %dma_wait3A_607, %dma_wait3A_608] : memref<6272x16x384xf32, #tpu.memory_space<hbm>> -> memref<8x16x384xf32, #tpu.memory_space<hbm>>
    %dma_wait3A_610 = arith.constant 0 : i32
    %dma_wait3A_611 = arith.constant 0 : i32
    %dma_wait3A_612 = arith.constant 0 : i32
    %dma_wait3A_613 = tpu.memref_slice %arg6[%dma_wait3A_598, %dma_wait3A_610, %dma_wait3A_611, %dma_wait3A_612] : memref<2x8x16x384xf32, #tpu.memory_space<vmem>> -> memref<1x8x16x384xf32, #tpu.memory_space<vmem>>
    %dma_wait3A_614 = tpu.memref_squeeze %dma_wait3A_613 : memref<1x8x16x384xf32, #tpu.memory_space<vmem>> -> memref<8x16x384xf32, #tpu.memory_space<vmem>>
    tpu.wait_dma2 semaphore(%arg10 : memref<!tpu.dma_semaphore, #tpu.memory_space<semaphore_mem>>) src(%dma_wait3A_614 : memref<8x16x384xf32, #tpu.memory_space<vmem>>) dst(%dma_wait3A_609 : memref<8x16x384xf32, #tpu.memory_space<hbm>>)
    %dma_start3A_615 = arith.constant 1 : i32
    %dma_start3A_616 = arith.constant 0 : i32
    %dma_start3A_617 = arith.constant 0 : i32
    %dma_start3A_618 = arith.constant 0 : i32
    %dma_start3A_619 = tpu.memref_slice %arg6[%dma_start3A_615, %dma_start3A_616, %dma_start3A_617, %dma_start3A_618] : memref<2x8x16x384xf32, #tpu.memory_space<vmem>> -> memref<1x8x16x384xf32, #tpu.memory_space<vmem>>
    %dma_start3A_620 = tpu.memref_squeeze %dma_start3A_619 : memref<1x8x16x384xf32, #tpu.memory_space<vmem>> -> memref<8x16x384xf32, #tpu.memory_space<vmem>>
    %dma_start3A_621 = arith.constant 88 : i32
    %dma_start3A_622 = tpu.memref_slice %arg5[%dma_start3A_621] : memref<256xi32, #tpu.memory_space<vmem>> -> memref<8xi32, #tpu.memory_space<vmem>>
    %dma_start3A_623 = arith.constant 0 : i32
    %dma_start3A_624 = arith.constant 0 : i32
    %dma_start3A_625 = arith.constant 0 : i32
    %dma_start3A_626 = tpu.memref_slice %arg3[%dma_start3A_623, %dma_start3A_624, %dma_start3A_625] : memref<1568x16x384xf32, #tpu.memory_space<hbm>> -> memref<1568x16x384xf32, #tpu.memory_space<hbm>>
    tpu.enqueue_indirect_dma source(%dma_start3A_626 : memref<1568x16x384xf32, #tpu.memory_space<hbm>>) target(%dma_start3A_620 : memref<8x16x384xf32, #tpu.memory_space<vmem>>) offsets(%dma_start3A_622 : memref<8xi32, #tpu.memory_space<vmem>>) semaphore(%arg8 : memref<!tpu.dma_semaphore, #tpu.memory_space<semaphore_mem>>)
    %dma_wait3A_627 = arith.constant 0 : i32
    %dma_wait3A_628 = arith.constant 0 : i32
    %dma_wait3A_629 = arith.constant 0 : i32
    %dma_wait3A_630 = arith.constant 0 : i32
    %dma_wait3A_631 = tpu.memref_slice %arg6[%dma_wait3A_627, %dma_wait3A_628, %dma_wait3A_629, %dma_wait3A_630] : memref<2x8x16x384xf32, #tpu.memory_space<vmem>> -> memref<1x8x16x384xf32, #tpu.memory_space<vmem>>
    %dma_wait3A_632 = tpu.memref_squeeze %dma_wait3A_631 : memref<1x8x16x384xf32, #tpu.memory_space<vmem>> -> memref<8x16x384xf32, #tpu.memory_space<vmem>>
    %dma_wait3A_633 = arith.constant 80 : i32
    %dma_wait3A_634 = tpu.memref_slice %arg5[%dma_wait3A_633] : memref<256xi32, #tpu.memory_space<vmem>> -> memref<8xi32, #tpu.memory_space<vmem>>
    %dma_wait3A_635 = arith.constant 0 : i32
    %dma_wait3A_636 = arith.constant 0 : i32
    %dma_wait3A_637 = arith.constant 0 : i32
    %dma_wait3A_638 = tpu.memref_slice %arg3[%dma_wait3A_635, %dma_wait3A_636, %dma_wait3A_637] : memref<1568x16x384xf32, #tpu.memory_space<hbm>> -> memref<1568x16x384xf32, #tpu.memory_space<hbm>>
    tpu.wait_indirect_dma semaphore(%arg7 : memref<!tpu.dma_semaphore, #tpu.memory_space<semaphore_mem>>) src(%dma_wait3A_638 : memref<1568x16x384xf32, #tpu.memory_space<hbm>>) dst(%dma_wait3A_632 : memref<8x16x384xf32, #tpu.memory_space<vmem>>)
    %add3A_639 = arith.constant 80 : i32
    %add3A_640 = arith.addi %mul3A_4, %add3A_639 : i32
    %dma_start3A_641 = arith.constant 0 : i32
    %dma_start3A_642 = arith.constant 0 : i32
    %dma_start3A_643 = arith.constant 0 : i32
    %dma_start3A_644 = arith.constant 0 : i32
    %dma_start3A_645 = tpu.memref_slice %arg6[%dma_start3A_641, %dma_start3A_642, %dma_start3A_643, %dma_start3A_644] : memref<2x8x16x384xf32, #tpu.memory_space<vmem>> -> memref<1x8x16x384xf32, #tpu.memory_space<vmem>>
    %dma_start3A_646 = tpu.memref_squeeze %dma_start3A_645 : memref<1x8x16x384xf32, #tpu.memory_space<vmem>> -> memref<8x16x384xf32, #tpu.memory_space<vmem>>
    %dma_start3A_647 = arith.constant 0 : i32
    %dma_start3A_648 = arith.constant 0 : i32
    %dma_start3A_649 = tpu.memref_slice %arg4[%add3A_640, %dma_start3A_647, %dma_start3A_648] : memref<6272x16x384xf32, #tpu.memory_space<hbm>> -> memref<8x16x384xf32, #tpu.memory_space<hbm>>
    %dma_start3A_650 = arith.constant 0 : i32
    %dma_start3A_651 = arith.constant 0 : i32
    %dma_start3A_652 = tpu.memref_slice %arg4[%add3A_640, %dma_start3A_650, %dma_start3A_651] : memref<6272x16x384xf32, #tpu.memory_space<hbm>> -> memref<8x16x384xf32, #tpu.memory_space<hbm>>
    %dma_start3A_653 = arith.constant 0 : i32
    %dma_start3A_654 = arith.constant 0 : i32
    %dma_start3A_655 = arith.constant 0 : i32
    %dma_start3A_656 = tpu.memref_slice %arg6[%dma_start3A_641, %dma_start3A_653, %dma_start3A_654, %dma_start3A_655] : memref<2x8x16x384xf32, #tpu.memory_space<vmem>> -> memref<1x8x16x384xf32, #tpu.memory_space<vmem>>
    %dma_start3A_657 = tpu.memref_squeeze %dma_start3A_656 : memref<1x8x16x384xf32, #tpu.memory_space<vmem>> -> memref<8x16x384xf32, #tpu.memory_space<vmem>>
    tpu.enqueue_dma source(%dma_start3A_657 : memref<8x16x384xf32, #tpu.memory_space<vmem>>) target(%dma_start3A_652 : memref<8x16x384xf32, #tpu.memory_space<hbm>>) target_semaphore(%arg9 : memref<!tpu.dma_semaphore, #tpu.memory_space<semaphore_mem>>)
    %dma_wait3A_658 = arith.constant 0 : i32
    %dma_wait3A_659 = arith.constant 0 : i32
    %dma_wait3A_660 = arith.constant 0 : i32
    %dma_wait3A_661 = arith.constant 0 : i32
    %dma_wait3A_662 = tpu.memref_slice %arg6[%dma_wait3A_658, %dma_wait3A_659, %dma_wait3A_660, %dma_wait3A_661] : memref<2x8x16x384xf32, #tpu.memory_space<vmem>> -> memref<1x8x16x384xf32, #tpu.memory_space<vmem>>
    %dma_wait3A_663 = tpu.memref_squeeze %dma_wait3A_662 : memref<1x8x16x384xf32, #tpu.memory_space<vmem>> -> memref<8x16x384xf32, #tpu.memory_space<vmem>>
    %dma_wait3A_664 = arith.constant 0 : i32
    %dma_wait3A_665 = arith.constant 0 : i32
    %dma_wait3A_666 = tpu.memref_slice %arg4[%add3A_640, %dma_wait3A_664, %dma_wait3A_665] : memref<6272x16x384xf32, #tpu.memory_space<hbm>> -> memref<8x16x384xf32, #tpu.memory_space<hbm>>
    %dma_wait3A_667 = arith.constant 0 : i32
    %dma_wait3A_668 = arith.constant 0 : i32
    %dma_wait3A_669 = tpu.memref_slice %arg4[%add3A_640, %dma_wait3A_667, %dma_wait3A_668] : memref<6272x16x384xf32, #tpu.memory_space<hbm>> -> memref<8x16x384xf32, #tpu.memory_space<hbm>>
    %dma_wait3A_670 = arith.constant 0 : i32
    %dma_wait3A_671 = arith.constant 0 : i32
    %dma_wait3A_672 = arith.constant 0 : i32
    %dma_wait3A_673 = tpu.memref_slice %arg6[%dma_wait3A_658, %dma_wait3A_670, %dma_wait3A_671, %dma_wait3A_672] : memref<2x8x16x384xf32, #tpu.memory_space<vmem>> -> memref<1x8x16x384xf32, #tpu.memory_space<vmem>>
    %dma_wait3A_674 = tpu.memref_squeeze %dma_wait3A_673 : memref<1x8x16x384xf32, #tpu.memory_space<vmem>> -> memref<8x16x384xf32, #tpu.memory_space<vmem>>
    tpu.wait_dma2 semaphore(%arg9 : memref<!tpu.dma_semaphore, #tpu.memory_space<semaphore_mem>>) src(%dma_wait3A_674 : memref<8x16x384xf32, #tpu.memory_space<vmem>>) dst(%dma_wait3A_669 : memref<8x16x384xf32, #tpu.memory_space<hbm>>)
    %dma_start3A_675 = arith.constant 0 : i32
    %dma_start3A_676 = arith.constant 0 : i32
    %dma_start3A_677 = arith.constant 0 : i32
    %dma_start3A_678 = arith.constant 0 : i32
    %dma_start3A_679 = tpu.memref_slice %arg6[%dma_start3A_675, %dma_start3A_676, %dma_start3A_677, %dma_start3A_678] : memref<2x8x16x384xf32, #tpu.memory_space<vmem>> -> memref<1x8x16x384xf32, #tpu.memory_space<vmem>>
    %dma_start3A_680 = tpu.memref_squeeze %dma_start3A_679 : memref<1x8x16x384xf32, #tpu.memory_space<vmem>> -> memref<8x16x384xf32, #tpu.memory_space<vmem>>
    %dma_start3A_681 = arith.constant 96 : i32
    %dma_start3A_682 = tpu.memref_slice %arg5[%dma_start3A_681] : memref<256xi32, #tpu.memory_space<vmem>> -> memref<8xi32, #tpu.memory_space<vmem>>
    %dma_start3A_683 = arith.constant 0 : i32
    %dma_start3A_684 = arith.constant 0 : i32
    %dma_start3A_685 = arith.constant 0 : i32
    %dma_start3A_686 = tpu.memref_slice %arg3[%dma_start3A_683, %dma_start3A_684, %dma_start3A_685] : memref<1568x16x384xf32, #tpu.memory_space<hbm>> -> memref<1568x16x384xf32, #tpu.memory_space<hbm>>
    tpu.enqueue_indirect_dma source(%dma_start3A_686 : memref<1568x16x384xf32, #tpu.memory_space<hbm>>) target(%dma_start3A_680 : memref<8x16x384xf32, #tpu.memory_space<vmem>>) offsets(%dma_start3A_682 : memref<8xi32, #tpu.memory_space<vmem>>) semaphore(%arg7 : memref<!tpu.dma_semaphore, #tpu.memory_space<semaphore_mem>>)
    %dma_wait3A_687 = arith.constant 1 : i32
    %dma_wait3A_688 = arith.constant 0 : i32
    %dma_wait3A_689 = arith.constant 0 : i32
    %dma_wait3A_690 = arith.constant 0 : i32
    %dma_wait3A_691 = tpu.memref_slice %arg6[%dma_wait3A_687, %dma_wait3A_688, %dma_wait3A_689, %dma_wait3A_690] : memref<2x8x16x384xf32, #tpu.memory_space<vmem>> -> memref<1x8x16x384xf32, #tpu.memory_space<vmem>>
    %dma_wait3A_692 = tpu.memref_squeeze %dma_wait3A_691 : memref<1x8x16x384xf32, #tpu.memory_space<vmem>> -> memref<8x16x384xf32, #tpu.memory_space<vmem>>
    %dma_wait3A_693 = arith.constant 88 : i32
    %dma_wait3A_694 = tpu.memref_slice %arg5[%dma_wait3A_693] : memref<256xi32, #tpu.memory_space<vmem>> -> memref<8xi32, #tpu.memory_space<vmem>>
    %dma_wait3A_695 = arith.constant 0 : i32
    %dma_wait3A_696 = arith.constant 0 : i32
    %dma_wait3A_697 = arith.constant 0 : i32
    %dma_wait3A_698 = tpu.memref_slice %arg3[%dma_wait3A_695, %dma_wait3A_696, %dma_wait3A_697] : memref<1568x16x384xf32, #tpu.memory_space<hbm>> -> memref<1568x16x384xf32, #tpu.memory_space<hbm>>
    tpu.wait_indirect_dma semaphore(%arg8 : memref<!tpu.dma_semaphore, #tpu.memory_space<semaphore_mem>>) src(%dma_wait3A_698 : memref<1568x16x384xf32, #tpu.memory_space<hbm>>) dst(%dma_wait3A_692 : memref<8x16x384xf32, #tpu.memory_space<vmem>>)
    %add3A_699 = arith.constant 88 : i32
    %add3A_700 = arith.addi %mul3A_4, %add3A_699 : i32
    %dma_start3A_701 = arith.constant 1 : i32
    %dma_start3A_702 = arith.constant 0 : i32
    %dma_start3A_703 = arith.constant 0 : i32
    %dma_start3A_704 = arith.constant 0 : i32
    %dma_start3A_705 = tpu.memref_slice %arg6[%dma_start3A_701, %dma_start3A_702, %dma_start3A_703, %dma_start3A_704] : memref<2x8x16x384xf32, #tpu.memory_space<vmem>> -> memref<1x8x16x384xf32, #tpu.memory_space<vmem>>
    %dma_start3A_706 = tpu.memref_squeeze %dma_start3A_705 : memref<1x8x16x384xf32, #tpu.memory_space<vmem>> -> memref<8x16x384xf32, #tpu.memory_space<vmem>>
    %dma_start3A_707 = arith.constant 0 : i32
    %dma_start3A_708 = arith.constant 0 : i32
    %dma_start3A_709 = tpu.memref_slice %arg4[%add3A_700, %dma_start3A_707, %dma_start3A_708] : memref<6272x16x384xf32, #tpu.memory_space<hbm>> -> memref<8x16x384xf32, #tpu.memory_space<hbm>>
    %dma_start3A_710 = arith.constant 0 : i32
    %dma_start3A_711 = arith.constant 0 : i32
    %dma_start3A_712 = tpu.memref_slice %arg4[%add3A_700, %dma_start3A_710, %dma_start3A_711] : memref<6272x16x384xf32, #tpu.memory_space<hbm>> -> memref<8x16x384xf32, #tpu.memory_space<hbm>>
    %dma_start3A_713 = arith.constant 0 : i32
    %dma_start3A_714 = arith.constant 0 : i32
    %dma_start3A_715 = arith.constant 0 : i32
    %dma_start3A_716 = tpu.memref_slice %arg6[%dma_start3A_701, %dma_start3A_713, %dma_start3A_714, %dma_start3A_715] : memref<2x8x16x384xf32, #tpu.memory_space<vmem>> -> memref<1x8x16x384xf32, #tpu.memory_space<vmem>>
    %dma_start3A_717 = tpu.memref_squeeze %dma_start3A_716 : memref<1x8x16x384xf32, #tpu.memory_space<vmem>> -> memref<8x16x384xf32, #tpu.memory_space<vmem>>
    tpu.enqueue_dma source(%dma_start3A_717 : memref<8x16x384xf32, #tpu.memory_space<vmem>>) target(%dma_start3A_712 : memref<8x16x384xf32, #tpu.memory_space<hbm>>) target_semaphore(%arg10 : memref<!tpu.dma_semaphore, #tpu.memory_space<semaphore_mem>>)
    %dma_wait3A_718 = arith.constant 1 : i32
    %dma_wait3A_719 = arith.constant 0 : i32
    %dma_wait3A_720 = arith.constant 0 : i32
    %dma_wait3A_721 = arith.constant 0 : i32
    %dma_wait3A_722 = tpu.memref_slice %arg6[%dma_wait3A_718, %dma_wait3A_719, %dma_wait3A_720, %dma_wait3A_721] : memref<2x8x16x384xf32, #tpu.memory_space<vmem>> -> memref<1x8x16x384xf32, #tpu.memory_space<vmem>>
    %dma_wait3A_723 = tpu.memref_squeeze %dma_wait3A_722 : memref<1x8x16x384xf32, #tpu.memory_space<vmem>> -> memref<8x16x384xf32, #tpu.memory_space<vmem>>
    %dma_wait3A_724 = arith.constant 0 : i32
    %dma_wait3A_725 = arith.constant 0 : i32
    %dma_wait3A_726 = tpu.memref_slice %arg4[%add3A_700, %dma_wait3A_724, %dma_wait3A_725] : memref<6272x16x384xf32, #tpu.memory_space<hbm>> -> memref<8x16x384xf32, #tpu.memory_space<hbm>>
    %dma_wait3A_727 = arith.constant 0 : i32
    %dma_wait3A_728 = arith.constant 0 : i32
    %dma_wait3A_729 = tpu.memref_slice %arg4[%add3A_700, %dma_wait3A_727, %dma_wait3A_728] : memref<6272x16x384xf32, #tpu.memory_space<hbm>> -> memref<8x16x384xf32, #tpu.memory_space<hbm>>
    %dma_wait3A_730 = arith.constant 0 : i32
    %dma_wait3A_731 = arith.constant 0 : i32
    %dma_wait3A_732 = arith.constant 0 : i32
    %dma_wait3A_733 = tpu.memref_slice %arg6[%dma_wait3A_718, %dma_wait3A_730, %dma_wait3A_731, %dma_wait3A_732] : memref<2x8x16x384xf32, #tpu.memory_space<vmem>> -> memref<1x8x16x384xf32, #tpu.memory_space<vmem>>
    %dma_wait3A_734 = tpu.memref_squeeze %dma_wait3A_733 : memref<1x8x16x384xf32, #tpu.memory_space<vmem>> -> memref<8x16x384xf32, #tpu.memory_space<vmem>>
    tpu.wait_dma2 semaphore(%arg10 : memref<!tpu.dma_semaphore, #tpu.memory_space<semaphore_mem>>) src(%dma_wait3A_734 : memref<8x16x384xf32, #tpu.memory_space<vmem>>) dst(%dma_wait3A_729 : memref<8x16x384xf32, #tpu.memory_space<hbm>>)
    %dma_start3A_735 = arith.constant 1 : i32
    %dma_start3A_736 = arith.constant 0 : i32
    %dma_start3A_737 = arith.constant 0 : i32
    %dma_start3A_738 = arith.constant 0 : i32
    %dma_start3A_739 = tpu.memref_slice %arg6[%dma_start3A_735, %dma_start3A_736, %dma_start3A_737, %dma_start3A_738] : memref<2x8x16x384xf32, #tpu.memory_space<vmem>> -> memref<1x8x16x384xf32, #tpu.memory_space<vmem>>
    %dma_start3A_740 = tpu.memref_squeeze %dma_start3A_739 : memref<1x8x16x384xf32, #tpu.memory_space<vmem>> -> memref<8x16x384xf32, #tpu.memory_space<vmem>>
    %dma_start3A_741 = arith.constant 104 : i32
    %dma_start3A_742 = tpu.memref_slice %arg5[%dma_start3A_741] : memref<256xi32, #tpu.memory_space<vmem>> -> memref<8xi32, #tpu.memory_space<vmem>>
    %dma_start3A_743 = arith.constant 0 : i32
    %dma_start3A_744 = arith.constant 0 : i32
    %dma_start3A_745 = arith.constant 0 : i32
    %dma_start3A_746 = tpu.memref_slice %arg3[%dma_start3A_743, %dma_start3A_744, %dma_start3A_745] : memref<1568x16x384xf32, #tpu.memory_space<hbm>> -> memref<1568x16x384xf32, #tpu.memory_space<hbm>>
    tpu.enqueue_indirect_dma source(%dma_start3A_746 : memref<1568x16x384xf32, #tpu.memory_space<hbm>>) target(%dma_start3A_740 : memref<8x16x384xf32, #tpu.memory_space<vmem>>) offsets(%dma_start3A_742 : memref<8xi32, #tpu.memory_space<vmem>>) semaphore(%arg8 : memref<!tpu.dma_semaphore, #tpu.memory_space<semaphore_mem>>)
    %dma_wait3A_747 = arith.constant 0 : i32
    %dma_wait3A_748 = arith.constant 0 : i32
    %dma_wait3A_749 = arith.constant 0 : i32
    %dma_wait3A_750 = arith.constant 0 : i32
    %dma_wait3A_751 = tpu.memref_slice %arg6[%dma_wait3A_747, %dma_wait3A_748, %dma_wait3A_749, %dma_wait3A_750] : memref<2x8x16x384xf32, #tpu.memory_space<vmem>> -> memref<1x8x16x384xf32, #tpu.memory_space<vmem>>
    %dma_wait3A_752 = tpu.memref_squeeze %dma_wait3A_751 : memref<1x8x16x384xf32, #tpu.memory_space<vmem>> -> memref<8x16x384xf32, #tpu.memory_space<vmem>>
    %dma_wait3A_753 = arith.constant 96 : i32
    %dma_wait3A_754 = tpu.memref_slice %arg5[%dma_wait3A_753] : memref<256xi32, #tpu.memory_space<vmem>> -> memref<8xi32, #tpu.memory_space<vmem>>
    %dma_wait3A_755 = arith.constant 0 : i32
    %dma_wait3A_756 = arith.constant 0 : i32
    %dma_wait3A_757 = arith.constant 0 : i32
    %dma_wait3A_758 = tpu.memref_slice %arg3[%dma_wait3A_755, %dma_wait3A_756, %dma_wait3A_757] : memref<1568x16x384xf32, #tpu.memory_space<hbm>> -> memref<1568x16x384xf32, #tpu.memory_space<hbm>>
    tpu.wait_indirect_dma semaphore(%arg7 : memref<!tpu.dma_semaphore, #tpu.memory_space<semaphore_mem>>) src(%dma_wait3A_758 : memref<1568x16x384xf32, #tpu.memory_space<hbm>>) dst(%dma_wait3A_752 : memref<8x16x384xf32, #tpu.memory_space<vmem>>)
    %add3A_759 = arith.constant 96 : i32
    %add3A_760 = arith.addi %mul3A_4, %add3A_759 : i32
    %dma_start3A_761 = arith.constant 0 : i32
    %dma_start3A_762 = arith.constant 0 : i32
    %dma_start3A_763 = arith.constant 0 : i32
    %dma_start3A_764 = arith.constant 0 : i32
    %dma_start3A_765 = tpu.memref_slice %arg6[%dma_start3A_761, %dma_start3A_762, %dma_start3A_763, %dma_start3A_764] : memref<2x8x16x384xf32, #tpu.memory_space<vmem>> -> memref<1x8x16x384xf32, #tpu.memory_space<vmem>>
    %dma_start3A_766 = tpu.memref_squeeze %dma_start3A_765 : memref<1x8x16x384xf32, #tpu.memory_space<vmem>> -> memref<8x16x384xf32, #tpu.memory_space<vmem>>
    %dma_start3A_767 = arith.constant 0 : i32
    %dma_start3A_768 = arith.constant 0 : i32
    %dma_start3A_769 = tpu.memref_slice %arg4[%add3A_760, %dma_start3A_767, %dma_start3A_768] : memref<6272x16x384xf32, #tpu.memory_space<hbm>> -> memref<8x16x384xf32, #tpu.memory_space<hbm>>
    %dma_start3A_770 = arith.constant 0 : i32
    %dma_start3A_771 = arith.constant 0 : i32
    %dma_start3A_772 = tpu.memref_slice %arg4[%add3A_760, %dma_start3A_770, %dma_start3A_771] : memref<6272x16x384xf32, #tpu.memory_space<hbm>> -> memref<8x16x384xf32, #tpu.memory_space<hbm>>
    %dma_start3A_773 = arith.constant 0 : i32
    %dma_start3A_774 = arith.constant 0 : i32
    %dma_start3A_775 = arith.constant 0 : i32
    %dma_start3A_776 = tpu.memref_slice %arg6[%dma_start3A_761, %dma_start3A_773, %dma_start3A_774, %dma_start3A_775] : memref<2x8x16x384xf32, #tpu.memory_space<vmem>> -> memref<1x8x16x384xf32, #tpu.memory_space<vmem>>
    %dma_start3A_777 = tpu.memref_squeeze %dma_start3A_776 : memref<1x8x16x384xf32, #tpu.memory_space<vmem>> -> memref<8x16x384xf32, #tpu.memory_space<vmem>>
    tpu.enqueue_dma source(%dma_start3A_777 : memref<8x16x384xf32, #tpu.memory_space<vmem>>) target(%dma_start3A_772 : memref<8x16x384xf32, #tpu.memory_space<hbm>>) target_semaphore(%arg9 : memref<!tpu.dma_semaphore, #tpu.memory_space<semaphore_mem>>)
    %dma_wait3A_778 = arith.constant 0 : i32
    %dma_wait3A_779 = arith.constant 0 : i32
    %dma_wait3A_780 = arith.constant 0 : i32
    %dma_wait3A_781 = arith.constant 0 : i32
    %dma_wait3A_782 = tpu.memref_slice %arg6[%dma_wait3A_778, %dma_wait3A_779, %dma_wait3A_780, %dma_wait3A_781] : memref<2x8x16x384xf32, #tpu.memory_space<vmem>> -> memref<1x8x16x384xf32, #tpu.memory_space<vmem>>
    %dma_wait3A_783 = tpu.memref_squeeze %dma_wait3A_782 : memref<1x8x16x384xf32, #tpu.memory_space<vmem>> -> memref<8x16x384xf32, #tpu.memory_space<vmem>>
    %dma_wait3A_784 = arith.constant 0 : i32
    %dma_wait3A_785 = arith.constant 0 : i32
    %dma_wait3A_786 = tpu.memref_slice %arg4[%add3A_760, %dma_wait3A_784, %dma_wait3A_785] : memref<6272x16x384xf32, #tpu.memory_space<hbm>> -> memref<8x16x384xf32, #tpu.memory_space<hbm>>
    %dma_wait3A_787 = arith.constant 0 : i32
    %dma_wait3A_788 = arith.constant 0 : i32
    %dma_wait3A_789 = tpu.memref_slice %arg4[%add3A_760, %dma_wait3A_787, %dma_wait3A_788] : memref<6272x16x384xf32, #tpu.memory_space<hbm>> -> memref<8x16x384xf32, #tpu.memory_space<hbm>>
    %dma_wait3A_790 = arith.constant 0 : i32
    %dma_wait3A_791 = arith.constant 0 : i32
    %dma_wait3A_792 = arith.constant 0 : i32
    %dma_wait3A_793 = tpu.memref_slice %arg6[%dma_wait3A_778, %dma_wait3A_790, %dma_wait3A_791, %dma_wait3A_792] : memref<2x8x16x384xf32, #tpu.memory_space<vmem>> -> memref<1x8x16x384xf32, #tpu.memory_space<vmem>>
    %dma_wait3A_794 = tpu.memref_squeeze %dma_wait3A_793 : memref<1x8x16x384xf32, #tpu.memory_space<vmem>> -> memref<8x16x384xf32, #tpu.memory_space<vmem>>
    tpu.wait_dma2 semaphore(%arg9 : memref<!tpu.dma_semaphore, #tpu.memory_space<semaphore_mem>>) src(%dma_wait3A_794 : memref<8x16x384xf32, #tpu.memory_space<vmem>>) dst(%dma_wait3A_789 : memref<8x16x384xf32, #tpu.memory_space<hbm>>)
    %dma_start3A_795 = arith.constant 0 : i32
    %dma_start3A_796 = arith.constant 0 : i32
    %dma_start3A_797 = arith.constant 0 : i32
    %dma_start3A_798 = arith.constant 0 : i32
    %dma_start3A_799 = tpu.memref_slice %arg6[%dma_start3A_795, %dma_start3A_796, %dma_start3A_797, %dma_start3A_798] : memref<2x8x16x384xf32, #tpu.memory_space<vmem>> -> memref<1x8x16x384xf32, #tpu.memory_space<vmem>>
    %dma_start3A_800 = tpu.memref_squeeze %dma_start3A_799 : memref<1x8x16x384xf32, #tpu.memory_space<vmem>> -> memref<8x16x384xf32, #tpu.memory_space<vmem>>
    %dma_start3A_801 = arith.constant 112 : i32
    %dma_start3A_802 = tpu.memref_slice %arg5[%dma_start3A_801] : memref<256xi32, #tpu.memory_space<vmem>> -> memref<8xi32, #tpu.memory_space<vmem>>
    %dma_start3A_803 = arith.constant 0 : i32
    %dma_start3A_804 = arith.constant 0 : i32
    %dma_start3A_805 = arith.constant 0 : i32
    %dma_start3A_806 = tpu.memref_slice %arg3[%dma_start3A_803, %dma_start3A_804, %dma_start3A_805] : memref<1568x16x384xf32, #tpu.memory_space<hbm>> -> memref<1568x16x384xf32, #tpu.memory_space<hbm>>
    tpu.enqueue_indirect_dma source(%dma_start3A_806 : memref<1568x16x384xf32, #tpu.memory_space<hbm>>) target(%dma_start3A_800 : memref<8x16x384xf32, #tpu.memory_space<vmem>>) offsets(%dma_start3A_802 : memref<8xi32, #tpu.memory_space<vmem>>) semaphore(%arg7 : memref<!tpu.dma_semaphore, #tpu.memory_space<semaphore_mem>>)
    %dma_wait3A_807 = arith.constant 1 : i32
    %dma_wait3A_808 = arith.constant 0 : i32
    %dma_wait3A_809 = arith.constant 0 : i32
    %dma_wait3A_810 = arith.constant 0 : i32
    %dma_wait3A_811 = tpu.memref_slice %arg6[%dma_wait3A_807, %dma_wait3A_808, %dma_wait3A_809, %dma_wait3A_810] : memref<2x8x16x384xf32, #tpu.memory_space<vmem>> -> memref<1x8x16x384xf32, #tpu.memory_space<vmem>>
    %dma_wait3A_812 = tpu.memref_squeeze %dma_wait3A_811 : memref<1x8x16x384xf32, #tpu.memory_space<vmem>> -> memref<8x16x384xf32, #tpu.memory_space<vmem>>
    %dma_wait3A_813 = arith.constant 104 : i32
    %dma_wait3A_814 = tpu.memref_slice %arg5[%dma_wait3A_813] : memref<256xi32, #tpu.memory_space<vmem>> -> memref<8xi32, #tpu.memory_space<vmem>>
    %dma_wait3A_815 = arith.constant 0 : i32
    %dma_wait3A_816 = arith.constant 0 : i32
    %dma_wait3A_817 = arith.constant 0 : i32
    %dma_wait3A_818 = tpu.memref_slice %arg3[%dma_wait3A_815, %dma_wait3A_816, %dma_wait3A_817] : memref<1568x16x384xf32, #tpu.memory_space<hbm>> -> memref<1568x16x384xf32, #tpu.memory_space<hbm>>
    tpu.wait_indirect_dma semaphore(%arg8 : memref<!tpu.dma_semaphore, #tpu.memory_space<semaphore_mem>>) src(%dma_wait3A_818 : memref<1568x16x384xf32, #tpu.memory_space<hbm>>) dst(%dma_wait3A_812 : memref<8x16x384xf32, #tpu.memory_space<vmem>>)
    %add3A_819 = arith.constant 104 : i32
    %add3A_820 = arith.addi %mul3A_4, %add3A_819 : i32
    %dma_start3A_821 = arith.constant 1 : i32
    %dma_start3A_822 = arith.constant 0 : i32
    %dma_start3A_823 = arith.constant 0 : i32
    %dma_start3A_824 = arith.constant 0 : i32
    %dma_start3A_825 = tpu.memref_slice %arg6[%dma_start3A_821, %dma_start3A_822, %dma_start3A_823, %dma_start3A_824] : memref<2x8x16x384xf32, #tpu.memory_space<vmem>> -> memref<1x8x16x384xf32, #tpu.memory_space<vmem>>
    %dma_start3A_826 = tpu.memref_squeeze %dma_start3A_825 : memref<1x8x16x384xf32, #tpu.memory_space<vmem>> -> memref<8x16x384xf32, #tpu.memory_space<vmem>>
    %dma_start3A_827 = arith.constant 0 : i32
    %dma_start3A_828 = arith.constant 0 : i32
    %dma_start3A_829 = tpu.memref_slice %arg4[%add3A_820, %dma_start3A_827, %dma_start3A_828] : memref<6272x16x384xf32, #tpu.memory_space<hbm>> -> memref<8x16x384xf32, #tpu.memory_space<hbm>>
    %dma_start3A_830 = arith.constant 0 : i32
    %dma_start3A_831 = arith.constant 0 : i32
    %dma_start3A_832 = tpu.memref_slice %arg4[%add3A_820, %dma_start3A_830, %dma_start3A_831] : memref<6272x16x384xf32, #tpu.memory_space<hbm>> -> memref<8x16x384xf32, #tpu.memory_space<hbm>>
    %dma_start3A_833 = arith.constant 0 : i32
    %dma_start3A_834 = arith.constant 0 : i32
    %dma_start3A_835 = arith.constant 0 : i32
    %dma_start3A_836 = tpu.memref_slice %arg6[%dma_start3A_821, %dma_start3A_833, %dma_start3A_834, %dma_start3A_835] : memref<2x8x16x384xf32, #tpu.memory_space<vmem>> -> memref<1x8x16x384xf32, #tpu.memory_space<vmem>>
    %dma_start3A_837 = tpu.memref_squeeze %dma_start3A_836 : memref<1x8x16x384xf32, #tpu.memory_space<vmem>> -> memref<8x16x384xf32, #tpu.memory_space<vmem>>
    tpu.enqueue_dma source(%dma_start3A_837 : memref<8x16x384xf32, #tpu.memory_space<vmem>>) target(%dma_start3A_832 : memref<8x16x384xf32, #tpu.memory_space<hbm>>) target_semaphore(%arg10 : memref<!tpu.dma_semaphore, #tpu.memory_space<semaphore_mem>>)
    %dma_wait3A_838 = arith.constant 1 : i32
    %dma_wait3A_839 = arith.constant 0 : i32
    %dma_wait3A_840 = arith.constant 0 : i32
    %dma_wait3A_841 = arith.constant 0 : i32
    %dma_wait3A_842 = tpu.memref_slice %arg6[%dma_wait3A_838, %dma_wait3A_839, %dma_wait3A_840, %dma_wait3A_841] : memref<2x8x16x384xf32, #tpu.memory_space<vmem>> -> memref<1x8x16x384xf32, #tpu.memory_space<vmem>>
    %dma_wait3A_843 = tpu.memref_squeeze %dma_wait3A_842 : memref<1x8x16x384xf32, #tpu.memory_space<vmem>> -> memref<8x16x384xf32, #tpu.memory_space<vmem>>
    %dma_wait3A_844 = arith.constant 0 : i32
    %dma_wait3A_845 = arith.constant 0 : i32
    %dma_wait3A_846 = tpu.memref_slice %arg4[%add3A_820, %dma_wait3A_844, %dma_wait3A_845] : memref<6272x16x384xf32, #tpu.memory_space<hbm>> -> memref<8x16x384xf32, #tpu.memory_space<hbm>>
    %dma_wait3A_847 = arith.constant 0 : i32
    %dma_wait3A_848 = arith.constant 0 : i32
    %dma_wait3A_849 = tpu.memref_slice %arg4[%add3A_820, %dma_wait3A_847, %dma_wait3A_848] : memref<6272x16x384xf32, #tpu.memory_space<hbm>> -> memref<8x16x384xf32, #tpu.memory_space<hbm>>
    %dma_wait3A_850 = arith.constant 0 : i32
    %dma_wait3A_851 = arith.constant 0 : i32
    %dma_wait3A_852 = arith.constant 0 : i32
    %dma_wait3A_853 = tpu.memref_slice %arg6[%dma_wait3A_838, %dma_wait3A_850, %dma_wait3A_851, %dma_wait3A_852] : memref<2x8x16x384xf32, #tpu.memory_space<vmem>> -> memref<1x8x16x384xf32, #tpu.memory_space<vmem>>
    %dma_wait3A_854 = tpu.memref_squeeze %dma_wait3A_853 : memref<1x8x16x384xf32, #tpu.memory_space<vmem>> -> memref<8x16x384xf32, #tpu.memory_space<vmem>>
    tpu.wait_dma2 semaphore(%arg10 : memref<!tpu.dma_semaphore, #tpu.memory_space<semaphore_mem>>) src(%dma_wait3A_854 : memref<8x16x384xf32, #tpu.memory_space<vmem>>) dst(%dma_wait3A_849 : memref<8x16x384xf32, #tpu.memory_space<hbm>>)
    %dma_start3A_855 = arith.constant 1 : i32
    %dma_start3A_856 = arith.constant 0 : i32
    %dma_start3A_857 = arith.constant 0 : i32
    %dma_start3A_858 = arith.constant 0 : i32
    %dma_start3A_859 = tpu.memref_slice %arg6[%dma_start3A_855, %dma_start3A_856, %dma_start3A_857, %dma_start3A_858] : memref<2x8x16x384xf32, #tpu.memory_space<vmem>> -> memref<1x8x16x384xf32, #tpu.memory_space<vmem>>
    %dma_start3A_860 = tpu.memref_squeeze %dma_start3A_859 : memref<1x8x16x384xf32, #tpu.memory_space<vmem>> -> memref<8x16x384xf32, #tpu.memory_space<vmem>>
    %dma_start3A_861 = arith.constant 120 : i32
    %dma_start3A_862 = tpu.memref_slice %arg5[%dma_start3A_861] : memref<256xi32, #tpu.memory_space<vmem>> -> memref<8xi32, #tpu.memory_space<vmem>>
    %dma_start3A_863 = arith.constant 0 : i32
    %dma_start3A_864 = arith.constant 0 : i32
    %dma_start3A_865 = arith.constant 0 : i32
    %dma_start3A_866 = tpu.memref_slice %arg3[%dma_start3A_863, %dma_start3A_864, %dma_start3A_865] : memref<1568x16x384xf32, #tpu.memory_space<hbm>> -> memref<1568x16x384xf32, #tpu.memory_space<hbm>>
    tpu.enqueue_indirect_dma source(%dma_start3A_866 : memref<1568x16x384xf32, #tpu.memory_space<hbm>>) target(%dma_start3A_860 : memref<8x16x384xf32, #tpu.memory_space<vmem>>) offsets(%dma_start3A_862 : memref<8xi32, #tpu.memory_space<vmem>>) semaphore(%arg8 : memref<!tpu.dma_semaphore, #tpu.memory_space<semaphore_mem>>)
    %dma_wait3A_867 = arith.constant 0 : i32
    %dma_wait3A_868 = arith.constant 0 : i32
    %dma_wait3A_869 = arith.constant 0 : i32
    %dma_wait3A_870 = arith.constant 0 : i32
    %dma_wait3A_871 = tpu.memref_slice %arg6[%dma_wait3A_867, %dma_wait3A_868, %dma_wait3A_869, %dma_wait3A_870] : memref<2x8x16x384xf32, #tpu.memory_space<vmem>> -> memref<1x8x16x384xf32, #tpu.memory_space<vmem>>
    %dma_wait3A_872 = tpu.memref_squeeze %dma_wait3A_871 : memref<1x8x16x384xf32, #tpu.memory_space<vmem>> -> memref<8x16x384xf32, #tpu.memory_space<vmem>>
    %dma_wait3A_873 = arith.constant 112 : i32
    %dma_wait3A_874 = tpu.memref_slice %arg5[%dma_wait3A_873] : memref<256xi32, #tpu.memory_space<vmem>> -> memref<8xi32, #tpu.memory_space<vmem>>
    %dma_wait3A_875 = arith.constant 0 : i32
    %dma_wait3A_876 = arith.constant 0 : i32
    %dma_wait3A_877 = arith.constant 0 : i32
    %dma_wait3A_878 = tpu.memref_slice %arg3[%dma_wait3A_875, %dma_wait3A_876, %dma_wait3A_877] : memref<1568x16x384xf32, #tpu.memory_space<hbm>> -> memref<1568x16x384xf32, #tpu.memory_space<hbm>>
    tpu.wait_indirect_dma semaphore(%arg7 : memref<!tpu.dma_semaphore, #tpu.memory_space<semaphore_mem>>) src(%dma_wait3A_878 : memref<1568x16x384xf32, #tpu.memory_space<hbm>>) dst(%dma_wait3A_872 : memref<8x16x384xf32, #tpu.memory_space<vmem>>)
    %add3A_879 = arith.constant 112 : i32
    %add3A_880 = arith.addi %mul3A_4, %add3A_879 : i32
    %dma_start3A_881 = arith.constant 0 : i32
    %dma_start3A_882 = arith.constant 0 : i32
    %dma_start3A_883 = arith.constant 0 : i32
    %dma_start3A_884 = arith.constant 0 : i32
    %dma_start3A_885 = tpu.memref_slice %arg6[%dma_start3A_881, %dma_start3A_882, %dma_start3A_883, %dma_start3A_884] : memref<2x8x16x384xf32, #tpu.memory_space<vmem>> -> memref<1x8x16x384xf32, #tpu.memory_space<vmem>>
    %dma_start3A_886 = tpu.memref_squeeze %dma_start3A_885 : memref<1x8x16x384xf32, #tpu.memory_space<vmem>> -> memref<8x16x384xf32, #tpu.memory_space<vmem>>
    %dma_start3A_887 = arith.constant 0 : i32
    %dma_start3A_888 = arith.constant 0 : i32
    %dma_start3A_889 = tpu.memref_slice %arg4[%add3A_880, %dma_start3A_887, %dma_start3A_888] : memref<6272x16x384xf32, #tpu.memory_space<hbm>> -> memref<8x16x384xf32, #tpu.memory_space<hbm>>
    %dma_start3A_890 = arith.constant 0 : i32
    %dma_start3A_891 = arith.constant 0 : i32
    %dma_start3A_892 = tpu.memref_slice %arg4[%add3A_880, %dma_start3A_890, %dma_start3A_891] : memref<6272x16x384xf32, #tpu.memory_space<hbm>> -> memref<8x16x384xf32, #tpu.memory_space<hbm>>
    %dma_start3A_893 = arith.constant 0 : i32
    %dma_start3A_894 = arith.constant 0 : i32
    %dma_start3A_895 = arith.constant 0 : i32
    %dma_start3A_896 = tpu.memref_slice %arg6[%dma_start3A_881, %dma_start3A_893, %dma_start3A_894, %dma_start3A_895] : memref<2x8x16x384xf32, #tpu.memory_space<vmem>> -> memref<1x8x16x384xf32, #tpu.memory_space<vmem>>
    %dma_start3A_897 = tpu.memref_squeeze %dma_start3A_896 : memref<1x8x16x384xf32, #tpu.memory_space<vmem>> -> memref<8x16x384xf32, #tpu.memory_space<vmem>>
    tpu.enqueue_dma source(%dma_start3A_897 : memref<8x16x384xf32, #tpu.memory_space<vmem>>) target(%dma_start3A_892 : memref<8x16x384xf32, #tpu.memory_space<hbm>>) target_semaphore(%arg9 : memref<!tpu.dma_semaphore, #tpu.memory_space<semaphore_mem>>)
    %dma_wait3A_898 = arith.constant 0 : i32
    %dma_wait3A_899 = arith.constant 0 : i32
    %dma_wait3A_900 = arith.constant 0 : i32
    %dma_wait3A_901 = arith.constant 0 : i32
    %dma_wait3A_902 = tpu.memref_slice %arg6[%dma_wait3A_898, %dma_wait3A_899, %dma_wait3A_900, %dma_wait3A_901] : memref<2x8x16x384xf32, #tpu.memory_space<vmem>> -> memref<1x8x16x384xf32, #tpu.memory_space<vmem>>
    %dma_wait3A_903 = tpu.memref_squeeze %dma_wait3A_902 : memref<1x8x16x384xf32, #tpu.memory_space<vmem>> -> memref<8x16x384xf32, #tpu.memory_space<vmem>>
    %dma_wait3A_904 = arith.constant 0 : i32
    %dma_wait3A_905 = arith.constant 0 : i32
    %dma_wait3A_906 = tpu.memref_slice %arg4[%add3A_880, %dma_wait3A_904, %dma_wait3A_905] : memref<6272x16x384xf32, #tpu.memory_space<hbm>> -> memref<8x16x384xf32, #tpu.memory_space<hbm>>
    %dma_wait3A_907 = arith.constant 0 : i32
    %dma_wait3A_908 = arith.constant 0 : i32
    %dma_wait3A_909 = tpu.memref_slice %arg4[%add3A_880, %dma_wait3A_907, %dma_wait3A_908] : memref<6272x16x384xf32, #tpu.memory_space<hbm>> -> memref<8x16x384xf32, #tpu.memory_space<hbm>>
    %dma_wait3A_910 = arith.constant 0 : i32
    %dma_wait3A_911 = arith.constant 0 : i32
    %dma_wait3A_912 = arith.constant 0 : i32
    %dma_wait3A_913 = tpu.memref_slice %arg6[%dma_wait3A_898, %dma_wait3A_910, %dma_wait3A_911, %dma_wait3A_912] : memref<2x8x16x384xf32, #tpu.memory_space<vmem>> -> memref<1x8x16x384xf32, #tpu.memory_space<vmem>>
    %dma_wait3A_914 = tpu.memref_squeeze %dma_wait3A_913 : memref<1x8x16x384xf32, #tpu.memory_space<vmem>> -> memref<8x16x384xf32, #tpu.memory_space<vmem>>
    tpu.wait_dma2 semaphore(%arg9 : memref<!tpu.dma_semaphore, #tpu.memory_space<semaphore_mem>>) src(%dma_wait3A_914 : memref<8x16x384xf32, #tpu.memory_space<vmem>>) dst(%dma_wait3A_909 : memref<8x16x384xf32, #tpu.memory_space<hbm>>)
    %dma_start3A_915 = arith.constant 0 : i32
    %dma_start3A_916 = arith.constant 0 : i32
    %dma_start3A_917 = arith.constant 0 : i32
    %dma_start3A_918 = arith.constant 0 : i32
    %dma_start3A_919 = tpu.memref_slice %arg6[%dma_start3A_915, %dma_start3A_916, %dma_start3A_917, %dma_start3A_918] : memref<2x8x16x384xf32, #tpu.memory_space<vmem>> -> memref<1x8x16x384xf32, #tpu.memory_space<vmem>>
    %dma_start3A_920 = tpu.memref_squeeze %dma_start3A_919 : memref<1x8x16x384xf32, #tpu.memory_space<vmem>> -> memref<8x16x384xf32, #tpu.memory_space<vmem>>
    %dma_start3A_921 = arith.constant 128 : i32
    %dma_start3A_922 = tpu.memref_slice %arg5[%dma_start3A_921] : memref<256xi32, #tpu.memory_space<vmem>> -> memref<8xi32, #tpu.memory_space<vmem>>
    %dma_start3A_923 = arith.constant 0 : i32
    %dma_start3A_924 = arith.constant 0 : i32
    %dma_start3A_925 = arith.constant 0 : i32
    %dma_start3A_926 = tpu.memref_slice %arg3[%dma_start3A_923, %dma_start3A_924, %dma_start3A_925] : memref<1568x16x384xf32, #tpu.memory_space<hbm>> -> memref<1568x16x384xf32, #tpu.memory_space<hbm>>
    tpu.enqueue_indirect_dma source(%dma_start3A_926 : memref<1568x16x384xf32, #tpu.memory_space<hbm>>) target(%dma_start3A_920 : memref<8x16x384xf32, #tpu.memory_space<vmem>>) offsets(%dma_start3A_922 : memref<8xi32, #tpu.memory_space<vmem>>) semaphore(%arg7 : memref<!tpu.dma_semaphore, #tpu.memory_space<semaphore_mem>>)
    %dma_wait3A_927 = arith.constant 1 : i32
    %dma_wait3A_928 = arith.constant 0 : i32
    %dma_wait3A_929 = arith.constant 0 : i32
    %dma_wait3A_930 = arith.constant 0 : i32
    %dma_wait3A_931 = tpu.memref_slice %arg6[%dma_wait3A_927, %dma_wait3A_928, %dma_wait3A_929, %dma_wait3A_930] : memref<2x8x16x384xf32, #tpu.memory_space<vmem>> -> memref<1x8x16x384xf32, #tpu.memory_space<vmem>>
    %dma_wait3A_932 = tpu.memref_squeeze %dma_wait3A_931 : memref<1x8x16x384xf32, #tpu.memory_space<vmem>> -> memref<8x16x384xf32, #tpu.memory_space<vmem>>
    %dma_wait3A_933 = arith.constant 120 : i32
    %dma_wait3A_934 = tpu.memref_slice %arg5[%dma_wait3A_933] : memref<256xi32, #tpu.memory_space<vmem>> -> memref<8xi32, #tpu.memory_space<vmem>>
    %dma_wait3A_935 = arith.constant 0 : i32
    %dma_wait3A_936 = arith.constant 0 : i32
    %dma_wait3A_937 = arith.constant 0 : i32
    %dma_wait3A_938 = tpu.memref_slice %arg3[%dma_wait3A_935, %dma_wait3A_936, %dma_wait3A_937] : memref<1568x16x384xf32, #tpu.memory_space<hbm>> -> memref<1568x16x384xf32, #tpu.memory_space<hbm>>
    tpu.wait_indirect_dma semaphore(%arg8 : memref<!tpu.dma_semaphore, #tpu.memory_space<semaphore_mem>>) src(%dma_wait3A_938 : memref<1568x16x384xf32, #tpu.memory_space<hbm>>) dst(%dma_wait3A_932 : memref<8x16x384xf32, #tpu.memory_space<vmem>>)
    %add3A_939 = arith.constant 120 : i32
    %add3A_940 = arith.addi %mul3A_4, %add3A_939 : i32
    %dma_start3A_941 = arith.constant 1 : i32
    %dma_start3A_942 = arith.constant 0 : i32
    %dma_start3A_943 = arith.constant 0 : i32
    %dma_start3A_944 = arith.constant 0 : i32
    %dma_start3A_945 = tpu.memref_slice %arg6[%dma_start3A_941, %dma_start3A_942, %dma_start3A_943, %dma_start3A_944] : memref<2x8x16x384xf32, #tpu.memory_space<vmem>> -> memref<1x8x16x384xf32, #tpu.memory_space<vmem>>
    %dma_start3A_946 = tpu.memref_squeeze %dma_start3A_945 : memref<1x8x16x384xf32, #tpu.memory_space<vmem>> -> memref<8x16x384xf32, #tpu.memory_space<vmem>>
    %dma_start3A_947 = arith.constant 0 : i32
    %dma_start3A_948 = arith.constant 0 : i32
    %dma_start3A_949 = tpu.memref_slice %arg4[%add3A_940, %dma_start3A_947, %dma_start3A_948] : memref<6272x16x384xf32, #tpu.memory_space<hbm>> -> memref<8x16x384xf32, #tpu.memory_space<hbm>>
    %dma_start3A_950 = arith.constant 0 : i32
    %dma_start3A_951 = arith.constant 0 : i32
    %dma_start3A_952 = tpu.memref_slice %arg4[%add3A_940, %dma_start3A_950, %dma_start3A_951] : memref<6272x16x384xf32, #tpu.memory_space<hbm>> -> memref<8x16x384xf32, #tpu.memory_space<hbm>>
    %dma_start3A_953 = arith.constant 0 : i32
    %dma_start3A_954 = arith.constant 0 : i32
    %dma_start3A_955 = arith.constant 0 : i32
    %dma_start3A_956 = tpu.memref_slice %arg6[%dma_start3A_941, %dma_start3A_953, %dma_start3A_954, %dma_start3A_955] : memref<2x8x16x384xf32, #tpu.memory_space<vmem>> -> memref<1x8x16x384xf32, #tpu.memory_space<vmem>>
    %dma_start3A_957 = tpu.memref_squeeze %dma_start3A_956 : memref<1x8x16x384xf32, #tpu.memory_space<vmem>> -> memref<8x16x384xf32, #tpu.memory_space<vmem>>
    tpu.enqueue_dma source(%dma_start3A_957 : memref<8x16x384xf32, #tpu.memory_space<vmem>>) target(%dma_start3A_952 : memref<8x16x384xf32, #tpu.memory_space<hbm>>) target_semaphore(%arg10 : memref<!tpu.dma_semaphore, #tpu.memory_space<semaphore_mem>>)
    %dma_wait3A_958 = arith.constant 1 : i32
    %dma_wait3A_959 = arith.constant 0 : i32
    %dma_wait3A_960 = arith.constant 0 : i32
    %dma_wait3A_961 = arith.constant 0 : i32
    %dma_wait3A_962 = tpu.memref_slice %arg6[%dma_wait3A_958, %dma_wait3A_959, %dma_wait3A_960, %dma_wait3A_961] : memref<2x8x16x384xf32, #tpu.memory_space<vmem>> -> memref<1x8x16x384xf32, #tpu.memory_space<vmem>>
    %dma_wait3A_963 = tpu.memref_squeeze %dma_wait3A_962 : memref<1x8x16x384xf32, #tpu.memory_space<vmem>> -> memref<8x16x384xf32, #tpu.memory_space<vmem>>
    %dma_wait3A_964 = arith.constant 0 : i32
    %dma_wait3A_965 = arith.constant 0 : i32
    %dma_wait3A_966 = tpu.memref_slice %arg4[%add3A_940, %dma_wait3A_964, %dma_wait3A_965] : memref<6272x16x384xf32, #tpu.memory_space<hbm>> -> memref<8x16x384xf32, #tpu.memory_space<hbm>>
    %dma_wait3A_967 = arith.constant 0 : i32
    %dma_wait3A_968 = arith.constant 0 : i32
    %dma_wait3A_969 = tpu.memref_slice %arg4[%add3A_940, %dma_wait3A_967, %dma_wait3A_968] : memref<6272x16x384xf32, #tpu.memory_space<hbm>> -> memref<8x16x384xf32, #tpu.memory_space<hbm>>
    %dma_wait3A_970 = arith.constant 0 : i32
    %dma_wait3A_971 = arith.constant 0 : i32
    %dma_wait3A_972 = arith.constant 0 : i32
    %dma_wait3A_973 = tpu.memref_slice %arg6[%dma_wait3A_958, %dma_wait3A_970, %dma_wait3A_971, %dma_wait3A_972] : memref<2x8x16x384xf32, #tpu.memory_space<vmem>> -> memref<1x8x16x384xf32, #tpu.memory_space<vmem>>
    %dma_wait3A_974 = tpu.memref_squeeze %dma_wait3A_973 : memref<1x8x16x384xf32, #tpu.memory_space<vmem>> -> memref<8x16x384xf32, #tpu.memory_space<vmem>>
    tpu.wait_dma2 semaphore(%arg10 : memref<!tpu.dma_semaphore, #tpu.memory_space<semaphore_mem>>) src(%dma_wait3A_974 : memref<8x16x384xf32, #tpu.memory_space<vmem>>) dst(%dma_wait3A_969 : memref<8x16x384xf32, #tpu.memory_space<hbm>>)
    %dma_start3A_975 = arith.constant 1 : i32
    %dma_start3A_976 = arith.constant 0 : i32
    %dma_start3A_977 = arith.constant 0 : i32
    %dma_start3A_978 = arith.constant 0 : i32
    %dma_start3A_979 = tpu.memref_slice %arg6[%dma_start3A_975, %dma_start3A_976, %dma_start3A_977, %dma_start3A_978] : memref<2x8x16x384xf32, #tpu.memory_space<vmem>> -> memref<1x8x16x384xf32, #tpu.memory_space<vmem>>
    %dma_start3A_980 = tpu.memref_squeeze %dma_start3A_979 : memref<1x8x16x384xf32, #tpu.memory_space<vmem>> -> memref<8x16x384xf32, #tpu.memory_space<vmem>>
    %dma_start3A_981 = arith.constant 136 : i32
    %dma_start3A_982 = tpu.memref_slice %arg5[%dma_start3A_981] : memref<256xi32, #tpu.memory_space<vmem>> -> memref<8xi32, #tpu.memory_space<vmem>>
    %dma_start3A_983 = arith.constant 0 : i32
    %dma_start3A_984 = arith.constant 0 : i32
    %dma_start3A_985 = arith.constant 0 : i32
    %dma_start3A_986 = tpu.memref_slice %arg3[%dma_start3A_983, %dma_start3A_984, %dma_start3A_985] : memref<1568x16x384xf32, #tpu.memory_space<hbm>> -> memref<1568x16x384xf32, #tpu.memory_space<hbm>>
    tpu.enqueue_indirect_dma source(%dma_start3A_986 : memref<1568x16x384xf32, #tpu.memory_space<hbm>>) target(%dma_start3A_980 : memref<8x16x384xf32, #tpu.memory_space<vmem>>) offsets(%dma_start3A_982 : memref<8xi32, #tpu.memory_space<vmem>>) semaphore(%arg8 : memref<!tpu.dma_semaphore, #tpu.memory_space<semaphore_mem>>)
    %dma_wait3A_987 = arith.constant 0 : i32
    %dma_wait3A_988 = arith.constant 0 : i32
    %dma_wait3A_989 = arith.constant 0 : i32
    %dma_wait3A_990 = arith.constant 0 : i32
    %dma_wait3A_991 = tpu.memref_slice %arg6[%dma_wait3A_987, %dma_wait3A_988, %dma_wait3A_989, %dma_wait3A_990] : memref<2x8x16x384xf32, #tpu.memory_space<vmem>> -> memref<1x8x16x384xf32, #tpu.memory_space<vmem>>
    %dma_wait3A_992 = tpu.memref_squeeze %dma_wait3A_991 : memref<1x8x16x384xf32, #tpu.memory_space<vmem>> -> memref<8x16x384xf32, #tpu.memory_space<vmem>>
    %dma_wait3A_993 = arith.constant 128 : i32
    %dma_wait3A_994 = tpu.memref_slice %arg5[%dma_wait3A_993] : memref<256xi32, #tpu.memory_space<vmem>> -> memref<8xi32, #tpu.memory_space<vmem>>
    %dma_wait3A_995 = arith.constant 0 : i32
    %dma_wait3A_996 = arith.constant 0 : i32
    %dma_wait3A_997 = arith.constant 0 : i32
    %dma_wait3A_998 = tpu.memref_slice %arg3[%dma_wait3A_995, %dma_wait3A_996, %dma_wait3A_997] : memref<1568x16x384xf32, #tpu.memory_space<hbm>> -> memref<1568x16x384xf32, #tpu.memory_space<hbm>>
    tpu.wait_indirect_dma semaphore(%arg7 : memref<!tpu.dma_semaphore, #tpu.memory_space<semaphore_mem>>) src(%dma_wait3A_998 : memref<1568x16x384xf32, #tpu.memory_space<hbm>>) dst(%dma_wait3A_992 : memref<8x16x384xf32, #tpu.memory_space<vmem>>)
    %add3A_999 = arith.constant 128 : i32
    %add3A_1000 = arith.addi %mul3A_4, %add3A_999 : i32
    %dma_start3A_1001 = arith.constant 0 : i32
    %dma_start3A_1002 = arith.constant 0 : i32
    %dma_start3A_1003 = arith.constant 0 : i32
    %dma_start3A_1004 = arith.constant 0 : i32
    %dma_start3A_1005 = tpu.memref_slice %arg6[%dma_start3A_1001, %dma_start3A_1002, %dma_start3A_1003, %dma_start3A_1004] : memref<2x8x16x384xf32, #tpu.memory_space<vmem>> -> memref<1x8x16x384xf32, #tpu.memory_space<vmem>>
    %dma_start3A_1006 = tpu.memref_squeeze %dma_start3A_1005 : memref<1x8x16x384xf32, #tpu.memory_space<vmem>> -> memref<8x16x384xf32, #tpu.memory_space<vmem>>
    %dma_start3A_1007 = arith.constant 0 : i32
    %dma_start3A_1008 = arith.constant 0 : i32
    %dma_start3A_1009 = tpu.memref_slice %arg4[%add3A_1000, %dma_start3A_1007, %dma_start3A_1008] : memref<6272x16x384xf32, #tpu.memory_space<hbm>> -> memref<8x16x384xf32, #tpu.memory_space<hbm>>
    %dma_start3A_1010 = arith.constant 0 : i32
    %dma_start3A_1011 = arith.constant 0 : i32
    %dma_start3A_1012 = tpu.memref_slice %arg4[%add3A_1000, %dma_start3A_1010, %dma_start3A_1011] : memref<6272x16x384xf32, #tpu.memory_space<hbm>> -> memref<8x16x384xf32, #tpu.memory_space<hbm>>
    %dma_start3A_1013 = arith.constant 0 : i32
    %dma_start3A_1014 = arith.constant 0 : i32
    %dma_start3A_1015 = arith.constant 0 : i32
    %dma_start3A_1016 = tpu.memref_slice %arg6[%dma_start3A_1001, %dma_start3A_1013, %dma_start3A_1014, %dma_start3A_1015] : memref<2x8x16x384xf32, #tpu.memory_space<vmem>> -> memref<1x8x16x384xf32, #tpu.memory_space<vmem>>
    %dma_start3A_1017 = tpu.memref_squeeze %dma_start3A_1016 : memref<1x8x16x384xf32, #tpu.memory_space<vmem>> -> memref<8x16x384xf32, #tpu.memory_space<vmem>>
    tpu.enqueue_dma source(%dma_start3A_1017 : memref<8x16x384xf32, #tpu.memory_space<vmem>>) target(%dma_start3A_1012 : memref<8x16x384xf32, #tpu.memory_space<hbm>>) target_semaphore(%arg9 : memref<!tpu.dma_semaphore, #tpu.memory_space<semaphore_mem>>)
    %dma_wait3A_1018 = arith.constant 0 : i32
    %dma_wait3A_1019 = arith.constant 0 : i32
    %dma_wait3A_1020 = arith.constant 0 : i32
    %dma_wait3A_1021 = arith.constant 0 : i32
    %dma_wait3A_1022 = tpu.memref_slice %arg6[%dma_wait3A_1018, %dma_wait3A_1019, %dma_wait3A_1020, %dma_wait3A_1021] : memref<2x8x16x384xf32, #tpu.memory_space<vmem>> -> memref<1x8x16x384xf32, #tpu.memory_space<vmem>>
    %dma_wait3A_1023 = tpu.memref_squeeze %dma_wait3A_1022 : memref<1x8x16x384xf32, #tpu.memory_space<vmem>> -> memref<8x16x384xf32, #tpu.memory_space<vmem>>
    %dma_wait3A_1024 = arith.constant 0 : i32
    %dma_wait3A_1025 = arith.constant 0 : i32
    %dma_wait3A_1026 = tpu.memref_slice %arg4[%add3A_1000, %dma_wait3A_1024, %dma_wait3A_1025] : memref<6272x16x384xf32, #tpu.memory_space<hbm>> -> memref<8x16x384xf32, #tpu.memory_space<hbm>>
    %dma_wait3A_1027 = arith.constant 0 : i32
    %dma_wait3A_1028 = arith.constant 0 : i32
    %dma_wait3A_1029 = tpu.memref_slice %arg4[%add3A_1000, %dma_wait3A_1027, %dma_wait3A_1028] : memref<6272x16x384xf32, #tpu.memory_space<hbm>> -> memref<8x16x384xf32, #tpu.memory_space<hbm>>
    %dma_wait3A_1030 = arith.constant 0 : i32
    %dma_wait3A_1031 = arith.constant 0 : i32
    %dma_wait3A_1032 = arith.constant 0 : i32
    %dma_wait3A_1033 = tpu.memref_slice %arg6[%dma_wait3A_1018, %dma_wait3A_1030, %dma_wait3A_1031, %dma_wait3A_1032] : memref<2x8x16x384xf32, #tpu.memory_space<vmem>> -> memref<1x8x16x384xf32, #tpu.memory_space<vmem>>
    %dma_wait3A_1034 = tpu.memref_squeeze %dma_wait3A_1033 : memref<1x8x16x384xf32, #tpu.memory_space<vmem>> -> memref<8x16x384xf32, #tpu.memory_space<vmem>>
    tpu.wait_dma2 semaphore(%arg9 : memref<!tpu.dma_semaphore, #tpu.memory_space<semaphore_mem>>) src(%dma_wait3A_1034 : memref<8x16x384xf32, #tpu.memory_space<vmem>>) dst(%dma_wait3A_1029 : memref<8x16x384xf32, #tpu.memory_space<hbm>>)
    %dma_start3A_1035 = arith.constant 0 : i32
    %dma_start3A_1036 = arith.constant 0 : i32
    %dma_start3A_1037 = arith.constant 0 : i32
    %dma_start3A_1038 = arith.constant 0 : i32
    %dma_start3A_1039 = tpu.memref_slice %arg6[%dma_start3A_1035, %dma_start3A_1036, %dma_start3A_1037, %dma_start3A_1038] : memref<2x8x16x384xf32, #tpu.memory_space<vmem>> -> memref<1x8x16x384xf32, #tpu.memory_space<vmem>>
    %dma_start3A_1040 = tpu.memref_squeeze %dma_start3A_1039 : memref<1x8x16x384xf32, #tpu.memory_space<vmem>> -> memref<8x16x384xf32, #tpu.memory_space<vmem>>
    %dma_start3A_1041 = arith.constant 144 : i32
    %dma_start3A_1042 = tpu.memref_slice %arg5[%dma_start3A_1041] : memref<256xi32, #tpu.memory_space<vmem>> -> memref<8xi32, #tpu.memory_space<vmem>>
    %dma_start3A_1043 = arith.constant 0 : i32
    %dma_start3A_1044 = arith.constant 0 : i32
    %dma_start3A_1045 = arith.constant 0 : i32
    %dma_start3A_1046 = tpu.memref_slice %arg3[%dma_start3A_1043, %dma_start3A_1044, %dma_start3A_1045] : memref<1568x16x384xf32, #tpu.memory_space<hbm>> -> memref<1568x16x384xf32, #tpu.memory_space<hbm>>
    tpu.enqueue_indirect_dma source(%dma_start3A_1046 : memref<1568x16x384xf32, #tpu.memory_space<hbm>>) target(%dma_start3A_1040 : memref<8x16x384xf32, #tpu.memory_space<vmem>>) offsets(%dma_start3A_1042 : memref<8xi32, #tpu.memory_space<vmem>>) semaphore(%arg7 : memref<!tpu.dma_semaphore, #tpu.memory_space<semaphore_mem>>)
    %dma_wait3A_1047 = arith.constant 1 : i32
    %dma_wait3A_1048 = arith.constant 0 : i32
    %dma_wait3A_1049 = arith.constant 0 : i32
    %dma_wait3A_1050 = arith.constant 0 : i32
    %dma_wait3A_1051 = tpu.memref_slice %arg6[%dma_wait3A_1047, %dma_wait3A_1048, %dma_wait3A_1049, %dma_wait3A_1050] : memref<2x8x16x384xf32, #tpu.memory_space<vmem>> -> memref<1x8x16x384xf32, #tpu.memory_space<vmem>>
    %dma_wait3A_1052 = tpu.memref_squeeze %dma_wait3A_1051 : memref<1x8x16x384xf32, #tpu.memory_space<vmem>> -> memref<8x16x384xf32, #tpu.memory_space<vmem>>
    %dma_wait3A_1053 = arith.constant 136 : i32
    %dma_wait3A_1054 = tpu.memref_slice %arg5[%dma_wait3A_1053] : memref<256xi32, #tpu.memory_space<vmem>> -> memref<8xi32, #tpu.memory_space<vmem>>
    %dma_wait3A_1055 = arith.constant 0 : i32
    %dma_wait3A_1056 = arith.constant 0 : i32
    %dma_wait3A_1057 = arith.constant 0 : i32
    %dma_wait3A_1058 = tpu.memref_slice %arg3[%dma_wait3A_1055, %dma_wait3A_1056, %dma_wait3A_1057] : memref<1568x16x384xf32, #tpu.memory_space<hbm>> -> memref<1568x16x384xf32, #tpu.memory_space<hbm>>
    tpu.wait_indirect_dma semaphore(%arg8 : memref<!tpu.dma_semaphore, #tpu.memory_space<semaphore_mem>>) src(%dma_wait3A_1058 : memref<1568x16x384xf32, #tpu.memory_space<hbm>>) dst(%dma_wait3A_1052 : memref<8x16x384xf32, #tpu.memory_space<vmem>>)
    %add3A_1059 = arith.constant 136 : i32
    %add3A_1060 = arith.addi %mul3A_4, %add3A_1059 : i32
    %dma_start3A_1061 = arith.constant 1 : i32
    %dma_start3A_1062 = arith.constant 0 : i32
    %dma_start3A_1063 = arith.constant 0 : i32
    %dma_start3A_1064 = arith.constant 0 : i32
    %dma_start3A_1065 = tpu.memref_slice %arg6[%dma_start3A_1061, %dma_start3A_1062, %dma_start3A_1063, %dma_start3A_1064] : memref<2x8x16x384xf32, #tpu.memory_space<vmem>> -> memref<1x8x16x384xf32, #tpu.memory_space<vmem>>
    %dma_start3A_1066 = tpu.memref_squeeze %dma_start3A_1065 : memref<1x8x16x384xf32, #tpu.memory_space<vmem>> -> memref<8x16x384xf32, #tpu.memory_space<vmem>>
    %dma_start3A_1067 = arith.constant 0 : i32
    %dma_start3A_1068 = arith.constant 0 : i32
    %dma_start3A_1069 = tpu.memref_slice %arg4[%add3A_1060, %dma_start3A_1067, %dma_start3A_1068] : memref<6272x16x384xf32, #tpu.memory_space<hbm>> -> memref<8x16x384xf32, #tpu.memory_space<hbm>>
    %dma_start3A_1070 = arith.constant 0 : i32
    %dma_start3A_1071 = arith.constant 0 : i32
    %dma_start3A_1072 = tpu.memref_slice %arg4[%add3A_1060, %dma_start3A_1070, %dma_start3A_1071] : memref<6272x16x384xf32, #tpu.memory_space<hbm>> -> memref<8x16x384xf32, #tpu.memory_space<hbm>>
    %dma_start3A_1073 = arith.constant 0 : i32
    %dma_start3A_1074 = arith.constant 0 : i32
    %dma_start3A_1075 = arith.constant 0 : i32
    %dma_start3A_1076 = tpu.memref_slice %arg6[%dma_start3A_1061, %dma_start3A_1073, %dma_start3A_1074, %dma_start3A_1075] : memref<2x8x16x384xf32, #tpu.memory_space<vmem>> -> memref<1x8x16x384xf32, #tpu.memory_space<vmem>>
    %dma_start3A_1077 = tpu.memref_squeeze %dma_start3A_1076 : memref<1x8x16x384xf32, #tpu.memory_space<vmem>> -> memref<8x16x384xf32, #tpu.memory_space<vmem>>
    tpu.enqueue_dma source(%dma_start3A_1077 : memref<8x16x384xf32, #tpu.memory_space<vmem>>) target(%dma_start3A_1072 : memref<8x16x384xf32, #tpu.memory_space<hbm>>) target_semaphore(%arg10 : memref<!tpu.dma_semaphore, #tpu.memory_space<semaphore_mem>>)
    %dma_wait3A_1078 = arith.constant 1 : i32
    %dma_wait3A_1079 = arith.constant 0 : i32
    %dma_wait3A_1080 = arith.constant 0 : i32
    %dma_wait3A_1081 = arith.constant 0 : i32
    %dma_wait3A_1082 = tpu.memref_slice %arg6[%dma_wait3A_1078, %dma_wait3A_1079, %dma_wait3A_1080, %dma_wait3A_1081] : memref<2x8x16x384xf32, #tpu.memory_space<vmem>> -> memref<1x8x16x384xf32, #tpu.memory_space<vmem>>
    %dma_wait3A_1083 = tpu.memref_squeeze %dma_wait3A_1082 : memref<1x8x16x384xf32, #tpu.memory_space<vmem>> -> memref<8x16x384xf32, #tpu.memory_space<vmem>>
    %dma_wait3A_1084 = arith.constant 0 : i32
    %dma_wait3A_1085 = arith.constant 0 : i32
    %dma_wait3A_1086 = tpu.memref_slice %arg4[%add3A_1060, %dma_wait3A_1084, %dma_wait3A_1085] : memref<6272x16x384xf32, #tpu.memory_space<hbm>> -> memref<8x16x384xf32, #tpu.memory_space<hbm>>
    %dma_wait3A_1087 = arith.constant 0 : i32
    %dma_wait3A_1088 = arith.constant 0 : i32
    %dma_wait3A_1089 = tpu.memref_slice %arg4[%add3A_1060, %dma_wait3A_1087, %dma_wait3A_1088] : memref<6272x16x384xf32, #tpu.memory_space<hbm>> -> memref<8x16x384xf32, #tpu.memory_space<hbm>>
    %dma_wait3A_1090 = arith.constant 0 : i32
    %dma_wait3A_1091 = arith.constant 0 : i32
    %dma_wait3A_1092 = arith.constant 0 : i32
    %dma_wait3A_1093 = tpu.memref_slice %arg6[%dma_wait3A_1078, %dma_wait3A_1090, %dma_wait3A_1091, %dma_wait3A_1092] : memref<2x8x16x384xf32, #tpu.memory_space<vmem>> -> memref<1x8x16x384xf32, #tpu.memory_space<vmem>>
    %dma_wait3A_1094 = tpu.memref_squeeze %dma_wait3A_1093 : memref<1x8x16x384xf32, #tpu.memory_space<vmem>> -> memref<8x16x384xf32, #tpu.memory_space<vmem>>
    tpu.wait_dma2 semaphore(%arg10 : memref<!tpu.dma_semaphore, #tpu.memory_space<semaphore_mem>>) src(%dma_wait3A_1094 : memref<8x16x384xf32, #tpu.memory_space<vmem>>) dst(%dma_wait3A_1089 : memref<8x16x384xf32, #tpu.memory_space<hbm>>)
    %dma_start3A_1095 = arith.constant 1 : i32
    %dma_start3A_1096 = arith.constant 0 : i32
    %dma_start3A_1097 = arith.constant 0 : i32
    %dma_start3A_1098 = arith.constant 0 : i32
    %dma_start3A_1099 = tpu.memref_slice %arg6[%dma_start3A_1095, %dma_start3A_1096, %dma_start3A_1097, %dma_start3A_1098] : memref<2x8x16x384xf32, #tpu.memory_space<vmem>> -> memref<1x8x16x384xf32, #tpu.memory_space<vmem>>
    %dma_start3A_1100 = tpu.memref_squeeze %dma_start3A_1099 : memref<1x8x16x384xf32, #tpu.memory_space<vmem>> -> memref<8x16x384xf32, #tpu.memory_space<vmem>>
    %dma_start3A_1101 = arith.constant 152 : i32
    %dma_start3A_1102 = tpu.memref_slice %arg5[%dma_start3A_1101] : memref<256xi32, #tpu.memory_space<vmem>> -> memref<8xi32, #tpu.memory_space<vmem>>
    %dma_start3A_1103 = arith.constant 0 : i32
    %dma_start3A_1104 = arith.constant 0 : i32
    %dma_start3A_1105 = arith.constant 0 : i32
    %dma_start3A_1106 = tpu.memref_slice %arg3[%dma_start3A_1103, %dma_start3A_1104, %dma_start3A_1105] : memref<1568x16x384xf32, #tpu.memory_space<hbm>> -> memref<1568x16x384xf32, #tpu.memory_space<hbm>>
    tpu.enqueue_indirect_dma source(%dma_start3A_1106 : memref<1568x16x384xf32, #tpu.memory_space<hbm>>) target(%dma_start3A_1100 : memref<8x16x384xf32, #tpu.memory_space<vmem>>) offsets(%dma_start3A_1102 : memref<8xi32, #tpu.memory_space<vmem>>) semaphore(%arg8 : memref<!tpu.dma_semaphore, #tpu.memory_space<semaphore_mem>>)
    %dma_wait3A_1107 = arith.constant 0 : i32
    %dma_wait3A_1108 = arith.constant 0 : i32
    %dma_wait3A_1109 = arith.constant 0 : i32
    %dma_wait3A_1110 = arith.constant 0 : i32
    %dma_wait3A_1111 = tpu.memref_slice %arg6[%dma_wait3A_1107, %dma_wait3A_1108, %dma_wait3A_1109, %dma_wait3A_1110] : memref<2x8x16x384xf32, #tpu.memory_space<vmem>> -> memref<1x8x16x384xf32, #tpu.memory_space<vmem>>
    %dma_wait3A_1112 = tpu.memref_squeeze %dma_wait3A_1111 : memref<1x8x16x384xf32, #tpu.memory_space<vmem>> -> memref<8x16x384xf32, #tpu.memory_space<vmem>>
    %dma_wait3A_1113 = arith.constant 144 : i32
    %dma_wait3A_1114 = tpu.memref_slice %arg5[%dma_wait3A_1113] : memref<256xi32, #tpu.memory_space<vmem>> -> memref<8xi32, #tpu.memory_space<vmem>>
    %dma_wait3A_1115 = arith.constant 0 : i32
    %dma_wait3A_1116 = arith.constant 0 : i32
    %dma_wait3A_1117 = arith.constant 0 : i32
    %dma_wait3A_1118 = tpu.memref_slice %arg3[%dma_wait3A_1115, %dma_wait3A_1116, %dma_wait3A_1117] : memref<1568x16x384xf32, #tpu.memory_space<hbm>> -> memref<1568x16x384xf32, #tpu.memory_space<hbm>>
    tpu.wait_indirect_dma semaphore(%arg7 : memref<!tpu.dma_semaphore, #tpu.memory_space<semaphore_mem>>) src(%dma_wait3A_1118 : memref<1568x16x384xf32, #tpu.memory_space<hbm>>) dst(%dma_wait3A_1112 : memref<8x16x384xf32, #tpu.memory_space<vmem>>)
    %add3A_1119 = arith.constant 144 : i32
    %add3A_1120 = arith.addi %mul3A_4, %add3A_1119 : i32
    %dma_start3A_1121 = arith.constant 0 : i32
    %dma_start3A_1122 = arith.constant 0 : i32
    %dma_start3A_1123 = arith.constant 0 : i32
    %dma_start3A_1124 = arith.constant 0 : i32
    %dma_start3A_1125 = tpu.memref_slice %arg6[%dma_start3A_1121, %dma_start3A_1122, %dma_start3A_1123, %dma_start3A_1124] : memref<2x8x16x384xf32, #tpu.memory_space<vmem>> -> memref<1x8x16x384xf32, #tpu.memory_space<vmem>>
    %dma_start3A_1126 = tpu.memref_squeeze %dma_start3A_1125 : memref<1x8x16x384xf32, #tpu.memory_space<vmem>> -> memref<8x16x384xf32, #tpu.memory_space<vmem>>
    %dma_start3A_1127 = arith.constant 0 : i32
    %dma_start3A_1128 = arith.constant 0 : i32
    %dma_start3A_1129 = tpu.memref_slice %arg4[%add3A_1120, %dma_start3A_1127, %dma_start3A_1128] : memref<6272x16x384xf32, #tpu.memory_space<hbm>> -> memref<8x16x384xf32, #tpu.memory_space<hbm>>
    %dma_start3A_1130 = arith.constant 0 : i32
    %dma_start3A_1131 = arith.constant 0 : i32
    %dma_start3A_1132 = tpu.memref_slice %arg4[%add3A_1120, %dma_start3A_1130, %dma_start3A_1131] : memref<6272x16x384xf32, #tpu.memory_space<hbm>> -> memref<8x16x384xf32, #tpu.memory_space<hbm>>
    %dma_start3A_1133 = arith.constant 0 : i32
    %dma_start3A_1134 = arith.constant 0 : i32
    %dma_start3A_1135 = arith.constant 0 : i32
    %dma_start3A_1136 = tpu.memref_slice %arg6[%dma_start3A_1121, %dma_start3A_1133, %dma_start3A_1134, %dma_start3A_1135] : memref<2x8x16x384xf32, #tpu.memory_space<vmem>> -> memref<1x8x16x384xf32, #tpu.memory_space<vmem>>
    %dma_start3A_1137 = tpu.memref_squeeze %dma_start3A_1136 : memref<1x8x16x384xf32, #tpu.memory_space<vmem>> -> memref<8x16x384xf32, #tpu.memory_space<vmem>>
    tpu.enqueue_dma source(%dma_start3A_1137 : memref<8x16x384xf32, #tpu.memory_space<vmem>>) target(%dma_start3A_1132 : memref<8x16x384xf32, #tpu.memory_space<hbm>>) target_semaphore(%arg9 : memref<!tpu.dma_semaphore, #tpu.memory_space<semaphore_mem>>)
    %dma_wait3A_1138 = arith.constant 0 : i32
    %dma_wait3A_1139 = arith.constant 0 : i32
    %dma_wait3A_1140 = arith.constant 0 : i32
    %dma_wait3A_1141 = arith.constant 0 : i32
    %dma_wait3A_1142 = tpu.memref_slice %arg6[%dma_wait3A_1138, %dma_wait3A_1139, %dma_wait3A_1140, %dma_wait3A_1141] : memref<2x8x16x384xf32, #tpu.memory_space<vmem>> -> memref<1x8x16x384xf32, #tpu.memory_space<vmem>>
    %dma_wait3A_1143 = tpu.memref_squeeze %dma_wait3A_1142 : memref<1x8x16x384xf32, #tpu.memory_space<vmem>> -> memref<8x16x384xf32, #tpu.memory_space<vmem>>
    %dma_wait3A_1144 = arith.constant 0 : i32
    %dma_wait3A_1145 = arith.constant 0 : i32
    %dma_wait3A_1146 = tpu.memref_slice %arg4[%add3A_1120, %dma_wait3A_1144, %dma_wait3A_1145] : memref<6272x16x384xf32, #tpu.memory_space<hbm>> -> memref<8x16x384xf32, #tpu.memory_space<hbm>>
    %dma_wait3A_1147 = arith.constant 0 : i32
    %dma_wait3A_1148 = arith.constant 0 : i32
    %dma_wait3A_1149 = tpu.memref_slice %arg4[%add3A_1120, %dma_wait3A_1147, %dma_wait3A_1148] : memref<6272x16x384xf32, #tpu.memory_space<hbm>> -> memref<8x16x384xf32, #tpu.memory_space<hbm>>
    %dma_wait3A_1150 = arith.constant 0 : i32
    %dma_wait3A_1151 = arith.constant 0 : i32
    %dma_wait3A_1152 = arith.constant 0 : i32
    %dma_wait3A_1153 = tpu.memref_slice %arg6[%dma_wait3A_1138, %dma_wait3A_1150, %dma_wait3A_1151, %dma_wait3A_1152] : memref<2x8x16x384xf32, #tpu.memory_space<vmem>> -> memref<1x8x16x384xf32, #tpu.memory_space<vmem>>
    %dma_wait3A_1154 = tpu.memref_squeeze %dma_wait3A_1153 : memref<1x8x16x384xf32, #tpu.memory_space<vmem>> -> memref<8x16x384xf32, #tpu.memory_space<vmem>>
    tpu.wait_dma2 semaphore(%arg9 : memref<!tpu.dma_semaphore, #tpu.memory_space<semaphore_mem>>) src(%dma_wait3A_1154 : memref<8x16x384xf32, #tpu.memory_space<vmem>>) dst(%dma_wait3A_1149 : memref<8x16x384xf32, #tpu.memory_space<hbm>>)
    %dma_start3A_1155 = arith.constant 0 : i32
    %dma_start3A_1156 = arith.constant 0 : i32
    %dma_start3A_1157 = arith.constant 0 : i32
    %dma_start3A_1158 = arith.constant 0 : i32
    %dma_start3A_1159 = tpu.memref_slice %arg6[%dma_start3A_1155, %dma_start3A_1156, %dma_start3A_1157, %dma_start3A_1158] : memref<2x8x16x384xf32, #tpu.memory_space<vmem>> -> memref<1x8x16x384xf32, #tpu.memory_space<vmem>>
    %dma_start3A_1160 = tpu.memref_squeeze %dma_start3A_1159 : memref<1x8x16x384xf32, #tpu.memory_space<vmem>> -> memref<8x16x384xf32, #tpu.memory_space<vmem>>
    %dma_start3A_1161 = arith.constant 160 : i32
    %dma_start3A_1162 = tpu.memref_slice %arg5[%dma_start3A_1161] : memref<256xi32, #tpu.memory_space<vmem>> -> memref<8xi32, #tpu.memory_space<vmem>>
    %dma_start3A_1163 = arith.constant 0 : i32
    %dma_start3A_1164 = arith.constant 0 : i32
    %dma_start3A_1165 = arith.constant 0 : i32
    %dma_start3A_1166 = tpu.memref_slice %arg3[%dma_start3A_1163, %dma_start3A_1164, %dma_start3A_1165] : memref<1568x16x384xf32, #tpu.memory_space<hbm>> -> memref<1568x16x384xf32, #tpu.memory_space<hbm>>
    tpu.enqueue_indirect_dma source(%dma_start3A_1166 : memref<1568x16x384xf32, #tpu.memory_space<hbm>>) target(%dma_start3A_1160 : memref<8x16x384xf32, #tpu.memory_space<vmem>>) offsets(%dma_start3A_1162 : memref<8xi32, #tpu.memory_space<vmem>>) semaphore(%arg7 : memref<!tpu.dma_semaphore, #tpu.memory_space<semaphore_mem>>)
    %dma_wait3A_1167 = arith.constant 1 : i32
    %dma_wait3A_1168 = arith.constant 0 : i32
    %dma_wait3A_1169 = arith.constant 0 : i32
    %dma_wait3A_1170 = arith.constant 0 : i32
    %dma_wait3A_1171 = tpu.memref_slice %arg6[%dma_wait3A_1167, %dma_wait3A_1168, %dma_wait3A_1169, %dma_wait3A_1170] : memref<2x8x16x384xf32, #tpu.memory_space<vmem>> -> memref<1x8x16x384xf32, #tpu.memory_space<vmem>>
    %dma_wait3A_1172 = tpu.memref_squeeze %dma_wait3A_1171 : memref<1x8x16x384xf32, #tpu.memory_space<vmem>> -> memref<8x16x384xf32, #tpu.memory_space<vmem>>
    %dma_wait3A_1173 = arith.constant 152 : i32
    %dma_wait3A_1174 = tpu.memref_slice %arg5[%dma_wait3A_1173] : memref<256xi32, #tpu.memory_space<vmem>> -> memref<8xi32, #tpu.memory_space<vmem>>
    %dma_wait3A_1175 = arith.constant 0 : i32
    %dma_wait3A_1176 = arith.constant 0 : i32
    %dma_wait3A_1177 = arith.constant 0 : i32
    %dma_wait3A_1178 = tpu.memref_slice %arg3[%dma_wait3A_1175, %dma_wait3A_1176, %dma_wait3A_1177] : memref<1568x16x384xf32, #tpu.memory_space<hbm>> -> memref<1568x16x384xf32, #tpu.memory_space<hbm>>
    tpu.wait_indirect_dma semaphore(%arg8 : memref<!tpu.dma_semaphore, #tpu.memory_space<semaphore_mem>>) src(%dma_wait3A_1178 : memref<1568x16x384xf32, #tpu.memory_space<hbm>>) dst(%dma_wait3A_1172 : memref<8x16x384xf32, #tpu.memory_space<vmem>>)
    %add3A_1179 = arith.constant 152 : i32
    %add3A_1180 = arith.addi %mul3A_4, %add3A_1179 : i32
    %dma_start3A_1181 = arith.constant 1 : i32
    %dma_start3A_1182 = arith.constant 0 : i32
    %dma_start3A_1183 = arith.constant 0 : i32
    %dma_start3A_1184 = arith.constant 0 : i32
    %dma_start3A_1185 = tpu.memref_slice %arg6[%dma_start3A_1181, %dma_start3A_1182, %dma_start3A_1183, %dma_start3A_1184] : memref<2x8x16x384xf32, #tpu.memory_space<vmem>> -> memref<1x8x16x384xf32, #tpu.memory_space<vmem>>
    %dma_start3A_1186 = tpu.memref_squeeze %dma_start3A_1185 : memref<1x8x16x384xf32, #tpu.memory_space<vmem>> -> memref<8x16x384xf32, #tpu.memory_space<vmem>>
    %dma_start3A_1187 = arith.constant 0 : i32
    %dma_start3A_1188 = arith.constant 0 : i32
    %dma_start3A_1189 = tpu.memref_slice %arg4[%add3A_1180, %dma_start3A_1187, %dma_start3A_1188] : memref<6272x16x384xf32, #tpu.memory_space<hbm>> -> memref<8x16x384xf32, #tpu.memory_space<hbm>>
    %dma_start3A_1190 = arith.constant 0 : i32
    %dma_start3A_1191 = arith.constant 0 : i32
    %dma_start3A_1192 = tpu.memref_slice %arg4[%add3A_1180, %dma_start3A_1190, %dma_start3A_1191] : memref<6272x16x384xf32, #tpu.memory_space<hbm>> -> memref<8x16x384xf32, #tpu.memory_space<hbm>>
    %dma_start3A_1193 = arith.constant 0 : i32
    %dma_start3A_1194 = arith.constant 0 : i32
    %dma_start3A_1195 = arith.constant 0 : i32
    %dma_start3A_1196 = tpu.memref_slice %arg6[%dma_start3A_1181, %dma_start3A_1193, %dma_start3A_1194, %dma_start3A_1195] : memref<2x8x16x384xf32, #tpu.memory_space<vmem>> -> memref<1x8x16x384xf32, #tpu.memory_space<vmem>>
    %dma_start3A_1197 = tpu.memref_squeeze %dma_start3A_1196 : memref<1x8x16x384xf32, #tpu.memory_space<vmem>> -> memref<8x16x384xf32, #tpu.memory_space<vmem>>
    tpu.enqueue_dma source(%dma_start3A_1197 : memref<8x16x384xf32, #tpu.memory_space<vmem>>) target(%dma_start3A_1192 : memref<8x16x384xf32, #tpu.memory_space<hbm>>) target_semaphore(%arg10 : memref<!tpu.dma_semaphore, #tpu.memory_space<semaphore_mem>>)
    %dma_wait3A_1198 = arith.constant 1 : i32
    %dma_wait3A_1199 = arith.constant 0 : i32
    %dma_wait3A_1200 = arith.constant 0 : i32
    %dma_wait3A_1201 = arith.constant 0 : i32
    %dma_wait3A_1202 = tpu.memref_slice %arg6[%dma_wait3A_1198, %dma_wait3A_1199, %dma_wait3A_1200, %dma_wait3A_1201] : memref<2x8x16x384xf32, #tpu.memory_space<vmem>> -> memref<1x8x16x384xf32, #tpu.memory_space<vmem>>
    %dma_wait3A_1203 = tpu.memref_squeeze %dma_wait3A_1202 : memref<1x8x16x384xf32, #tpu.memory_space<vmem>> -> memref<8x16x384xf32, #tpu.memory_space<vmem>>
    %dma_wait3A_1204 = arith.constant 0 : i32
    %dma_wait3A_1205 = arith.constant 0 : i32
    %dma_wait3A_1206 = tpu.memref_slice %arg4[%add3A_1180, %dma_wait3A_1204, %dma_wait3A_1205] : memref<6272x16x384xf32, #tpu.memory_space<hbm>> -> memref<8x16x384xf32, #tpu.memory_space<hbm>>
    %dma_wait3A_1207 = arith.constant 0 : i32
    %dma_wait3A_1208 = arith.constant 0 : i32
    %dma_wait3A_1209 = tpu.memref_slice %arg4[%add3A_1180, %dma_wait3A_1207, %dma_wait3A_1208] : memref<6272x16x384xf32, #tpu.memory_space<hbm>> -> memref<8x16x384xf32, #tpu.memory_space<hbm>>
    %dma_wait3A_1210 = arith.constant 0 : i32
    %dma_wait3A_1211 = arith.constant 0 : i32
    %dma_wait3A_1212 = arith.constant 0 : i32
    %dma_wait3A_1213 = tpu.memref_slice %arg6[%dma_wait3A_1198, %dma_wait3A_1210, %dma_wait3A_1211, %dma_wait3A_1212] : memref<2x8x16x384xf32, #tpu.memory_space<vmem>> -> memref<1x8x16x384xf32, #tpu.memory_space<vmem>>
    %dma_wait3A_1214 = tpu.memref_squeeze %dma_wait3A_1213 : memref<1x8x16x384xf32, #tpu.memory_space<vmem>> -> memref<8x16x384xf32, #tpu.memory_space<vmem>>
    tpu.wait_dma2 semaphore(%arg10 : memref<!tpu.dma_semaphore, #tpu.memory_space<semaphore_mem>>) src(%dma_wait3A_1214 : memref<8x16x384xf32, #tpu.memory_space<vmem>>) dst(%dma_wait3A_1209 : memref<8x16x384xf32, #tpu.memory_space<hbm>>)
    %dma_start3A_1215 = arith.constant 1 : i32
    %dma_start3A_1216 = arith.constant 0 : i32
    %dma_start3A_1217 = arith.constant 0 : i32
    %dma_start3A_1218 = arith.constant 0 : i32
    %dma_start3A_1219 = tpu.memref_slice %arg6[%dma_start3A_1215, %dma_start3A_1216, %dma_start3A_1217, %dma_start3A_1218] : memref<2x8x16x384xf32, #tpu.memory_space<vmem>> -> memref<1x8x16x384xf32, #tpu.memory_space<vmem>>
    %dma_start3A_1220 = tpu.memref_squeeze %dma_start3A_1219 : memref<1x8x16x384xf32, #tpu.memory_space<vmem>> -> memref<8x16x384xf32, #tpu.memory_space<vmem>>
    %dma_start3A_1221 = arith.constant 168 : i32
    %dma_start3A_1222 = tpu.memref_slice %arg5[%dma_start3A_1221] : memref<256xi32, #tpu.memory_space<vmem>> -> memref<8xi32, #tpu.memory_space<vmem>>
    %dma_start3A_1223 = arith.constant 0 : i32
    %dma_start3A_1224 = arith.constant 0 : i32
    %dma_start3A_1225 = arith.constant 0 : i32
    %dma_start3A_1226 = tpu.memref_slice %arg3[%dma_start3A_1223, %dma_start3A_1224, %dma_start3A_1225] : memref<1568x16x384xf32, #tpu.memory_space<hbm>> -> memref<1568x16x384xf32, #tpu.memory_space<hbm>>
    tpu.enqueue_indirect_dma source(%dma_start3A_1226 : memref<1568x16x384xf32, #tpu.memory_space<hbm>>) target(%dma_start3A_1220 : memref<8x16x384xf32, #tpu.memory_space<vmem>>) offsets(%dma_start3A_1222 : memref<8xi32, #tpu.memory_space<vmem>>) semaphore(%arg8 : memref<!tpu.dma_semaphore, #tpu.memory_space<semaphore_mem>>)
    %dma_wait3A_1227 = arith.constant 0 : i32
    %dma_wait3A_1228 = arith.constant 0 : i32
    %dma_wait3A_1229 = arith.constant 0 : i32
    %dma_wait3A_1230 = arith.constant 0 : i32
    %dma_wait3A_1231 = tpu.memref_slice %arg6[%dma_wait3A_1227, %dma_wait3A_1228, %dma_wait3A_1229, %dma_wait3A_1230] : memref<2x8x16x384xf32, #tpu.memory_space<vmem>> -> memref<1x8x16x384xf32, #tpu.memory_space<vmem>>
    %dma_wait3A_1232 = tpu.memref_squeeze %dma_wait3A_1231 : memref<1x8x16x384xf32, #tpu.memory_space<vmem>> -> memref<8x16x384xf32, #tpu.memory_space<vmem>>
    %dma_wait3A_1233 = arith.constant 160 : i32
    %dma_wait3A_1234 = tpu.memref_slice %arg5[%dma_wait3A_1233] : memref<256xi32, #tpu.memory_space<vmem>> -> memref<8xi32, #tpu.memory_space<vmem>>
    %dma_wait3A_1235 = arith.constant 0 : i32
    %dma_wait3A_1236 = arith.constant 0 : i32
    %dma_wait3A_1237 = arith.constant 0 : i32
    %dma_wait3A_1238 = tpu.memref_slice %arg3[%dma_wait3A_1235, %dma_wait3A_1236, %dma_wait3A_1237] : memref<1568x16x384xf32, #tpu.memory_space<hbm>> -> memref<1568x16x384xf32, #tpu.memory_space<hbm>>
    tpu.wait_indirect_dma semaphore(%arg7 : memref<!tpu.dma_semaphore, #tpu.memory_space<semaphore_mem>>) src(%dma_wait3A_1238 : memref<1568x16x384xf32, #tpu.memory_space<hbm>>) dst(%dma_wait3A_1232 : memref<8x16x384xf32, #tpu.memory_space<vmem>>)
    %add3A_1239 = arith.constant 160 : i32
    %add3A_1240 = arith.addi %mul3A_4, %add3A_1239 : i32
    %dma_start3A_1241 = arith.constant 0 : i32
    %dma_start3A_1242 = arith.constant 0 : i32
    %dma_start3A_1243 = arith.constant 0 : i32
    %dma_start3A_1244 = arith.constant 0 : i32
    %dma_start3A_1245 = tpu.memref_slice %arg6[%dma_start3A_1241, %dma_start3A_1242, %dma_start3A_1243, %dma_start3A_1244] : memref<2x8x16x384xf32, #tpu.memory_space<vmem>> -> memref<1x8x16x384xf32, #tpu.memory_space<vmem>>
    %dma_start3A_1246 = tpu.memref_squeeze %dma_start3A_1245 : memref<1x8x16x384xf32, #tpu.memory_space<vmem>> -> memref<8x16x384xf32, #tpu.memory_space<vmem>>
    %dma_start3A_1247 = arith.constant 0 : i32
    %dma_start3A_1248 = arith.constant 0 : i32
    %dma_start3A_1249 = tpu.memref_slice %arg4[%add3A_1240, %dma_start3A_1247, %dma_start3A_1248] : memref<6272x16x384xf32, #tpu.memory_space<hbm>> -> memref<8x16x384xf32, #tpu.memory_space<hbm>>
    %dma_start3A_1250 = arith.constant 0 : i32
    %dma_start3A_1251 = arith.constant 0 : i32
    %dma_start3A_1252 = tpu.memref_slice %arg4[%add3A_1240, %dma_start3A_1250, %dma_start3A_1251] : memref<6272x16x384xf32, #tpu.memory_space<hbm>> -> memref<8x16x384xf32, #tpu.memory_space<hbm>>
    %dma_start3A_1253 = arith.constant 0 : i32
    %dma_start3A_1254 = arith.constant 0 : i32
    %dma_start3A_1255 = arith.constant 0 : i32
    %dma_start3A_1256 = tpu.memref_slice %arg6[%dma_start3A_1241, %dma_start3A_1253, %dma_start3A_1254, %dma_start3A_1255] : memref<2x8x16x384xf32, #tpu.memory_space<vmem>> -> memref<1x8x16x384xf32, #tpu.memory_space<vmem>>
    %dma_start3A_1257 = tpu.memref_squeeze %dma_start3A_1256 : memref<1x8x16x384xf32, #tpu.memory_space<vmem>> -> memref<8x16x384xf32, #tpu.memory_space<vmem>>
    tpu.enqueue_dma source(%dma_start3A_1257 : memref<8x16x384xf32, #tpu.memory_space<vmem>>) target(%dma_start3A_1252 : memref<8x16x384xf32, #tpu.memory_space<hbm>>) target_semaphore(%arg9 : memref<!tpu.dma_semaphore, #tpu.memory_space<semaphore_mem>>)
    %dma_wait3A_1258 = arith.constant 0 : i32
    %dma_wait3A_1259 = arith.constant 0 : i32
    %dma_wait3A_1260 = arith.constant 0 : i32
    %dma_wait3A_1261 = arith.constant 0 : i32
    %dma_wait3A_1262 = tpu.memref_slice %arg6[%dma_wait3A_1258, %dma_wait3A_1259, %dma_wait3A_1260, %dma_wait3A_1261] : memref<2x8x16x384xf32, #tpu.memory_space<vmem>> -> memref<1x8x16x384xf32, #tpu.memory_space<vmem>>
    %dma_wait3A_1263 = tpu.memref_squeeze %dma_wait3A_1262 : memref<1x8x16x384xf32, #tpu.memory_space<vmem>> -> memref<8x16x384xf32, #tpu.memory_space<vmem>>
    %dma_wait3A_1264 = arith.constant 0 : i32
    %dma_wait3A_1265 = arith.constant 0 : i32
    %dma_wait3A_1266 = tpu.memref_slice %arg4[%add3A_1240, %dma_wait3A_1264, %dma_wait3A_1265] : memref<6272x16x384xf32, #tpu.memory_space<hbm>> -> memref<8x16x384xf32, #tpu.memory_space<hbm>>
    %dma_wait3A_1267 = arith.constant 0 : i32
    %dma_wait3A_1268 = arith.constant 0 : i32
    %dma_wait3A_1269 = tpu.memref_slice %arg4[%add3A_1240, %dma_wait3A_1267, %dma_wait3A_1268] : memref<6272x16x384xf32, #tpu.memory_space<hbm>> -> memref<8x16x384xf32, #tpu.memory_space<hbm>>
    %dma_wait3A_1270 = arith.constant 0 : i32
    %dma_wait3A_1271 = arith.constant 0 : i32
    %dma_wait3A_1272 = arith.constant 0 : i32
    %dma_wait3A_1273 = tpu.memref_slice %arg6[%dma_wait3A_1258, %dma_wait3A_1270, %dma_wait3A_1271, %dma_wait3A_1272] : memref<2x8x16x384xf32, #tpu.memory_space<vmem>> -> memref<1x8x16x384xf32, #tpu.memory_space<vmem>>
    %dma_wait3A_1274 = tpu.memref_squeeze %dma_wait3A_1273 : memref<1x8x16x384xf32, #tpu.memory_space<vmem>> -> memref<8x16x384xf32, #tpu.memory_space<vmem>>
    tpu.wait_dma2 semaphore(%arg9 : memref<!tpu.dma_semaphore, #tpu.memory_space<semaphore_mem>>) src(%dma_wait3A_1274 : memref<8x16x384xf32, #tpu.memory_space<vmem>>) dst(%dma_wait3A_1269 : memref<8x16x384xf32, #tpu.memory_space<hbm>>)
    %dma_start3A_1275 = arith.constant 0 : i32
    %dma_start3A_1276 = arith.constant 0 : i32
    %dma_start3A_1277 = arith.constant 0 : i32
    %dma_start3A_1278 = arith.constant 0 : i32
    %dma_start3A_1279 = tpu.memref_slice %arg6[%dma_start3A_1275, %dma_start3A_1276, %dma_start3A_1277, %dma_start3A_1278] : memref<2x8x16x384xf32, #tpu.memory_space<vmem>> -> memref<1x8x16x384xf32, #tpu.memory_space<vmem>>
    %dma_start3A_1280 = tpu.memref_squeeze %dma_start3A_1279 : memref<1x8x16x384xf32, #tpu.memory_space<vmem>> -> memref<8x16x384xf32, #tpu.memory_space<vmem>>
    %dma_start3A_1281 = arith.constant 176 : i32
    %dma_start3A_1282 = tpu.memref_slice %arg5[%dma_start3A_1281] : memref<256xi32, #tpu.memory_space<vmem>> -> memref<8xi32, #tpu.memory_space<vmem>>
    %dma_start3A_1283 = arith.constant 0 : i32
    %dma_start3A_1284 = arith.constant 0 : i32
    %dma_start3A_1285 = arith.constant 0 : i32
    %dma_start3A_1286 = tpu.memref_slice %arg3[%dma_start3A_1283, %dma_start3A_1284, %dma_start3A_1285] : memref<1568x16x384xf32, #tpu.memory_space<hbm>> -> memref<1568x16x384xf32, #tpu.memory_space<hbm>>
    tpu.enqueue_indirect_dma source(%dma_start3A_1286 : memref<1568x16x384xf32, #tpu.memory_space<hbm>>) target(%dma_start3A_1280 : memref<8x16x384xf32, #tpu.memory_space<vmem>>) offsets(%dma_start3A_1282 : memref<8xi32, #tpu.memory_space<vmem>>) semaphore(%arg7 : memref<!tpu.dma_semaphore, #tpu.memory_space<semaphore_mem>>)
    %dma_wait3A_1287 = arith.constant 1 : i32
    %dma_wait3A_1288 = arith.constant 0 : i32
    %dma_wait3A_1289 = arith.constant 0 : i32
    %dma_wait3A_1290 = arith.constant 0 : i32
    %dma_wait3A_1291 = tpu.memref_slice %arg6[%dma_wait3A_1287, %dma_wait3A_1288, %dma_wait3A_1289, %dma_wait3A_1290] : memref<2x8x16x384xf32, #tpu.memory_space<vmem>> -> memref<1x8x16x384xf32, #tpu.memory_space<vmem>>
    %dma_wait3A_1292 = tpu.memref_squeeze %dma_wait3A_1291 : memref<1x8x16x384xf32, #tpu.memory_space<vmem>> -> memref<8x16x384xf32, #tpu.memory_space<vmem>>
    %dma_wait3A_1293 = arith.constant 168 : i32
    %dma_wait3A_1294 = tpu.memref_slice %arg5[%dma_wait3A_1293] : memref<256xi32, #tpu.memory_space<vmem>> -> memref<8xi32, #tpu.memory_space<vmem>>
    %dma_wait3A_1295 = arith.constant 0 : i32
    %dma_wait3A_1296 = arith.constant 0 : i32
    %dma_wait3A_1297 = arith.constant 0 : i32
    %dma_wait3A_1298 = tpu.memref_slice %arg3[%dma_wait3A_1295, %dma_wait3A_1296, %dma_wait3A_1297] : memref<1568x16x384xf32, #tpu.memory_space<hbm>> -> memref<1568x16x384xf32, #tpu.memory_space<hbm>>
    tpu.wait_indirect_dma semaphore(%arg8 : memref<!tpu.dma_semaphore, #tpu.memory_space<semaphore_mem>>) src(%dma_wait3A_1298 : memref<1568x16x384xf32, #tpu.memory_space<hbm>>) dst(%dma_wait3A_1292 : memref<8x16x384xf32, #tpu.memory_space<vmem>>)
    %add3A_1299 = arith.constant 168 : i32
    %add3A_1300 = arith.addi %mul3A_4, %add3A_1299 : i32
    %dma_start3A_1301 = arith.constant 1 : i32
    %dma_start3A_1302 = arith.constant 0 : i32
    %dma_start3A_1303 = arith.constant 0 : i32
    %dma_start3A_1304 = arith.constant 0 : i32
    %dma_start3A_1305 = tpu.memref_slice %arg6[%dma_start3A_1301, %dma_start3A_1302, %dma_start3A_1303, %dma_start3A_1304] : memref<2x8x16x384xf32, #tpu.memory_space<vmem>> -> memref<1x8x16x384xf32, #tpu.memory_space<vmem>>
    %dma_start3A_1306 = tpu.memref_squeeze %dma_start3A_1305 : memref<1x8x16x384xf32, #tpu.memory_space<vmem>> -> memref<8x16x384xf32, #tpu.memory_space<vmem>>
    %dma_start3A_1307 = arith.constant 0 : i32
    %dma_start3A_1308 = arith.constant 0 : i32
    %dma_start3A_1309 = tpu.memref_slice %arg4[%add3A_1300, %dma_start3A_1307, %dma_start3A_1308] : memref<6272x16x384xf32, #tpu.memory_space<hbm>> -> memref<8x16x384xf32, #tpu.memory_space<hbm>>
    %dma_start3A_1310 = arith.constant 0 : i32
    %dma_start3A_1311 = arith.constant 0 : i32
    %dma_start3A_1312 = tpu.memref_slice %arg4[%add3A_1300, %dma_start3A_1310, %dma_start3A_1311] : memref<6272x16x384xf32, #tpu.memory_space<hbm>> -> memref<8x16x384xf32, #tpu.memory_space<hbm>>
    %dma_start3A_1313 = arith.constant 0 : i32
    %dma_start3A_1314 = arith.constant 0 : i32
    %dma_start3A_1315 = arith.constant 0 : i32
    %dma_start3A_1316 = tpu.memref_slice %arg6[%dma_start3A_1301, %dma_start3A_1313, %dma_start3A_1314, %dma_start3A_1315] : memref<2x8x16x384xf32, #tpu.memory_space<vmem>> -> memref<1x8x16x384xf32, #tpu.memory_space<vmem>>
    %dma_start3A_1317 = tpu.memref_squeeze %dma_start3A_1316 : memref<1x8x16x384xf32, #tpu.memory_space<vmem>> -> memref<8x16x384xf32, #tpu.memory_space<vmem>>
    tpu.enqueue_dma source(%dma_start3A_1317 : memref<8x16x384xf32, #tpu.memory_space<vmem>>) target(%dma_start3A_1312 : memref<8x16x384xf32, #tpu.memory_space<hbm>>) target_semaphore(%arg10 : memref<!tpu.dma_semaphore, #tpu.memory_space<semaphore_mem>>)
    %dma_wait3A_1318 = arith.constant 1 : i32
    %dma_wait3A_1319 = arith.constant 0 : i32
    %dma_wait3A_1320 = arith.constant 0 : i32
    %dma_wait3A_1321 = arith.constant 0 : i32
    %dma_wait3A_1322 = tpu.memref_slice %arg6[%dma_wait3A_1318, %dma_wait3A_1319, %dma_wait3A_1320, %dma_wait3A_1321] : memref<2x8x16x384xf32, #tpu.memory_space<vmem>> -> memref<1x8x16x384xf32, #tpu.memory_space<vmem>>
    %dma_wait3A_1323 = tpu.memref_squeeze %dma_wait3A_1322 : memref<1x8x16x384xf32, #tpu.memory_space<vmem>> -> memref<8x16x384xf32, #tpu.memory_space<vmem>>
    %dma_wait3A_1324 = arith.constant 0 : i32
    %dma_wait3A_1325 = arith.constant 0 : i32
    %dma_wait3A_1326 = tpu.memref_slice %arg4[%add3A_1300, %dma_wait3A_1324, %dma_wait3A_1325] : memref<6272x16x384xf32, #tpu.memory_space<hbm>> -> memref<8x16x384xf32, #tpu.memory_space<hbm>>
    %dma_wait3A_1327 = arith.constant 0 : i32
    %dma_wait3A_1328 = arith.constant 0 : i32
    %dma_wait3A_1329 = tpu.memref_slice %arg4[%add3A_1300, %dma_wait3A_1327, %dma_wait3A_1328] : memref<6272x16x384xf32, #tpu.memory_space<hbm>> -> memref<8x16x384xf32, #tpu.memory_space<hbm>>
    %dma_wait3A_1330 = arith.constant 0 : i32
    %dma_wait3A_1331 = arith.constant 0 : i32
    %dma_wait3A_1332 = arith.constant 0 : i32
    %dma_wait3A_1333 = tpu.memref_slice %arg6[%dma_wait3A_1318, %dma_wait3A_1330, %dma_wait3A_1331, %dma_wait3A_1332] : memref<2x8x16x384xf32, #tpu.memory_space<vmem>> -> memref<1x8x16x384xf32, #tpu.memory_space<vmem>>
    %dma_wait3A_1334 = tpu.memref_squeeze %dma_wait3A_1333 : memref<1x8x16x384xf32, #tpu.memory_space<vmem>> -> memref<8x16x384xf32, #tpu.memory_space<vmem>>
    tpu.wait_dma2 semaphore(%arg10 : memref<!tpu.dma_semaphore, #tpu.memory_space<semaphore_mem>>) src(%dma_wait3A_1334 : memref<8x16x384xf32, #tpu.memory_space<vmem>>) dst(%dma_wait3A_1329 : memref<8x16x384xf32, #tpu.memory_space<hbm>>)
    %dma_start3A_1335 = arith.constant 1 : i32
    %dma_start3A_1336 = arith.constant 0 : i32
    %dma_start3A_1337 = arith.constant 0 : i32
    %dma_start3A_1338 = arith.constant 0 : i32
    %dma_start3A_1339 = tpu.memref_slice %arg6[%dma_start3A_1335, %dma_start3A_1336, %dma_start3A_1337, %dma_start3A_1338] : memref<2x8x16x384xf32, #tpu.memory_space<vmem>> -> memref<1x8x16x384xf32, #tpu.memory_space<vmem>>
    %dma_start3A_1340 = tpu.memref_squeeze %dma_start3A_1339 : memref<1x8x16x384xf32, #tpu.memory_space<vmem>> -> memref<8x16x384xf32, #tpu.memory_space<vmem>>
    %dma_start3A_1341 = arith.constant 184 : i32
    %dma_start3A_1342 = tpu.memref_slice %arg5[%dma_start3A_1341] : memref<256xi32, #tpu.memory_space<vmem>> -> memref<8xi32, #tpu.memory_space<vmem>>
    %dma_start3A_1343 = arith.constant 0 : i32
    %dma_start3A_1344 = arith.constant 0 : i32
    %dma_start3A_1345 = arith.constant 0 : i32
    %dma_start3A_1346 = tpu.memref_slice %arg3[%dma_start3A_1343, %dma_start3A_1344, %dma_start3A_1345] : memref<1568x16x384xf32, #tpu.memory_space<hbm>> -> memref<1568x16x384xf32, #tpu.memory_space<hbm>>
    tpu.enqueue_indirect_dma source(%dma_start3A_1346 : memref<1568x16x384xf32, #tpu.memory_space<hbm>>) target(%dma_start3A_1340 : memref<8x16x384xf32, #tpu.memory_space<vmem>>) offsets(%dma_start3A_1342 : memref<8xi32, #tpu.memory_space<vmem>>) semaphore(%arg8 : memref<!tpu.dma_semaphore, #tpu.memory_space<semaphore_mem>>)
    %dma_wait3A_1347 = arith.constant 0 : i32
    %dma_wait3A_1348 = arith.constant 0 : i32
    %dma_wait3A_1349 = arith.constant 0 : i32
    %dma_wait3A_1350 = arith.constant 0 : i32
    %dma_wait3A_1351 = tpu.memref_slice %arg6[%dma_wait3A_1347, %dma_wait3A_1348, %dma_wait3A_1349, %dma_wait3A_1350] : memref<2x8x16x384xf32, #tpu.memory_space<vmem>> -> memref<1x8x16x384xf32, #tpu.memory_space<vmem>>
    %dma_wait3A_1352 = tpu.memref_squeeze %dma_wait3A_1351 : memref<1x8x16x384xf32, #tpu.memory_space<vmem>> -> memref<8x16x384xf32, #tpu.memory_space<vmem>>
    %dma_wait3A_1353 = arith.constant 176 : i32
    %dma_wait3A_1354 = tpu.memref_slice %arg5[%dma_wait3A_1353] : memref<256xi32, #tpu.memory_space<vmem>> -> memref<8xi32, #tpu.memory_space<vmem>>
    %dma_wait3A_1355 = arith.constant 0 : i32
    %dma_wait3A_1356 = arith.constant 0 : i32
    %dma_wait3A_1357 = arith.constant 0 : i32
    %dma_wait3A_1358 = tpu.memref_slice %arg3[%dma_wait3A_1355, %dma_wait3A_1356, %dma_wait3A_1357] : memref<1568x16x384xf32, #tpu.memory_space<hbm>> -> memref<1568x16x384xf32, #tpu.memory_space<hbm>>
    tpu.wait_indirect_dma semaphore(%arg7 : memref<!tpu.dma_semaphore, #tpu.memory_space<semaphore_mem>>) src(%dma_wait3A_1358 : memref<1568x16x384xf32, #tpu.memory_space<hbm>>) dst(%dma_wait3A_1352 : memref<8x16x384xf32, #tpu.memory_space<vmem>>)
    %add3A_1359 = arith.constant 176 : i32
    %add3A_1360 = arith.addi %mul3A_4, %add3A_1359 : i32
    %dma_start3A_1361 = arith.constant 0 : i32
    %dma_start3A_1362 = arith.constant 0 : i32
    %dma_start3A_1363 = arith.constant 0 : i32
    %dma_start3A_1364 = arith.constant 0 : i32
    %dma_start3A_1365 = tpu.memref_slice %arg6[%dma_start3A_1361, %dma_start3A_1362, %dma_start3A_1363, %dma_start3A_1364] : memref<2x8x16x384xf32, #tpu.memory_space<vmem>> -> memref<1x8x16x384xf32, #tpu.memory_space<vmem>>
    %dma_start3A_1366 = tpu.memref_squeeze %dma_start3A_1365 : memref<1x8x16x384xf32, #tpu.memory_space<vmem>> -> memref<8x16x384xf32, #tpu.memory_space<vmem>>
    %dma_start3A_1367 = arith.constant 0 : i32
    %dma_start3A_1368 = arith.constant 0 : i32
    %dma_start3A_1369 = tpu.memref_slice %arg4[%add3A_1360, %dma_start3A_1367, %dma_start3A_1368] : memref<6272x16x384xf32, #tpu.memory_space<hbm>> -> memref<8x16x384xf32, #tpu.memory_space<hbm>>
    %dma_start3A_1370 = arith.constant 0 : i32
    %dma_start3A_1371 = arith.constant 0 : i32
    %dma_start3A_1372 = tpu.memref_slice %arg4[%add3A_1360, %dma_start3A_1370, %dma_start3A_1371] : memref<6272x16x384xf32, #tpu.memory_space<hbm>> -> memref<8x16x384xf32, #tpu.memory_space<hbm>>
    %dma_start3A_1373 = arith.constant 0 : i32
    %dma_start3A_1374 = arith.constant 0 : i32
    %dma_start3A_1375 = arith.constant 0 : i32
    %dma_start3A_1376 = tpu.memref_slice %arg6[%dma_start3A_1361, %dma_start3A_1373, %dma_start3A_1374, %dma_start3A_1375] : memref<2x8x16x384xf32, #tpu.memory_space<vmem>> -> memref<1x8x16x384xf32, #tpu.memory_space<vmem>>
    %dma_start3A_1377 = tpu.memref_squeeze %dma_start3A_1376 : memref<1x8x16x384xf32, #tpu.memory_space<vmem>> -> memref<8x16x384xf32, #tpu.memory_space<vmem>>
    tpu.enqueue_dma source(%dma_start3A_1377 : memref<8x16x384xf32, #tpu.memory_space<vmem>>) target(%dma_start3A_1372 : memref<8x16x384xf32, #tpu.memory_space<hbm>>) target_semaphore(%arg9 : memref<!tpu.dma_semaphore, #tpu.memory_space<semaphore_mem>>)
    %dma_wait3A_1378 = arith.constant 0 : i32
    %dma_wait3A_1379 = arith.constant 0 : i32
    %dma_wait3A_1380 = arith.constant 0 : i32
    %dma_wait3A_1381 = arith.constant 0 : i32
    %dma_wait3A_1382 = tpu.memref_slice %arg6[%dma_wait3A_1378, %dma_wait3A_1379, %dma_wait3A_1380, %dma_wait3A_1381] : memref<2x8x16x384xf32, #tpu.memory_space<vmem>> -> memref<1x8x16x384xf32, #tpu.memory_space<vmem>>
    %dma_wait3A_1383 = tpu.memref_squeeze %dma_wait3A_1382 : memref<1x8x16x384xf32, #tpu.memory_space<vmem>> -> memref<8x16x384xf32, #tpu.memory_space<vmem>>
    %dma_wait3A_1384 = arith.constant 0 : i32
    %dma_wait3A_1385 = arith.constant 0 : i32
    %dma_wait3A_1386 = tpu.memref_slice %arg4[%add3A_1360, %dma_wait3A_1384, %dma_wait3A_1385] : memref<6272x16x384xf32, #tpu.memory_space<hbm>> -> memref<8x16x384xf32, #tpu.memory_space<hbm>>
    %dma_wait3A_1387 = arith.constant 0 : i32
    %dma_wait3A_1388 = arith.constant 0 : i32
    %dma_wait3A_1389 = tpu.memref_slice %arg4[%add3A_1360, %dma_wait3A_1387, %dma_wait3A_1388] : memref<6272x16x384xf32, #tpu.memory_space<hbm>> -> memref<8x16x384xf32, #tpu.memory_space<hbm>>
    %dma_wait3A_1390 = arith.constant 0 : i32
    %dma_wait3A_1391 = arith.constant 0 : i32
    %dma_wait3A_1392 = arith.constant 0 : i32
    %dma_wait3A_1393 = tpu.memref_slice %arg6[%dma_wait3A_1378, %dma_wait3A_1390, %dma_wait3A_1391, %dma_wait3A_1392] : memref<2x8x16x384xf32, #tpu.memory_space<vmem>> -> memref<1x8x16x384xf32, #tpu.memory_space<vmem>>
    %dma_wait3A_1394 = tpu.memref_squeeze %dma_wait3A_1393 : memref<1x8x16x384xf32, #tpu.memory_space<vmem>> -> memref<8x16x384xf32, #tpu.memory_space<vmem>>
    tpu.wait_dma2 semaphore(%arg9 : memref<!tpu.dma_semaphore, #tpu.memory_space<semaphore_mem>>) src(%dma_wait3A_1394 : memref<8x16x384xf32, #tpu.memory_space<vmem>>) dst(%dma_wait3A_1389 : memref<8x16x384xf32, #tpu.memory_space<hbm>>)
    %dma_start3A_1395 = arith.constant 0 : i32
    %dma_start3A_1396 = arith.constant 0 : i32
    %dma_start3A_1397 = arith.constant 0 : i32
    %dma_start3A_1398 = arith.constant 0 : i32
    %dma_start3A_1399 = tpu.memref_slice %arg6[%dma_start3A_1395, %dma_start3A_1396, %dma_start3A_1397, %dma_start3A_1398] : memref<2x8x16x384xf32, #tpu.memory_space<vmem>> -> memref<1x4x16x384xf32, #tpu.memory_space<vmem>>
    %dma_start3A_1400 = tpu.memref_squeeze %dma_start3A_1399 : memref<1x4x16x384xf32, #tpu.memory_space<vmem>> -> memref<4x16x384xf32, #tpu.memory_space<vmem>>
    %dma_start3A_1401 = arith.constant 192 : i32
    %dma_start3A_1402 = tpu.memref_slice %arg5[%dma_start3A_1401] : memref<256xi32, #tpu.memory_space<vmem>> -> memref<4xi32, #tpu.memory_space<vmem>>
    %dma_start3A_1403 = arith.constant 0 : i32
    %dma_start3A_1404 = arith.constant 0 : i32
    %dma_start3A_1405 = arith.constant 0 : i32
    %dma_start3A_1406 = tpu.memref_slice %arg3[%dma_start3A_1403, %dma_start3A_1404, %dma_start3A_1405] : memref<1568x16x384xf32, #tpu.memory_space<hbm>> -> memref<1568x16x384xf32, #tpu.memory_space<hbm>>
    tpu.enqueue_indirect_dma source(%dma_start3A_1406 : memref<1568x16x384xf32, #tpu.memory_space<hbm>>) target(%dma_start3A_1400 : memref<4x16x384xf32, #tpu.memory_space<vmem>>) offsets(%dma_start3A_1402 : memref<4xi32, #tpu.memory_space<vmem>>) semaphore(%arg7 : memref<!tpu.dma_semaphore, #tpu.memory_space<semaphore_mem>>)
    %dma_wait3A_1407 = arith.constant 1 : i32
    %dma_wait3A_1408 = arith.constant 0 : i32
    %dma_wait3A_1409 = arith.constant 0 : i32
    %dma_wait3A_1410 = arith.constant 0 : i32
    %dma_wait3A_1411 = tpu.memref_slice %arg6[%dma_wait3A_1407, %dma_wait3A_1408, %dma_wait3A_1409, %dma_wait3A_1410] : memref<2x8x16x384xf32, #tpu.memory_space<vmem>> -> memref<1x8x16x384xf32, #tpu.memory_space<vmem>>
    %dma_wait3A_1412 = tpu.memref_squeeze %dma_wait3A_1411 : memref<1x8x16x384xf32, #tpu.memory_space<vmem>> -> memref<8x16x384xf32, #tpu.memory_space<vmem>>
    %dma_wait3A_1413 = arith.constant 184 : i32
    %dma_wait3A_1414 = tpu.memref_slice %arg5[%dma_wait3A_1413] : memref<256xi32, #tpu.memory_space<vmem>> -> memref<8xi32, #tpu.memory_space<vmem>>
    %dma_wait3A_1415 = arith.constant 0 : i32
    %dma_wait3A_1416 = arith.constant 0 : i32
    %dma_wait3A_1417 = arith.constant 0 : i32
    %dma_wait3A_1418 = tpu.memref_slice %arg3[%dma_wait3A_1415, %dma_wait3A_1416, %dma_wait3A_1417] : memref<1568x16x384xf32, #tpu.memory_space<hbm>> -> memref<1568x16x384xf32, #tpu.memory_space<hbm>>
    tpu.wait_indirect_dma semaphore(%arg8 : memref<!tpu.dma_semaphore, #tpu.memory_space<semaphore_mem>>) src(%dma_wait3A_1418 : memref<1568x16x384xf32, #tpu.memory_space<hbm>>) dst(%dma_wait3A_1412 : memref<8x16x384xf32, #tpu.memory_space<vmem>>)
    %add3A_1419 = arith.constant 184 : i32
    %add3A_1420 = arith.addi %mul3A_4, %add3A_1419 : i32
    %dma_start3A_1421 = arith.constant 1 : i32
    %dma_start3A_1422 = arith.constant 0 : i32
    %dma_start3A_1423 = arith.constant 0 : i32
    %dma_start3A_1424 = arith.constant 0 : i32
    %dma_start3A_1425 = tpu.memref_slice %arg6[%dma_start3A_1421, %dma_start3A_1422, %dma_start3A_1423, %dma_start3A_1424] : memref<2x8x16x384xf32, #tpu.memory_space<vmem>> -> memref<1x8x16x384xf32, #tpu.memory_space<vmem>>
    %dma_start3A_1426 = tpu.memref_squeeze %dma_start3A_1425 : memref<1x8x16x384xf32, #tpu.memory_space<vmem>> -> memref<8x16x384xf32, #tpu.memory_space<vmem>>
    %dma_start3A_1427 = arith.constant 0 : i32
    %dma_start3A_1428 = arith.constant 0 : i32
    %dma_start3A_1429 = tpu.memref_slice %arg4[%add3A_1420, %dma_start3A_1427, %dma_start3A_1428] : memref<6272x16x384xf32, #tpu.memory_space<hbm>> -> memref<8x16x384xf32, #tpu.memory_space<hbm>>
    %dma_start3A_1430 = arith.constant 0 : i32
    %dma_start3A_1431 = arith.constant 0 : i32
    %dma_start3A_1432 = tpu.memref_slice %arg4[%add3A_1420, %dma_start3A_1430, %dma_start3A_1431] : memref<6272x16x384xf32, #tpu.memory_space<hbm>> -> memref<8x16x384xf32, #tpu.memory_space<hbm>>
    %dma_start3A_1433 = arith.constant 0 : i32
    %dma_start3A_1434 = arith.constant 0 : i32
    %dma_start3A_1435 = arith.constant 0 : i32
    %dma_start3A_1436 = tpu.memref_slice %arg6[%dma_start3A_1421, %dma_start3A_1433, %dma_start3A_1434, %dma_start3A_1435] : memref<2x8x16x384xf32, #tpu.memory_space<vmem>> -> memref<1x8x16x384xf32, #tpu.memory_space<vmem>>
    %dma_start3A_1437 = tpu.memref_squeeze %dma_start3A_1436 : memref<1x8x16x384xf32, #tpu.memory_space<vmem>> -> memref<8x16x384xf32, #tpu.memory_space<vmem>>
    tpu.enqueue_dma source(%dma_start3A_1437 : memref<8x16x384xf32, #tpu.memory_space<vmem>>) target(%dma_start3A_1432 : memref<8x16x384xf32, #tpu.memory_space<hbm>>) target_semaphore(%arg10 : memref<!tpu.dma_semaphore, #tpu.memory_space<semaphore_mem>>)
    %dma_wait3A_1438 = arith.constant 0 : i32
    %dma_wait3A_1439 = arith.constant 0 : i32
    %dma_wait3A_1440 = arith.constant 0 : i32
    %dma_wait3A_1441 = arith.constant 0 : i32
    %dma_wait3A_1442 = tpu.memref_slice %arg6[%dma_wait3A_1438, %dma_wait3A_1439, %dma_wait3A_1440, %dma_wait3A_1441] : memref<2x8x16x384xf32, #tpu.memory_space<vmem>> -> memref<1x4x16x384xf32, #tpu.memory_space<vmem>>
    %dma_wait3A_1443 = tpu.memref_squeeze %dma_wait3A_1442 : memref<1x4x16x384xf32, #tpu.memory_space<vmem>> -> memref<4x16x384xf32, #tpu.memory_space<vmem>>
    %dma_wait3A_1444 = arith.constant 192 : i32
    %dma_wait3A_1445 = tpu.memref_slice %arg5[%dma_wait3A_1444] : memref<256xi32, #tpu.memory_space<vmem>> -> memref<4xi32, #tpu.memory_space<vmem>>
    %dma_wait3A_1446 = arith.constant 0 : i32
    %dma_wait3A_1447 = arith.constant 0 : i32
    %dma_wait3A_1448 = arith.constant 0 : i32
    %dma_wait3A_1449 = tpu.memref_slice %arg3[%dma_wait3A_1446, %dma_wait3A_1447, %dma_wait3A_1448] : memref<1568x16x384xf32, #tpu.memory_space<hbm>> -> memref<1568x16x384xf32, #tpu.memory_space<hbm>>
    tpu.wait_indirect_dma semaphore(%arg7 : memref<!tpu.dma_semaphore, #tpu.memory_space<semaphore_mem>>) src(%dma_wait3A_1449 : memref<1568x16x384xf32, #tpu.memory_space<hbm>>) dst(%dma_wait3A_1443 : memref<4x16x384xf32, #tpu.memory_space<vmem>>)
    %add3A_1450 = arith.constant 192 : i32
    %add3A_1451 = arith.addi %mul3A_4, %add3A_1450 : i32
    %dma_start3A_1452 = arith.constant 0 : i32
    %dma_start3A_1453 = arith.constant 0 : i32
    %dma_start3A_1454 = arith.constant 0 : i32
    %dma_start3A_1455 = arith.constant 0 : i32
    %dma_start3A_1456 = tpu.memref_slice %arg6[%dma_start3A_1452, %dma_start3A_1453, %dma_start3A_1454, %dma_start3A_1455] : memref<2x8x16x384xf32, #tpu.memory_space<vmem>> -> memref<1x4x16x384xf32, #tpu.memory_space<vmem>>
    %dma_start3A_1457 = tpu.memref_squeeze %dma_start3A_1456 : memref<1x4x16x384xf32, #tpu.memory_space<vmem>> -> memref<4x16x384xf32, #tpu.memory_space<vmem>>
    %dma_start3A_1458 = arith.constant 0 : i32
    %dma_start3A_1459 = arith.constant 0 : i32
    %dma_start3A_1460 = tpu.memref_slice %arg4[%add3A_1451, %dma_start3A_1458, %dma_start3A_1459] : memref<6272x16x384xf32, #tpu.memory_space<hbm>> -> memref<4x16x384xf32, #tpu.memory_space<hbm>>
    %dma_start3A_1461 = arith.constant 0 : i32
    %dma_start3A_1462 = arith.constant 0 : i32
    %dma_start3A_1463 = tpu.memref_slice %arg4[%add3A_1451, %dma_start3A_1461, %dma_start3A_1462] : memref<6272x16x384xf32, #tpu.memory_space<hbm>> -> memref<4x16x384xf32, #tpu.memory_space<hbm>>
    %dma_start3A_1464 = arith.constant 0 : i32
    %dma_start3A_1465 = arith.constant 0 : i32
    %dma_start3A_1466 = arith.constant 0 : i32
    %dma_start3A_1467 = tpu.memref_slice %arg6[%dma_start3A_1452, %dma_start3A_1464, %dma_start3A_1465, %dma_start3A_1466] : memref<2x8x16x384xf32, #tpu.memory_space<vmem>> -> memref<1x4x16x384xf32, #tpu.memory_space<vmem>>
    %dma_start3A_1468 = tpu.memref_squeeze %dma_start3A_1467 : memref<1x4x16x384xf32, #tpu.memory_space<vmem>> -> memref<4x16x384xf32, #tpu.memory_space<vmem>>
    tpu.enqueue_dma source(%dma_start3A_1468 : memref<4x16x384xf32, #tpu.memory_space<vmem>>) target(%dma_start3A_1463 : memref<4x16x384xf32, #tpu.memory_space<hbm>>) target_semaphore(%arg9 : memref<!tpu.dma_semaphore, #tpu.memory_space<semaphore_mem>>)
    %dma_wait3A_1469 = arith.constant 1 : i32
    %dma_wait3A_1470 = arith.constant 0 : i32
    %dma_wait3A_1471 = arith.constant 0 : i32
    %dma_wait3A_1472 = arith.constant 0 : i32
    %dma_wait3A_1473 = tpu.memref_slice %arg6[%dma_wait3A_1469, %dma_wait3A_1470, %dma_wait3A_1471, %dma_wait3A_1472] : memref<2x8x16x384xf32, #tpu.memory_space<vmem>> -> memref<1x8x16x384xf32, #tpu.memory_space<vmem>>
    %dma_wait3A_1474 = tpu.memref_squeeze %dma_wait3A_1473 : memref<1x8x16x384xf32, #tpu.memory_space<vmem>> -> memref<8x16x384xf32, #tpu.memory_space<vmem>>
    %dma_wait3A_1475 = arith.constant 0 : i32
    %dma_wait3A_1476 = arith.constant 0 : i32
    %dma_wait3A_1477 = tpu.memref_slice %arg4[%add3A_1420, %dma_wait3A_1475, %dma_wait3A_1476] : memref<6272x16x384xf32, #tpu.memory_space<hbm>> -> memref<8x16x384xf32, #tpu.memory_space<hbm>>
    %dma_wait3A_1478 = arith.constant 0 : i32
    %dma_wait3A_1479 = arith.constant 0 : i32
    %dma_wait3A_1480 = tpu.memref_slice %arg4[%add3A_1420, %dma_wait3A_1478, %dma_wait3A_1479] : memref<6272x16x384xf32, #tpu.memory_space<hbm>> -> memref<8x16x384xf32, #tpu.memory_space<hbm>>
    %dma_wait3A_1481 = arith.constant 0 : i32
    %dma_wait3A_1482 = arith.constant 0 : i32
    %dma_wait3A_1483 = arith.constant 0 : i32
    %dma_wait3A_1484 = tpu.memref_slice %arg6[%dma_wait3A_1469, %dma_wait3A_1481, %dma_wait3A_1482, %dma_wait3A_1483] : memref<2x8x16x384xf32, #tpu.memory_space<vmem>> -> memref<1x8x16x384xf32, #tpu.memory_space<vmem>>
    %dma_wait3A_1485 = tpu.memref_squeeze %dma_wait3A_1484 : memref<1x8x16x384xf32, #tpu.memory_space<vmem>> -> memref<8x16x384xf32, #tpu.memory_space<vmem>>
    tpu.wait_dma2 semaphore(%arg10 : memref<!tpu.dma_semaphore, #tpu.memory_space<semaphore_mem>>) src(%dma_wait3A_1485 : memref<8x16x384xf32, #tpu.memory_space<vmem>>) dst(%dma_wait3A_1480 : memref<8x16x384xf32, #tpu.memory_space<hbm>>)
    %dma_wait3A_1486 = arith.constant 0 : i32
    %dma_wait3A_1487 = arith.constant 0 : i32
    %dma_wait3A_1488 = arith.constant 0 : i32
    %dma_wait3A_1489 = arith.constant 0 : i32
    %dma_wait3A_1490 = tpu.memref_slice %arg6[%dma_wait3A_1486, %dma_wait3A_1487, %dma_wait3A_1488, %dma_wait3A_1489] : memref<2x8x16x384xf32, #tpu.memory_space<vmem>> -> memref<1x4x16x384xf32, #tpu.memory_space<vmem>>
    %dma_wait3A_1491 = tpu.memref_squeeze %dma_wait3A_1490 : memref<1x4x16x384xf32, #tpu.memory_space<vmem>> -> memref<4x16x384xf32, #tpu.memory_space<vmem>>
    %dma_wait3A_1492 = arith.constant 0 : i32
    %dma_wait3A_1493 = arith.constant 0 : i32
    %dma_wait3A_1494 = tpu.memref_slice %arg4[%add3A_1451, %dma_wait3A_1492, %dma_wait3A_1493] : memref<6272x16x384xf32, #tpu.memory_space<hbm>> -> memref<4x16x384xf32, #tpu.memory_space<hbm>>
    %dma_wait3A_1495 = arith.constant 0 : i32
    %dma_wait3A_1496 = arith.constant 0 : i32
    %dma_wait3A_1497 = tpu.memref_slice %arg4[%add3A_1451, %dma_wait3A_1495, %dma_wait3A_1496] : memref<6272x16x384xf32, #tpu.memory_space<hbm>> -> memref<4x16x384xf32, #tpu.memory_space<hbm>>
    %dma_wait3A_1498 = arith.constant 0 : i32
    %dma_wait3A_1499 = arith.constant 0 : i32
    %dma_wait3A_1500 = arith.constant 0 : i32
    %dma_wait3A_1501 = tpu.memref_slice %arg6[%dma_wait3A_1486, %dma_wait3A_1498, %dma_wait3A_1499, %dma_wait3A_1500] : memref<2x8x16x384xf32, #tpu.memory_space<vmem>> -> memref<1x4x16x384xf32, #tpu.memory_space<vmem>>
    %dma_wait3A_1502 = tpu.memref_squeeze %dma_wait3A_1501 : memref<1x4x16x384xf32, #tpu.memory_space<vmem>> -> memref<4x16x384xf32, #tpu.memory_space<vmem>>
    tpu.wait_dma2 semaphore(%arg9 : memref<!tpu.dma_semaphore, #tpu.memory_space<semaphore_mem>>) src(%dma_wait3A_1502 : memref<4x16x384xf32, #tpu.memory_space<vmem>>) dst(%dma_wait3A_1497 : memref<4x16x384xf32, #tpu.memory_space<hbm>>)
    return
  }
}

</mosaic_0001>

<sc_bundles>
// kernel: kernel.3.cloned.1.call-start
scs
__scs_entry_jumppad:
0x0: {  	(pc) =	sbr.rel $0x88, $3  }
0x1: {  	(tag) =	ssettag $0x0;
	lr =	simm.s32 $0x1  }
0x2: {  	[smem:$0x3F9F] =	sst lr;
	_ =	strace $0xD0000000  }
0x3: {  	_ = 	snop  }
0x4: {  	_ = 	snop  }
0x5: {  	_ = 	snop  }
0x6: {  	_ = 	snop  }
0x7: {  	_ = 	snop  }
__scs_overlays_trampoline_lowered:
0x8: {  	[smem:$0x3FAE] =	sst s0  }
0x9: {  	[smem:$0x3FAF] =	sst s1  }
0xa: {  	[smem:$0x3FB0] =	sst s2  }
0xb: {  	[smem:$0x3FB1] =	sst s3  }
0xc: {  	[smem:$0x3FB2] =	sst s4  }
0xd: {  	[smem:$0x3FB3] =	sst s5  }
0xe: {  	[smem:$0x3FB4] =	sst s6  }
0xf: {  	[smem:$0x3FB5] =	sst s7  }
0x10: {  	[smem:$0x3FB6] =	sst s8  }
0x11: {  	[smem:$0x3FB7] =	sst s9;
	s0 =	simm.s32 @!p0 $0x0  }
0x12: {  	s1 =	sld [smem:$0x3F9D];
	s0 =	simm.s32 @p0 $0x1  }
0x13: {  	[smem:$0x3FB8] =	sst s0;
	s0 =	simm.s32 @!p1 $0x0  }
0x14: {  	s2 =	sld [smem:$0x3F9C];
	s0 =	simm.s32 @p1 $0x1  }
0x15: {  	[smem:$0x3FB9] =	sst s0;
	s0 =	simm.s32 @!p2 $0x0  }
0x16: {  	s3 =	sld [smem:$0x3FDB];
	s0 =	simm.s32 @p2 $0x1  }
0x17: {  	s4 =	simm.s32 $0x1BF5;
	[smem:$0x3FBB] =	sst s0  }
0x18: {  	s0 =	sld [smem:$0x3F9E];
	_ =	swait.ge [sflag:s4], $0x0  }
0x19: {  	s7 =	sld [smem:$0x3F9F]  }
0x1a: {  	s8 =	sadd.s32 $0xFFFFE003, lr  }
0x1b: {  	s9 =	sadd.s32 $0xFFFFFEF7, lr;
	s5 =	simm.s32 $0xFFFFFFFF;
	p2 =	slt.u32 s8, $0xFFFFF086  }
0x1c: {  	p1 =	slt.u32 s9, $0xF7A;
	s5 =	simm.s32 @!p2 $0x0  }
0x1d: {  	s5 =	simm.s32 @p1 $0x1;
	p0 =	seq.s32 s7, s2  }
0x1e: {  	s7 =	smul.u32 @!p0 $0xF7A, s2;
	p2 =	seq.s32 @!p0 s5, $0x0  }
0x1f: {  	s9 =	smul.u32 $0xF7A, s1;
	s8 =	simm.s32 @!p0 $0x1BF5;
	p2 =	por !p2, p0  }
0x20: {  	[sflag:s8] =	ssyncset.s32 @!p0 $0xFFFFF086;
	s6 =	sadd.s32 @!p0 s3, s7;
	s7 =	simm.s32 @!p0 $0x108  }
0x21: {  	s3 =	sadd.s32 s3, s9;
	s6 =	sadd.s32 @!p0 $0x88, s6;
	s7 =	simm.s32 @p2 $0x1082  }
0x22: {  	[simem:s7], [sflag:s8] =	dma.local @!p0 [hbm:s6], $0xF7A  }
0x23: {  	s9 =	sor.u32 $0xD0000000, s2;
	s6 =	simm.s32 $0x108;
	_ =	swait.ge @!p0 [sflag:s8], $0x0  }
0x24: {  	s3 =	sadd.s32 $0x88, s3;
	s6 =	simm.s32 @!p1 $0x1082;
	[sflag:s4] =	ssyncset.s32 $0xFFFFF086  }
0x25: {  	[simem:s6], [sflag:s4] =	dma.local [hbm:s3], $0xF7A  }
0x26: {  	[smem:$0x3F9F] =	sst s1;
	(tag) =	ssettag s2;
	_ =	strace s9  }
0x27: {  	s1 =	sld [smem:$0x3FAF]  }
0x28: {  	s2 =	sld [smem:$0x3FB0]  }
0x29: {  	s4 =	sld [smem:$0x3FB2]  }
0x2a: {  	p0 =	seq.s32 s5, $0x0;
	s5 =	sld [smem:$0x3FB3]  }
0x2b: {  	s6 =	sld [smem:$0x3FB4]  }
0x2c: {  	s7 =	sld [smem:$0x3FB5]  }
0x2d: {  	s3 =	simm.s32 $0x108;
	s8 =	sld [smem:$0x3FB6]  }
0x2e: {  	s3 =	simm.s32 @!p0 $0x1082;
	s9 =	sld [smem:$0x3FB7]  }
0x2f: {  	lr =	sadd.s32 s0, s3;
	s0 =	sld [smem:$0x3FAE]  }
0x30: {  	s3 =	sld [smem:$0x3FB1]  }
0x31: {  	[smem:$0x3FBA] =	sst s10  }
0x32: {  	s10 =	sld [smem:$0x3FB8];
	_ =	sdelay $0x3  }
0x33: {  	p0 =	seq.s32 s10, $0x1;
	s10 =	sld [smem:$0x3FBA];
	_ =	sdelay $0x3  }
0x34: {  	[smem:$0x3FBA] =	sst s10  }
0x35: {  	s10 =	sld [smem:$0x3FB9];
	_ =	sdelay $0x3  }
0x36: {  	p1 =	seq.s32 s10, $0x1;
	s10 =	sld [smem:$0x3FBA];
	_ =	sdelay $0x3  }
0x37: {  	[smem:$0x3FBA] =	sst s10  }
0x38: {  	s10 =	sld [smem:$0x3FBB]  }
0x39: {  	_ = 	snop;
	(pc) =	sbr.ind lr, $3  }
0x3a: {  	_ = 	snop  }
0x3b: {  	_ = 	snop  }
0x3c: {  	p2 =	seq.s32 s10, $0x1;
	s10 =	sld [smem:$0x3FBA]  }
0x3d: {  	_ =	shalt  }
0x3e: {  	_ =	shalt  }
0x3f: {  	_ =	shalt  }
0x40: {  	_ =	shalt  }
0x41: {  	_ =	shalt  }
0x42: {  	_ =	shalt  }
0x43: {  	_ =	shalt  }
0x44: {  	_ =	shalt  }
0x45: {  	_ =	shalt  }
0x46: {  	_ =	shalt  }
0x47: {  	_ =	shalt  }
0x48: {  	_ =	shalt  }
0x49: {  	_ =	shalt  }
0x4a: {  	_ =	shalt  }
0x4b: {  	_ =	shalt  }
0x4c: {  	_ =	shalt  }
0x4d: {  	_ =	shalt  }
0x4e: {  	_ =	shalt  }
0x4f: {  	_ =	shalt  }
0x50: {  	_ =	shalt  }
0x51: {  	_ =	shalt  }
0x52: {  	_ =	shalt  }
0x53: {  	_ =	shalt  }
0x54: {  	_ =	shalt  }
0x55: {  	_ =	shalt  }
0x56: {  	_ =	shalt  }
0x57: {  	_ =	shalt  }
0x58: {  	_ =	shalt  }
0x59: {  	_ =	shalt  }
0x5a: {  	_ =	shalt  }
0x5b: {  	_ =	shalt  }
0x5c: {  	_ =	shalt  }
0x5d: {  	_ =	shalt  }
0x5e: {  	_ =	shalt  }
0x5f: {  	_ =	shalt  }
0x60: {  	_ =	shalt  }
0x61: {  	_ =	shalt  }
0x62: {  	_ =	shalt  }
0x63: {  	_ =	shalt  }
0x64: {  	_ =	shalt  }
0x65: {  	_ =	shalt  }
0x66: {  	_ =	shalt  }
0x67: {  	_ =	shalt  }
0x68: {  	_ =	shalt  }
0x69: {  	_ =	shalt  }
0x6a: {  	_ =	shalt  }
0x6b: {  	_ =	shalt  }
0x6c: {  	_ =	shalt  }
0x6d: {  	_ =	shalt  }
0x6e: {  	_ =	shalt  }
0x6f: {  	_ =	shalt  }
0x70: {  	_ =	shalt  }
0x71: {  	_ =	shalt  }
0x72: {  	_ =	shalt  }
0x73: {  	_ =	shalt  }
0x74: {  	_ =	shalt  }
0x75: {  	_ =	shalt  }
0x76: {  	_ =	shalt  }
0x77: {  	_ =	shalt  }
0x78: {  	_ =	shalt  }
0x79: {  	_ =	shalt  }
0x7a: {  	_ =	shalt  }
0x7b: {  	_ =	shalt  }
0x7c: {  	_ =	shalt  }
0x7d: {  	_ =	shalt  }
0x7e: {  	_ =	shalt  }
0x7f: {  	_ =	shalt  }
0x80: {  	_ =	shalt  }
0x81: {  	_ =	shalt  }
0x82: {  	_ =	shalt  }
0x83: {  	_ =	shalt  }
0x84: {  	_ =	shalt  }
0x85: {  	_ =	shalt  }
0x86: {  	_ =	shalt  }
0x87: {  	_ =	shalt  }
.Lfunc_end0:
.L_simem_size_0:
called_computation_lowered:
.L_overlay_start_0:
0x88: {  	s2 =	sld [smem:$0x3FD9]  }
0x89: {  	s3 =	sld [smem:$0x3FFE];
	_ =	sdelay $0x1  }
0x8a: {  	s1 =	srdreg.scid  }
0x8b: {  	s0 =	sand.u32 $0x1, s1  }
0x8c: {  	s17 =	sshll.u32 s0, $0xA;
	s2 =	sadd.s32 s3, s2  }
0x8d: {  	s2 =	sadd.s32 s2, s17  }
0x8e: {  	[smem:$0x3FC6] =	sst s2  }
0x8f: {  	_ = 	snop  }
0x90: {  	s2 =	sld [smem:$0x3FC8]  }
0x91: {  	s18 =	sld [smem:$0x3FD0];
	(tm) =	ssettm $0x1  }
0x92: {  	s4 =	sld [smem:$0x3FFB];
	_ =	sdelay $0x3  }
0x93: {  	_ =	strace s4  }
0x94: {  	s4 =	sld [smem:$0x3FFC];
	_ =	sdelay $0x3  }
0x95: {  	_ =	strace s4  }
0x96: {  	s4 =	sld [smem:$0x3FFD];
	_ =	sdelay $0x3  }
0x97: {  	_ =	strace s4  }
0x98: {  	_ =	strace $0x8FFFFFFF  }
0x99: {  	s19 =	sld [smem:$0x3FDB];
	_ =	sdelay $0x1  }
0x9a: {  	s5 =	simm.s32 $_scs_section_size  }
0x9b: {  	s6 =	simm.s32 $_size__tile_overlayer_lowered;
	s7 =	simm.s32 $_tile_overlayer_lowered  }
0x9c: {  	s22 =	simm.s32 $0x1BFF;
	s21 =	sshll.u32 s7, $0x1;
	s4 =	sadd.s32 s5, s19  }
0x9d: {  	s8 =	simm.s32 $0x0;
	s20 =	sshll.u32 s6, $0x1;
	s6 =	sadd.s32 s21, s4  }
0x9e: {  	[timem:s8], [sflag:s22] =	dma.local [hbm:s6], s20  }
0x9f: {  	_ =	swait.ge [sflag:s22], s20  }
0xa0: {  	s5 =	ssub.s32 $0x0, s20;
	[sflag:s22] =	ssyncset.done $0x0  }
0xa1: {  	[sflag:s22] =	ssyncadd.s32 s5;
	_ =	sdelay $0x1  }
0xa2: {  	s23 =	simm.s32 $0x1B8B  }
0xa3: {  	_ =	swait.ge [sflag:s23], $0x1  }
0xa4: {  	[sflag:s23] =	ssyncset.done $0x0  }
0xa5: {  	s25 =	simm.s32 $0x1B8E;
	s24 =	sld [smem:$0x3FFE];
	[sflag:s23] =	ssyncadd.s32 $0xFFFFFFFF  }
0xa6: {  	s26 =	simm.s32 $execute0_lowered;
	[smem:$0x3FD2] =	sst s25  }
0xa7: {  	s6 =	sshll.u32 s26, $0x1;
	_ =	strace $0x80000046;
	[dreg:$0x1] =	wrdreg $0xFFFFFFFF  }
0xa8: {  	s28 =	simm.s32 $_size_execute0_lowered;
	s4 =	sadd.s32 s4, s6;
	[dreg:$0x0] =	wrdreg $0x0  }
0xa9: {  	s6 =	sshll.u32 s28, $0x1;
	[dreg:$0x2] =	wrdreg s4  }
0xaa: {  	[dreg:$0x3] =	wrdreg s6  }
0xab: {  	[dreg:$0x4] =	wrdreg $0xC0  }
0xac: {  	_ =	task [dreg:s8], $0x5FFFF  }
0xad: {  	[dreg:$0x1] =	wrdreg $0xFFFFFFFF  }
0xae: {  	[dreg:$0x0] =	wrdreg $0x60  }
0xaf: {  	[dreg:$0x2] =	wrdreg s24  }
0xb0: {  	[dreg:$0x3] =	wrdreg s2  }
0xb1: {  	[dreg:$0x4] =	wrdreg s18  }
0xb2: {  	[dreg:$0x5] =	wrdreg $0x9  }
0xb3: {  	_ =	task.clear_ibuf [dreg:s8], $0x6FFFF;
	_ =	strace $0x90000046  }
0xb4: {  	s29 =	simm.s32 $0x9;
	_ =	strace $0x80000048  }
0xb5: {  	_ =	swait.ge [sflag:s29], $0x1  }
0xb6: {  	[sflag:s29] =	ssyncadd.s32 $0xFFFFFFFF  }
0xb7: {  	_ =	strace $0x90000048  }
0xb8: {  	_ =	sfence  }
0xb9: {  	s30 =	sld [smem:$0x0];
	_ =	sdelay $0x2  }
0xba: {  	s31 =	sshll.u32 s1, $0xD;
	s1 =	sshrl.u32 s1, $0x2  }
0xbb: {  	s3 =	sand.u32 $0x4000, s31;
	s1 =	sadd.s32 s1, s30  }
0xbc: {  	s0 =	sor.u32 s3, s0;
	s1 =	sshll.u32 s1, $0x11  }
0xbd: {  	s0 =	sor.u32 s1, s0  }
0xbe: {  	s0 =	sadd.s32 $0x8F2B, s0  }
0xbf: {  	[sflag:s0] =	ssyncadd.remote.s32 $0x1  }
0xc0: {  	_ =	sfence.sel $0xFFFF  }
0xc1: {  	[dreg:$0x0] =	wrdreg $0xFFFFFFFF;
	(pc) =	sbr.abs _section_cstart, $3  }
0xc2: {  	[dreg:$0x1] =	wrdreg $0xFFFFFFFF  }
0xc3: {  	_ =	task.clear_ibuf [dreg:s8], $0x2FFFF;
	_ =	strace $0x9FFFFFFF  }
0xc4: {  	(tm) =	ssettm $0x7FFFFFFF  }
0xc5: {  	_ =	shalt  }
tec
execute0_lowered:
.L_overlay_start_1:
0x0: {  	(tag) =	ssettag $0x1  }
0x1: {  	s1 =	rddreg [dreg:$0x0]  }
0x2: {  	s2 =	rddreg [dreg:$0x1];
	s3 =	srdreg.scid  }
0x3: {  	s0 =	stileid.u32;
	s4 =	rddreg [dreg:$0x2];
	s28 =	simm.s32 $0xC100  }
0x4: {  	s29 =	simm.s32 $0x1;
	s5 =	sand.u32 $0x1, s3;
	s18 =	sshll.u32 s0, $0x1  }
0x5: {  	s30 =	simm.s32 $0x3;
	s3 =	simm.s32 $0x0;
	s6 =	sor.u32 s5, s18  }
0x6: {  	s31 =	simm.s32 $0x2;
	[smem:$0x7FF] =	sst s3;
	s8 =	smul.u32 $0x126000, s6  }
0x7: {  	s24 =	ssub.s32 $0x2, s5;
	s7 =	sshll.u32 s6, $0x5;
	s6 =	smul.u32 $0x24C00, s6  }
0x8: {  	_ =	strace $0x80000047;
	s5 =	sshrl.u32 s24, $0x1;
	s1 =	sadd.s32 s7, s1  }
0x9: {  	s24 =	ssub.s32 s24, s5;
	s1 =	sadd.s32 $0x400, s1;
	s19 =	sshrl.u32 s8, $0x3  }
0xa: {  	s20 =	sadd.s32 s4, s6;
	s24 =	smax.u32 s24, $0x1;
	[dreg:$0x4] =	wrdreg s1  }
0xb: {  	s23 =	sadd.s32 s4, s19;
	[dreg:$0x5] =	wrdreg s20;
	s1 =	simm.s32 $0x4  }
0xc: {  	s21 =	sadd.s32 $0x1800, s23;
	s22 =	sadd.s32 $0x3000, s23;
	s25 =	sadd.s32 $0x4800, s23  }
0xd: {  	s26 =	sadd.s32 $0x6000, s23;
	s4 =	sadd.s32 $0x7800, s23;
	s5 =	sadd.s32 $0x9000, s23  }
0xe: {  	s6 =	sadd.s32 $0xA800, s23;
	s7 =	sadd.s32 $0xC000, s23;
	s8 =	sadd.s32 $0xD800, s23  }
0xf: {  	s9 =	sadd.s32 $0xF000, s23;
	s10 =	sadd.s32 $0x10800, s23;
	s11 =	sadd.s32 $0x12000, s23  }
0x10: {  	s12 =	sadd.s32 $0x13800, s23;
	s13 =	sadd.s32 $0x15000, s23;
	s14 =	sadd.s32 $0x16800, s23  }
0x11: {  	s15 =	sadd.s32 $0x18000, s23;
	s16 =	sadd.s32 $0x19800, s23;
	[dreg:$0x6] =	wrdreg s21  }
0x12: {  	s17 =	sadd.s32 $0x1B000, s23;
	s18 =	sadd.s32 $0x1C800, s23;
	[dreg:$0x7] =	wrdreg s22  }
0x13: {  	s19 =	sadd.s32 $0x1E000, s23;
	s20 =	sadd.s32 $0x1F800, s23;
	[dreg:$0x8] =	wrdreg s25  }
0x14: {  	[dreg:$0x9] =	wrdreg s26;
	s21 =	sadd.s32 $0x21000, s23;
	s22 =	sadd.s32 $0x22800, s23  }
0x15: {  	vm0 =	vmmov $0xff;
	v0 =	vlaneseq.u32;
	vm1 =	vmmov $0xf;
	s23 =	sadd.s32 $0x24000, s23;
	s25 =	simm.s32 $0x5;
	s26 =	simm.s32 $0x100  }
.LBB2_1:
0x16: {  	s0 =	rddreg [dreg:$0x4]  }
0x17: {  	[tilespmem:s3], [sflag:$0x5] =	stream.linear.gather [hbm4b:s0+s3], $0x100, $0x38;
	[tilespmem:$0x18100] =	vst v63  }
0x18: {  	_ =	swait.ge [sflag:s25], $0x100  }
0x19: {  	[sflag:s25] =	ssyncset.done $0x0  }
0x1a: {  	[sflag:s25] =	ssyncadd.s32 $0xFFFFFF00  }
0x1b: {  	v1 =	vld.msk [tilespmem:$0x0], $0xff;
	_ =	sdelay $0x4  }
0x1c: {  	v1 =	vmul.u32 $0x1800, v1;
	_ =	sdelay $0x1  }
0x1d: {  	v1 =	vperm.xlane v1, v0;
	_ =	sdelay $0x5  }
0x1e: {  	[tilespmem:s26], [sflag:$0x1] =	stream.indirect_vreg.gather [hbm4b:s2+s3], $0x1800, v1, vm0, $0x38;
	[tilespmem:$0x18100] =	vst v63  }
0x1f: {  	v1 =	vld.msk [tilespmem:$0x8], $0xff;
	_ =	sdelay $0x4  }
0x20: {  	v1 =	vmul.u32 $0x1800, v1;
	_ =	sdelay $0x1  }
0x21: {  	v1 =	vperm.xlane v1, v0;
	_ =	sdelay $0x5  }
0x22: {  	[tilespmem:s28], [sflag:$0x2] =	stream.indirect_vreg.gather [hbm4b:s2+s3], $0x1800, v1, vm0, $0x38;
	[tilespmem:$0x18100] =	vst v63  }
0x23: {  	_ =	swait.ge [sflag:s29], $0xC000  }
0x24: {  	[sflag:s29] =	ssyncset.done $0x0  }
0x25: {  	s0 =	rddreg [dreg:$0x5];
	[sflag:s29] =	ssyncadd.s32 $0xFFFF4000  }
0x26: {  	[hbm4b:s0+s3] =	stream.linear.scatter [tilespmem:s26], [sflag:$0x3], $0xC000, $0x38;
	[tilespmem:$0x18100] =	vst v63  }
0x27: {  	_ =	swait.ge [sflag:s30], $0xC000  }
0x28: {  	[sflag:s30] =	ssyncset.done $0x0  }
0x29: {  	[sflag:s30] =	ssyncadd.s32 $0xFFFF4000  }
0x2a: {  	v1 =	vld.msk [tilespmem:$0x10], $0xff;
	_ =	sdelay $0x4  }
0x2b: {  	v1 =	vmul.u32 $0x1800, v1;
	_ =	sdelay $0x1  }
0x2c: {  	v1 =	vperm.xlane v1, v0;
	_ =	sdelay $0x5  }
0x2d: {  	[tilespmem:s26], [sflag:$0x1] =	stream.indirect_vreg.gather [hbm4b:s2+s3], $0x1800, v1, vm0, $0x38;
	[tilespmem:$0x18100] =	vst v63  }
0x2e: {  	_ =	swait.ge [sflag:s31], $0xC000  }
0x2f: {  	[sflag:s31] =	ssyncset.done $0x0  }
0x30: {  	s0 =	rddreg [dreg:$0x6];
	[sflag:s31] =	ssyncadd.s32 $0xFFFF4000  }
0x31: {  	[hbm4b:s0+s3] =	stream.linear.scatter [tilespmem:s28], [sflag:$0x4], $0xC000, $0x38;
	[tilespmem:$0x18100] =	vst v63  }
0x32: {  	_ =	swait.ge [sflag:s1], $0xC000  }
0x33: {  	[sflag:s1] =	ssyncset.done $0x0  }
0x34: {  	[sflag:s1] =	ssyncadd.s32 $0xFFFF4000  }
0x35: {  	v1 =	vld.msk [tilespmem:$0x18], $0xff;
	_ =	sdelay $0x4  }
0x36: {  	v1 =	vmul.u32 $0x1800, v1;
	_ =	sdelay $0x1  }
0x37: {  	v1 =	vperm.xlane v1, v0;
	_ =	sdelay $0x5  }
0x38: {  	[tilespmem:s28], [sflag:$0x2] =	stream.indirect_vreg.gather [hbm4b:s2+s3], $0x1800, v1, vm0, $0x38;
	[tilespmem:$0x18100] =	vst v63  }
0x39: {  	_ =	swait.ge [sflag:s29], $0xC000  }
0x3a: {  	[sflag:s29] =	ssyncset.done $0x0  }
0x3b: {  	s0 =	rddreg [dreg:$0x7];
	[sflag:s29] =	ssyncadd.s32 $0xFFFF4000  }
0x3c: {  	[hbm4b:s0+s3] =	stream.linear.scatter [tilespmem:s26], [sflag:$0x3], $0xC000, $0x38;
	[tilespmem:$0x18100] =	vst v63  }
0x3d: {  	_ =	swait.ge [sflag:s30], $0xC000  }
0x3e: {  	[sflag:s30] =	ssyncset.done $0x0  }
0x3f: {  	[sflag:s30] =	ssyncadd.s32 $0xFFFF4000  }
0x40: {  	v1 =	vld.msk [tilespmem:$0x20], $0xff;
	_ =	sdelay $0x4  }
0x41: {  	v1 =	vmul.u32 $0x1800, v1;
	_ =	sdelay $0x1  }
0x42: {  	v1 =	vperm.xlane v1, v0;
	_ =	sdelay $0x5  }
0x43: {  	[tilespmem:s26], [sflag:$0x1] =	stream.indirect_vreg.gather [hbm4b:s2+s3], $0x1800, v1, vm0, $0x38;
	[tilespmem:$0x18100] =	vst v63  }
0x44: {  	_ =	swait.ge [sflag:s31], $0xC000  }
0x45: {  	[sflag:s31] =	ssyncset.done $0x0  }
0x46: {  	s0 =	rddreg [dreg:$0x8];
	[sflag:s31] =	ssyncadd.s32 $0xFFFF4000  }
0x47: {  	[hbm4b:s0+s3] =	stream.linear.scatter [tilespmem:s28], [sflag:$0x4], $0xC000, $0x38;
	[tilespmem:$0x18100] =	vst v63  }
0x48: {  	_ =	swait.ge [sflag:s1], $0xC000  }
0x49: {  	[sflag:s1] =	ssyncset.done $0x0  }
0x4a: {  	[sflag:s1] =	ssyncadd.s32 $0xFFFF4000  }
0x4b: {  	v1 =	vld.msk [tilespmem:$0x28], $0xff;
	_ =	sdelay $0x4  }
0x4c: {  	v1 =	vmul.u32 $0x1800, v1;
	_ =	sdelay $0x1  }
0x4d: {  	v1 =	vperm.xlane v1, v0;
	_ =	sdelay $0x5  }
0x4e: {  	[tilespmem:s28], [sflag:$0x2] =	stream.indirect_vreg.gather [hbm4b:s2+s3], $0x1800, v1, vm0, $0x38;
	[tilespmem:$0x18100] =	vst v63  }
0x4f: {  	_ =	swait.ge [sflag:s29], $0xC000  }
0x50: {  	[sflag:s29] =	ssyncset.done $0x0  }
0x51: {  	s0 =	rddreg [dreg:$0x9];
	[sflag:s29] =	ssyncadd.s32 $0xFFFF4000  }
0x52: {  	[hbm4b:s0+s3] =	stream.linear.scatter [tilespmem:s26], [sflag:$0x3], $0xC000, $0x38;
	[tilespmem:$0x18100] =	vst v63  }
0x53: {  	_ =	swait.ge [sflag:s30], $0xC000  }
0x54: {  	[sflag:s30] =	ssyncset.done $0x0  }
0x55: {  	[sflag:s30] =	ssyncadd.s32 $0xFFFF4000  }
0x56: {  	v1 =	vld.msk [tilespmem:$0x30], $0xff;
	_ =	sdelay $0x4  }
0x57: {  	v1 =	vmul.u32 $0x1800, v1;
	_ =	sdelay $0x1  }
0x58: {  	v1 =	vperm.xlane v1, v0;
	_ =	sdelay $0x5  }
0x59: {  	[tilespmem:s26], [sflag:$0x1] =	stream.indirect_vreg.gather [hbm4b:s2+s3], $0x1800, v1, vm0, $0x38;
	[tilespmem:$0x18100] =	vst v63  }
0x5a: {  	_ =	swait.ge [sflag:s31], $0xC000  }
0x5b: {  	[sflag:s31] =	ssyncset.done $0x0  }
0x5c: {  	[sflag:s31] =	ssyncadd.s32 $0xFFFF4000  }
0x5d: {  	[hbm4b:s4+s3] =	stream.linear.scatter [tilespmem:s28], [sflag:$0x4], $0xC000, $0x38;
	[tilespmem:$0x18100] =	vst v63  }
0x5e: {  	_ =	swait.ge [sflag:s1], $0xC000  }
0x5f: {  	[sflag:s1] =	ssyncset.done $0x0  }
0x60: {  	[sflag:s1] =	ssyncadd.s32 $0xFFFF4000  }
0x61: {  	v1 =	vld.msk [tilespmem:$0x38], $0xff;
	_ =	sdelay $0x4  }
0x62: {  	v1 =	vmul.u32 $0x1800, v1;
	_ =	sdelay $0x1  }
0x63: {  	v1 =	vperm.xlane v1, v0;
	_ =	sdelay $0x5  }
0x64: {  	[tilespmem:s28], [sflag:$0x2] =	stream.indirect_vreg.gather [hbm4b:s2+s3], $0x1800, v1, vm0, $0x38;
	[tilespmem:$0x18100] =	vst v63  }
0x65: {  	_ =	swait.ge [sflag:s29], $0xC000  }
0x66: {  	[sflag:s29] =	ssyncset.done $0x0  }
0x67: {  	[sflag:s29] =	ssyncadd.s32 $0xFFFF4000  }
0x68: {  	[hbm4b:s5+s3] =	stream.linear.scatter [tilespmem:s26], [sflag:$0x3], $0xC000, $0x38;
	[tilespmem:$0x18100] =	vst v63  }
0x69: {  	_ =	swait.ge [sflag:s30], $0xC000  }
0x6a: {  	[sflag:s30] =	ssyncset.done $0x0  }
0x6b: {  	[sflag:s30] =	ssyncadd.s32 $0xFFFF4000  }
0x6c: {  	v1 =	vld.msk [tilespmem:$0x40], $0xff;
	_ =	sdelay $0x4  }
0x6d: {  	v1 =	vmul.u32 $0x1800, v1;
	_ =	sdelay $0x1  }
0x6e: {  	v1 =	vperm.xlane v1, v0;
	_ =	sdelay $0x5  }
0x6f: {  	[tilespmem:s26], [sflag:$0x1] =	stream.indirect_vreg.gather [hbm4b:s2+s3], $0x1800, v1, vm0, $0x38;
	[tilespmem:$0x18100] =	vst v63  }
0x70: {  	_ =	swait.ge [sflag:s31], $0xC000  }
0x71: {  	[sflag:s31] =	ssyncset.done $0x0  }
0x72: {  	[sflag:s31] =	ssyncadd.s32 $0xFFFF4000  }
0x73: {  	[hbm4b:s6+s3] =	stream.linear.scatter [tilespmem:s28], [sflag:$0x4], $0xC000, $0x38;
	[tilespmem:$0x18100] =	vst v63  }
0x74: {  	_ =	swait.ge [sflag:s1], $0xC000  }
0x75: {  	[sflag:s1] =	ssyncset.done $0x0  }
0x76: {  	[sflag:s1] =	ssyncadd.s32 $0xFFFF4000  }
0x77: {  	v1 =	vld.msk [tilespmem:$0x48], $0xff;
	_ =	sdelay $0x4  }
0x78: {  	v1 =	vmul.u32 $0x1800, v1;
	_ =	sdelay $0x1  }
0x79: {  	v1 =	vperm.xlane v1, v0;
	_ =	sdelay $0x5  }
0x7a: {  	[tilespmem:s28], [sflag:$0x2] =	stream.indirect_vreg.gather [hbm4b:s2+s3], $0x1800, v1, vm0, $0x38;
	[tilespmem:$0x18100] =	vst v63  }
0x7b: {  	_ =	swait.ge [sflag:s29], $0xC000  }
0x7c: {  	[sflag:s29] =	ssyncset.done $0x0  }
0x7d: {  	[sflag:s29] =	ssyncadd.s32 $0xFFFF4000  }
0x7e: {  	[hbm4b:s7+s3] =	stream.linear.scatter [tilespmem:s26], [sflag:$0x3], $0xC000, $0x38;
	[tilespmem:$0x18100] =	vst v63  }
0x7f: {  	_ =	swait.ge [sflag:s30], $0xC000  }
0x80: {  	[sflag:s30] =	ssyncset.done $0x0  }
0x81: {  	[sflag:s30] =	ssyncadd.s32 $0xFFFF4000  }
0x82: {  	v1 =	vld.msk [tilespmem:$0x50], $0xff;
	_ =	sdelay $0x4  }
0x83: {  	v1 =	vmul.u32 $0x1800, v1;
	_ =	sdelay $0x1  }
0x84: {  	v1 =	vperm.xlane v1, v0;
	_ =	sdelay $0x5  }
0x85: {  	[tilespmem:s26], [sflag:$0x1] =	stream.indirect_vreg.gather [hbm4b:s2+s3], $0x1800, v1, vm0, $0x38;
	[tilespmem:$0x18100] =	vst v63  }
0x86: {  	_ =	swait.ge [sflag:s31], $0xC000  }
0x87: {  	[sflag:s31] =	ssyncset.done $0x0  }
0x88: {  	[sflag:s31] =	ssyncadd.s32 $0xFFFF4000  }
0x89: {  	[hbm4b:s8+s3] =	stream.linear.scatter [tilespmem:s28], [sflag:$0x4], $0xC000, $0x38;
	[tilespmem:$0x18100] =	vst v63  }
0x8a: {  	_ =	swait.ge [sflag:s1], $0xC000  }
0x8b: {  	[sflag:s1] =	ssyncset.done $0x0  }
0x8c: {  	[sflag:s1] =	ssyncadd.s32 $0xFFFF4000  }
0x8d: {  	v1 =	vld.msk [tilespmem:$0x58], $0xff;
	_ =	sdelay $0x4  }
0x8e: {  	v1 =	vmul.u32 $0x1800, v1;
	_ =	sdelay $0x1  }
0x8f: {  	v1 =	vperm.xlane v1, v0;
	_ =	sdelay $0x5  }
0x90: {  	[tilespmem:s28], [sflag:$0x2] =	stream.indirect_vreg.gather [hbm4b:s2+s3], $0x1800, v1, vm0, $0x38;
	[tilespmem:$0x18100] =	vst v63  }
0x91: {  	_ =	swait.ge [sflag:s29], $0xC000  }
0x92: {  	[sflag:s29] =	ssyncset.done $0x0  }
0x93: {  	[sflag:s29] =	ssyncadd.s32 $0xFFFF4000  }
0x94: {  	[hbm4b:s9+s3] =	stream.linear.scatter [tilespmem:s26], [sflag:$0x3], $0xC000, $0x38;
	[tilespmem:$0x18100] =	vst v63  }
0x95: {  	_ =	swait.ge [sflag:s30], $0xC000  }
0x96: {  	[sflag:s30] =	ssyncset.done $0x0  }
0x97: {  	[sflag:s30] =	ssyncadd.s32 $0xFFFF4000  }
0x98: {  	v1 =	vld.msk [tilespmem:$0x60], $0xff;
	_ =	sdelay $0x4  }
0x99: {  	v1 =	vmul.u32 $0x1800, v1;
	_ =	sdelay $0x1  }
0x9a: {  	v1 =	vperm.xlane v1, v0;
	_ =	sdelay $0x5  }
0x9b: {  	[tilespmem:s26], [sflag:$0x1] =	stream.indirect_vreg.gather [hbm4b:s2+s3], $0x1800, v1, vm0, $0x38;
	[tilespmem:$0x18100] =	vst v63  }
0x9c: {  	_ =	swait.ge [sflag:s31], $0xC000  }
0x9d: {  	[sflag:s31] =	ssyncset.done $0x0  }
0x9e: {  	[sflag:s31] =	ssyncadd.s32 $0xFFFF4000  }
0x9f: {  	[hbm4b:s10+s3] =	stream.linear.scatter [tilespmem:s28], [sflag:$0x4], $0xC000, $0x38;
	[tilespmem:$0x18100] =	vst v63  }
0xa0: {  	_ =	swait.ge [sflag:s1], $0xC000  }
0xa1: {  	[sflag:s1] =	ssyncset.done $0x0  }
0xa2: {  	[sflag:s1] =	ssyncadd.s32 $0xFFFF4000  }
0xa3: {  	v1 =	vld.msk [tilespmem:$0x68], $0xff;
	_ =	sdelay $0x4  }
0xa4: {  	v1 =	vmul.u32 $0x1800, v1;
	_ =	sdelay $0x1  }
0xa5: {  	v1 =	vperm.xlane v1, v0;
	_ =	sdelay $0x5  }
0xa6: {  	[tilespmem:s28], [sflag:$0x2] =	stream.indirect_vreg.gather [hbm4b:s2+s3], $0x1800, v1, vm0, $0x38;
	[tilespmem:$0x18100] =	vst v63  }
0xa7: {  	_ =	swait.ge [sflag:s29], $0xC000  }
0xa8: {  	[sflag:s29] =	ssyncset.done $0x0  }
0xa9: {  	[sflag:s29] =	ssyncadd.s32 $0xFFFF4000  }
0xaa: {  	[hbm4b:s11+s3] =	stream.linear.scatter [tilespmem:s26], [sflag:$0x3], $0xC000, $0x38;
	[tilespmem:$0x18100] =	vst v63  }
0xab: {  	_ =	swait.ge [sflag:s30], $0xC000  }
0xac: {  	[sflag:s30] =	ssyncset.done $0x0  }
0xad: {  	[sflag:s30] =	ssyncadd.s32 $0xFFFF4000  }
0xae: {  	v1 =	vld.msk [tilespmem:$0x70], $0xff;
	_ =	sdelay $0x4  }
0xaf: {  	v1 =	vmul.u32 $0x1800, v1;
	_ =	sdelay $0x1  }
0xb0: {  	v1 =	vperm.xlane v1, v0;
	_ =	sdelay $0x5  }
0xb1: {  	[tilespmem:s26], [sflag:$0x1] =	stream.indirect_vreg.gather [hbm4b:s2+s3], $0x1800, v1, vm0, $0x38;
	[tilespmem:$0x18100] =	vst v63  }
0xb2: {  	_ =	swait.ge [sflag:s31], $0xC000  }
0xb3: {  	[sflag:s31] =	ssyncset.done $0x0  }
0xb4: {  	[sflag:s31] =	ssyncadd.s32 $0xFFFF4000  }
0xb5: {  	[hbm4b:s12+s3] =	stream.linear.scatter [tilespmem:s28], [sflag:$0x4], $0xC000, $0x38;
	[tilespmem:$0x18100] =	vst v63  }
0xb6: {  	_ =	swait.ge [sflag:s1], $0xC000  }
0xb7: {  	[sflag:s1] =	ssyncset.done $0x0  }
0xb8: {  	[sflag:s1] =	ssyncadd.s32 $0xFFFF4000  }
0xb9: {  	v1 =	vld.msk [tilespmem:$0x78], $0xff;
	_ =	sdelay $0x4  }
0xba: {  	v1 =	vmul.u32 $0x1800, v1;
	_ =	sdelay $0x1  }
0xbb: {  	v1 =	vperm.xlane v1, v0;
	_ =	sdelay $0x5  }
0xbc: {  	[tilespmem:s28], [sflag:$0x2] =	stream.indirect_vreg.gather [hbm4b:s2+s3], $0x1800, v1, vm0, $0x38;
	[tilespmem:$0x18100] =	vst v63  }
0xbd: {  	_ =	swait.ge [sflag:s29], $0xC000  }
0xbe: {  	[sflag:s29] =	ssyncset.done $0x0  }
0xbf: {  	[sflag:s29] =	ssyncadd.s32 $0xFFFF4000  }
0xc0: {  	[hbm4b:s13+s3] =	stream.linear.scatter [tilespmem:s26], [sflag:$0x3], $0xC000, $0x38;
	[tilespmem:$0x18100] =	vst v63  }
0xc1: {  	_ =	swait.ge [sflag:s30], $0xC000  }
0xc2: {  	[sflag:s30] =	ssyncset.done $0x0  }
0xc3: {  	[sflag:s30] =	ssyncadd.s32 $0xFFFF4000  }
0xc4: {  	v1 =	vld.msk [tilespmem:$0x80], $0xff;
	_ =	sdelay $0x4  }
0xc5: {  	v1 =	vmul.u32 $0x1800, v1;
	_ =	sdelay $0x1  }
0xc6: {  	v1 =	vperm.xlane v1, v0;
	_ =	sdelay $0x5  }
0xc7: {  	[tilespmem:s26], [sflag:$0x1] =	stream.indirect_vreg.gather [hbm4b:s2+s3], $0x1800, v1, vm0, $0x38;
	[tilespmem:$0x18100] =	vst v63  }
0xc8: {  	_ =	swait.ge [sflag:s31], $0xC000  }
0xc9: {  	[sflag:s31] =	ssyncset.done $0x0  }
0xca: {  	[sflag:s31] =	ssyncadd.s32 $0xFFFF4000  }
0xcb: {  	[hbm4b:s14+s3] =	stream.linear.scatter [tilespmem:s28], [sflag:$0x4], $0xC000, $0x38;
	[tilespmem:$0x18100] =	vst v63  }
0xcc: {  	_ =	swait.ge [sflag:s1], $0xC000  }
0xcd: {  	[sflag:s1] =	ssyncset.done $0x0  }
0xce: {  	[sflag:s1] =	ssyncadd.s32 $0xFFFF4000  }
0xcf: {  	v1 =	vld.msk [tilespmem:$0x88], $0xff;
	_ =	sdelay $0x4  }
0xd0: {  	v1 =	vmul.u32 $0x1800, v1;
	_ =	sdelay $0x1  }
0xd1: {  	v1 =	vperm.xlane v1, v0;
	_ =	sdelay $0x5  }
0xd2: {  	[tilespmem:s28], [sflag:$0x2] =	stream.indirect_vreg.gather [hbm4b:s2+s3], $0x1800, v1, vm0, $0x38;
	[tilespmem:$0x18100] =	vst v63  }
0xd3: {  	_ =	swait.ge [sflag:s29], $0xC000  }
0xd4: {  	[sflag:s29] =	ssyncset.done $0x0  }
0xd5: {  	[sflag:s29] =	ssyncadd.s32 $0xFFFF4000  }
0xd6: {  	[hbm4b:s15+s3] =	stream.linear.scatter [tilespmem:s26], [sflag:$0x3], $0xC000, $0x38;
	[tilespmem:$0x18100] =	vst v63  }
0xd7: {  	_ =	swait.ge [sflag:s30], $0xC000  }
0xd8: {  	[sflag:s30] =	ssyncset.done $0x0  }
0xd9: {  	[sflag:s30] =	ssyncadd.s32 $0xFFFF4000  }
0xda: {  	v1 =	vld.msk [tilespmem:$0x90], $0xff;
	_ =	sdelay $0x4  }
0xdb: {  	v1 =	vmul.u32 $0x1800, v1;
	_ =	sdelay $0x1  }
0xdc: {  	v1 =	vperm.xlane v1, v0;
	_ =	sdelay $0x5  }
0xdd: {  	[tilespmem:s26], [sflag:$0x1] =	stream.indirect_vreg.gather [hbm4b:s2+s3], $0x1800, v1, vm0, $0x38;
	[tilespmem:$0x18100] =	vst v63  }
0xde: {  	_ =	swait.ge [sflag:s31], $0xC000  }
0xdf: {  	[sflag:s31] =	ssyncset.done $0x0  }
0xe0: {  	[sflag:s31] =	ssyncadd.s32 $0xFFFF4000  }
0xe1: {  	[hbm4b:s16+s3] =	stream.linear.scatter [tilespmem:s28], [sflag:$0x4], $0xC000, $0x38;
	[tilespmem:$0x18100] =	vst v63  }
0xe2: {  	_ =	swait.ge [sflag:s1], $0xC000  }
0xe3: {  	[sflag:s1] =	ssyncset.done $0x0  }
0xe4: {  	[sflag:s1] =	ssyncadd.s32 $0xFFFF4000  }
0xe5: {  	v1 =	vld.msk [tilespmem:$0x98], $0xff;
	_ =	sdelay $0x4  }
0xe6: {  	v1 =	vmul.u32 $0x1800, v1;
	_ =	sdelay $0x1  }
0xe7: {  	v1 =	vperm.xlane v1, v0;
	_ =	sdelay $0x5  }
0xe8: {  	[tilespmem:s28], [sflag:$0x2] =	stream.indirect_vreg.gather [hbm4b:s2+s3], $0x1800, v1, vm0, $0x38;
	[tilespmem:$0x18100] =	vst v63  }
0xe9: {  	_ =	swait.ge [sflag:s29], $0xC000  }
0xea: {  	[sflag:s29] =	ssyncset.done $0x0  }
0xeb: {  	[sflag:s29] =	ssyncadd.s32 $0xFFFF4000  }
0xec: {  	[hbm4b:s17+s3] =	stream.linear.scatter [tilespmem:s26], [sflag:$0x3], $0xC000, $0x38;
	[tilespmem:$0x18100] =	vst v63  }
0xed: {  	_ =	swait.ge [sflag:s30], $0xC000  }
0xee: {  	[sflag:s30] =	ssyncset.done $0x0  }
0xef: {  	[sflag:s30] =	ssyncadd.s32 $0xFFFF4000  }
0xf0: {  	v1 =	vld.msk [tilespmem:$0xA0], $0xff;
	_ =	sdelay $0x4  }
0xf1: {  	v1 =	vmul.u32 $0x1800, v1;
	_ =	sdelay $0x1  }
0xf2: {  	v1 =	vperm.xlane v1, v0;
	_ =	sdelay $0x5  }
0xf3: {  	[tilespmem:s26], [sflag:$0x1] =	stream.indirect_vreg.gather [hbm4b:s2+s3], $0x1800, v1, vm0, $0x38;
	[tilespmem:$0x18100] =	vst v63  }
0xf4: {  	_ =	swait.ge [sflag:s31], $0xC000  }
0xf5: {  	[sflag:s31] =	ssyncset.done $0x0  }
0xf6: {  	[sflag:s31] =	ssyncadd.s32 $0xFFFF4000  }
0xf7: {  	[hbm4b:s18+s3] =	stream.linear.scatter [tilespmem:s28], [sflag:$0x4], $0xC000, $0x38;
	[tilespmem:$0x18100] =	vst v63  }
0xf8: {  	_ =	swait.ge [sflag:s1], $0xC000  }
0xf9: {  	[sflag:s1] =	ssyncset.done $0x0  }
0xfa: {  	[sflag:s1] =	ssyncadd.s32 $0xFFFF4000  }
0xfb: {  	v1 =	vld.msk [tilespmem:$0xA8], $0xff;
	_ =	sdelay $0x4  }
0xfc: {  	v1 =	vmul.u32 $0x1800, v1;
	_ =	sdelay $0x1  }
0xfd: {  	v1 =	vperm.xlane v1, v0;
	_ =	sdelay $0x5  }
0xfe: {  	[tilespmem:s28], [sflag:$0x2] =	stream.indirect_vreg.gather [hbm4b:s2+s3], $0x1800, v1, vm0, $0x38;
	[tilespmem:$0x18100] =	vst v63  }
0xff: {  	_ =	swait.ge [sflag:s29], $0xC000  }
0x100: {  	[sflag:s29] =	ssyncset.done $0x0  }
0x101: {  	[sflag:s29] =	ssyncadd.s32 $0xFFFF4000  }
0x102: {  	[hbm4b:s19+s3] =	stream.linear.scatter [tilespmem:s26], [sflag:$0x3], $0xC000, $0x38;
	[tilespmem:$0x18100] =	vst v63  }
0x103: {  	_ =	swait.ge [sflag:s30], $0xC000  }
0x104: {  	[sflag:s30] =	ssyncset.done $0x0  }
0x105: {  	[sflag:s30] =	ssyncadd.s32 $0xFFFF4000  }
0x106: {  	v1 =	vld.msk [tilespmem:$0xB0], $0xff;
	_ =	sdelay $0x4  }
0x107: {  	v1 =	vmul.u32 $0x1800, v1;
	_ =	sdelay $0x1  }
0x108: {  	v1 =	vperm.xlane v1, v0;
	_ =	sdelay $0x5  }
0x109: {  	[tilespmem:s26], [sflag:$0x1] =	stream.indirect_vreg.gather [hbm4b:s2+s3], $0x1800, v1, vm0, $0x38;
	[tilespmem:$0x18100] =	vst v63  }
0x10a: {  	_ =	swait.ge [sflag:s31], $0xC000  }
0x10b: {  	[sflag:s31] =	ssyncset.done $0x0  }
0x10c: {  	[sflag:s31] =	ssyncadd.s32 $0xFFFF4000  }
0x10d: {  	[hbm4b:s20+s3] =	stream.linear.scatter [tilespmem:s28], [sflag:$0x4], $0xC000, $0x38;
	[tilespmem:$0x18100] =	vst v63  }
0x10e: {  	_ =	swait.ge [sflag:s1], $0xC000  }
0x10f: {  	[sflag:s1] =	ssyncset.done $0x0  }
0x110: {  	[sflag:s1] =	ssyncadd.s32 $0xFFFF4000  }
0x111: {  	v1 =	vld.msk [tilespmem:$0xB8], $0xff;
	_ =	sdelay $0x4  }
0x112: {  	v1 =	vmul.u32 $0x1800, v1;
	_ =	sdelay $0x1  }
0x113: {  	v1 =	vperm.xlane v1, v0;
	_ =	sdelay $0x5  }
0x114: {  	[tilespmem:s28], [sflag:$0x2] =	stream.indirect_vreg.gather [hbm4b:s2+s3], $0x1800, v1, vm0, $0x38;
	[tilespmem:$0x18100] =	vst v63  }
0x115: {  	_ =	swait.ge [sflag:s29], $0xC000  }
0x116: {  	[sflag:s29] =	ssyncset.done $0x0  }
0x117: {  	[sflag:s29] =	ssyncadd.s32 $0xFFFF4000  }
0x118: {  	[hbm4b:s21+s3] =	stream.linear.scatter [tilespmem:s26], [sflag:$0x3], $0xC000, $0x38;
	[tilespmem:$0x18100] =	vst v63  }
0x119: {  	_ =	swait.ge [sflag:s30], $0xC000  }
0x11a: {  	[sflag:s30] =	ssyncset.done $0x0  }
0x11b: {  	[sflag:s30] =	ssyncadd.s32 $0xFFFF4000  }
0x11c: {  	v1 =	vld.msk [tilespmem:$0xC0], $0xf;
	_ =	sdelay $0x4  }
0x11d: {  	v1 =	vmul.u32 $0x1800, v1;
	_ =	sdelay $0x1  }
0x11e: {  	v1 =	vperm.xlane v1, v0;
	_ =	sdelay $0x5  }
0x11f: {  	[tilespmem:s26], [sflag:$0x1] =	stream.indirect_vreg.gather [hbm4b:s2+s3], $0x1800, v1, vm1, $0x38;
	[tilespmem:$0x18100] =	vst v63  }
0x120: {  	_ =	swait.ge [sflag:s31], $0xC000  }
0x121: {  	[sflag:s31] =	ssyncset.done $0x0  }
0x122: {  	[sflag:s31] =	ssyncadd.s32 $0xFFFF4000  }
0x123: {  	[hbm4b:s22+s3] =	stream.linear.scatter [tilespmem:s28], [sflag:$0x4], $0xC000, $0x38;
	[tilespmem:$0x18100] =	vst v63  }
0x124: {  	_ =	swait.ge [sflag:s29], $0x6000  }
0x125: {  	[sflag:s29] =	ssyncset.done $0x0  }
0x126: {  	[sflag:s29] =	ssyncadd.s32 $0xFFFFA000  }
0x127: {  	[hbm4b:s23+s3] =	stream.linear.scatter [tilespmem:s26], [sflag:$0x3], $0x6000, $0x38;
	[tilespmem:$0x18100] =	vst v63  }
0x128: {  	p0 =	sne.s32 s24, $0x1;
	_ =	swait.ge [sflag:s1], $0xC000  }
.Ltmp0:
0x129: {  	[sflag:s1] =	ssyncset.done $0x0;
	(pc) =	sbr.rel @p0 .LBB2_1-.Ltmp0, $4  }
0x12a: {  	[sflag:s1] =	ssyncadd.s32 $0xFFFF4000  }
0x12b: {  	_ =	swait.ge [sflag:s30], $0x6000  }
0x12c: {  	[sflag:s30] =	ssyncset.done $0x0  }
0x12d: {  	s24 =	sadd.s32 $0xFFFFFFFF, s24;
	[sflag:s30] =	ssyncadd.s32 $0xFFFFA000  }
0x12e: {  	_ =	sfence.sel $0x180000  }
0x12f: {  	[bflag:$0x0] =	sbarrier.arrive $0xFFFF  }
0x130: {  	_ =	strace $0x90000047  }
0x131: {  	s0 =	stileid.u32;
	[bflag:$0x2] =	sbarrier.arrive $0xFFFF  }
0x132: {  	p0 =	sne.s32 s0, $0x0;
	s0 =	rddreg [dreg:$0x3]  }
0x133: {  	s0 =	sadd.s32 @!p0 $0x100000, s0  }
0x134: {  	[sflag:s0] =	ssyncadd.tile.s32 @!p0 $0x1;
	_ =	shalt  }
.Lfunc_end2:
_tile_overlayer_lowered:
.L_overlay_start_2:
0x135: {  	(tag) =	ssettag $0x2  }
0x136: {  	s0 =	rddreg [dreg:$0x0];
	s2 =	stileid.u32  }
0x137: {  	s1 =	rddreg [dreg:$0x1];
	p0 =	sne.s32 s2, $0x0  }
0x138: {  	s3 =	rddreg [dreg:$0x2];
	[bflag:$0x3] =	sbarrier.arrive $0xFFFF;
	s2 =	simm.s32 @!p0 $0x1C05  }
0x139: {  	[timem:s3], [sflag:s2] =	dma.local @!p0 [hbm:s0], s1  }
0x13a: {  	s0 =	simm.s32 @!p0 $0x5  }
0x13b: {  	_ =	swait.ge @!p0 [sflag:s0], s1  }
0x13c: {  	s1 =	ssub.s32 @!p0 $0x0, s1;
	[sflag:s0] =	ssyncset.done @!p0 $0x0  }
0x13d: {  	[sflag:s0] =	ssyncadd.s32 @!p0 s1  }
0x13e: {  	[bflag:$0x3] =	sbarrier.arrive $0xFFFF  }
0x13f: {  	_ =	shalt  }

</sc_bundles>
